<compile_context>
chip_gen: v7x
topology: tpu7x:2x2x1
jax: 0.10.2.dev20260603
libtpu: 0.0.44.dev20260713+nightly
codegen_flags: <defaults>
</compile_context>

<pallas_src>
import dataclasses

import jax
import jax.numpy as jnp
from jax import lax
from jax.experimental import pallas as pl
from jax.experimental.pallas import tpu as pltpu
from jax.experimental.pallas import tpu_sc as plsc

_NC = 2
_NS = 16
_EB = 80
_HR = 8
_HC = 2048


def _segment_sum_sc(x, src, dst, with_cnt):
    n, d = x.shape
    e = src.shape[0]
    nw = _NC * _NS
    epw = e // nw
    steps = epw // _EB
    assert epw * nw == e and steps * _EB == epw and n % 8 == 0 and n % _NS == 0

    assert n % 80 == 0

    mesh = plsc.VectorSubcoreMesh(core_axis_name="c", subcore_axis_name="s")
    out_type = [jax.ShapeDtypeStruct((_NC, n, d), jnp.float32)]
    scratch = [
        pltpu.VMEM((1, _EB), jnp.int32),
        pltpu.VMEM((1, _EB), jnp.int32),
        pltpu.VMEM((_EB, d), jnp.float32),
        pltpu.VMEM((80, d), jnp.float32),
        pltpu.VMEM_SHARED((n, d), jnp.float32),
        pltpu.VMEM((1, _EB), jnp.int32),
        pltpu.VMEM((1, _EB), jnp.int32),
        pltpu.SemaphoreType.DMA,
        pltpu.SemaphoreType.DMA,
        pltpu.SemaphoreType.DMA,
        pltpu.SemaphoreType.DMA,
    ]
    if with_cnt:
        assert n <= _HR * _HC
        out_type.append(
            jax.ShapeDtypeStruct((nw * _HR, _HC), jnp.float32))
        scratch.append(pltpu.VMEM((_HR, _HC), jnp.float32))

    def body(x_hbm, src_hbm, dst_hbm, *refs):
        if with_cnt:
            (acc_out, cnt_out, src_v, dst_v, rows_v, zero_v, acc_s,
             src2_v, dst2_v, sas, sad, sbs, sbd, hist_v) = refs
        else:
            (acc_out, src_v, dst_v, rows_v, zero_v, acc_s,
             src2_v, dst2_v, sas, sad, sbs, sbd) = refs
        c = lax.axis_index("c")
        s = lax.axis_index("s")

        @pl.loop(0, 80)
        def _(i):
            for j in range(d // 16):
                zero_v.at[i, pl.ds(j * 16, 16)][...] = jnp.zeros((16,), jnp.float32)
        if with_cnt:
            for i in range(_HR):
                @pl.loop(0, _HC // 16)
                def _(j, i=i):
                    hist_v.at[i, pl.ds(j * 16, 16)][...] = (
                        jnp.zeros((16,), jnp.float32))

        @pl.loop(s, n // 80, step=_NS)
        def _(ch):
            pltpu.sync_copy(zero_v, acc_s.at[pl.ds(ch * 80, 80)])

        base0 = (c * _NS + s) * epw

        def idx_fetch(sv, dv, ss, sd, u):
            pltpu.async_copy(src_hbm.at[pl.ds(base0 + u * _EB, _EB)],
                             sv.at[0], ss)
            pltpu.async_copy(dst_hbm.at[pl.ds(base0 + u * _EB, _EB)],
                             dv.at[0], sd)

        def idx_wait(sv, dv, ss, sd, u):
            pltpu.make_async_copy(src_hbm.at[pl.ds(base0 + u * _EB, _EB)],
                                  sv.at[0], ss).wait()
            pltpu.make_async_copy(dst_hbm.at[pl.ds(base0 + u * _EB, _EB)],
                                  dv.at[0], sd).wait()

        def do_block(sv, dv):
            pltpu.sync_copy(x_hbm.at[sv.at[0]], rows_v)
            pltpu.sync_copy(rows_v, acc_s.at[dv.at[0]], add=True)
            if with_cnt:
                ones16 = jnp.ones((16,), jnp.float32)
                for k in range(_EB // 16):
                    idx = dv.at[0, pl.ds(k * 16, 16)][...]
                    plsc.addupdate_scatter(
                        hist_v,
                        [lax.shift_right_logical(idx, 11),
                         lax.bitwise_and(idx, _HC - 1)],
                        ones16)

        bufa = (src_v, dst_v, sas, sad)
        bufb = (src2_v, dst2_v, sbs, sbd)
        idx_fetch(*bufa, 0)
        plsc.subcore_barrier()

        assert steps % 2 == 1

        @pl.loop(0, steps - 1, step=2)
        def _(t):
            idx_wait(*bufa, t)
            idx_fetch(*bufb, t + 1)
            do_block(src_v, dst_v)
            idx_wait(*bufb, t + 1)
            idx_fetch(*bufa, t + 2)
            do_block(src2_v, dst2_v)

        idx_wait(*bufa, steps - 1)
        do_block(src_v, dst_v)

        plsc.subcore_barrier()

        @pl.loop(s, n // 80, step=_NS)
        def _(ch):
            r0 = ch * 80
            pltpu.sync_copy(acc_s.at[pl.ds(r0, 80)],
                            acc_out.at[c].at[pl.ds(r0, 80)])
        if with_cnt:
            w = c * _NS + s
            pltpu.sync_copy(hist_v, cnt_out.at[pl.ds(w * _HR, _HR)])

    cp = pltpu.CompilerParams()
    if "needs_layout_passes" in pltpu.CompilerParams.__dataclass_fields__:
        cp = dataclasses.replace(cp, needs_layout_passes=False)
    res = pl.kernel(body, out_type=out_type, mesh=mesh,
                    scratch_types=scratch, compiler_params=cp)(x, src, dst)
    return res if isinstance(res, (list, tuple)) else (res,)


def _sage_dense(x, aggp, cntp, Wl, bl, Wr, br, blk):
    n, d = x.shape
    h = Wl.shape[1]

    nw = cntp.shape[1]

    def body(x_ref, agg_ref, cnt_ref, wl_ref, bl_ref, wr_ref, br_ref, o_ref):
        cnt = jnp.sum(cnt_ref[...], axis=1, keepdims=True)
        z = (agg_ref[0] + agg_ref[1]) / jnp.maximum(cnt, 1.0)
        z1 = (jnp.dot(x_ref[...], wl_ref[...], preferred_element_type=jnp.float32)
              + bl_ref[...]
              + jnp.dot(z, wr_ref[...], preferred_element_type=jnp.float32)
              + br_ref[...])
        nrm = jnp.sqrt(jnp.sum(z1 * z1, axis=1, keepdims=True))
        o_ref[...] = jnp.maximum(z1 / jnp.maximum(nrm, 1e-12), 0.0)

    return pl.pallas_call(
        body,
        grid=(n // blk,),
        in_specs=[
            pl.BlockSpec((blk, d), lambda i: (i, 0)),
            pl.BlockSpec((_NC, blk, d), lambda i: (0, i, 0)),
            pl.BlockSpec((blk, nw), lambda i: (i, 0)),
            pl.BlockSpec((d, h), lambda i: (0, 0)),
            pl.BlockSpec((1, h), lambda i: (0, 0)),
            pl.BlockSpec((d, h), lambda i: (0, 0)),
            pl.BlockSpec((1, h), lambda i: (0, 0)),
        ],
        out_specs=pl.BlockSpec((blk, h), lambda i: (i, 0)),
        out_shape=jax.ShapeDtypeStruct((n, h), jnp.float32),
    )(x, aggp, cntp, Wl, bl.reshape(1, -1), Wr, br.reshape(1, -1))


def _sage_dense_post(x, aggp, cntp, Wl, bl, Wr, br, Wp1, bp1, Wp2, bp2, blk):
    n, d = x.shape
    h = Wl.shape[1]
    out = Wp2.shape[1]

    nw = cntp.shape[1]

    def body(x_ref, agg_ref, cnt_ref, wl_ref, bl_ref, wr_ref, br_ref,
             wp1_ref, bp1_ref, wp2_ref, bp2_ref, o_ref):
        cnt = jnp.sum(cnt_ref[...], axis=1, keepdims=True)
        z = (agg_ref[0] + agg_ref[1]) / jnp.maximum(cnt, 1.0)
        z1 = (jnp.dot(x_ref[...], wl_ref[...], preferred_element_type=jnp.float32)
              + bl_ref[...]
              + jnp.dot(z, wr_ref[...], preferred_element_type=jnp.float32)
              + br_ref[...])
        nrm = jnp.sqrt(jnp.sum(z1 * z1, axis=1, keepdims=True))
        x2 = jnp.maximum(z1 / jnp.maximum(nrm, 1e-12), 0.0)
        y = (jnp.dot(x2, wp1_ref[...], preferred_element_type=jnp.float32)
             + bp1_ref[...])
        o_ref[...] = (jnp.dot(y, wp2_ref[...], preferred_element_type=jnp.float32)
                      + bp2_ref[...])

    return pl.pallas_call(
        body,
        grid=(n // blk,),
        in_specs=[
            pl.BlockSpec((blk, d), lambda i: (i, 0)),
            pl.BlockSpec((_NC, blk, d), lambda i: (0, i, 0)),
            pl.BlockSpec((blk, nw), lambda i: (i, 0)),
            pl.BlockSpec((d, h), lambda i: (0, 0)),
            pl.BlockSpec((1, h), lambda i: (0, 0)),
            pl.BlockSpec((d, h), lambda i: (0, 0)),
            pl.BlockSpec((1, h), lambda i: (0, 0)),
            pl.BlockSpec((h, h), lambda i: (0, 0)),
            pl.BlockSpec((1, h), lambda i: (0, 0)),
            pl.BlockSpec((h, out), lambda i: (0, 0)),
            pl.BlockSpec((1, out), lambda i: (0, 0)),
        ],
        out_specs=pl.BlockSpec((blk, out), lambda i: (i, 0)),
        out_shape=jax.ShapeDtypeStruct((n, out), jnp.float32),
    )(x, aggp, cntp, Wl, bl.reshape(1, -1), Wr, br.reshape(1, -1),
      Wp1, bp1.reshape(1, -1), Wp2, bp2.reshape(1, -1))


def kernel(data, edge_index, W_l0, b_l0, W_r0, b_r0, W_l1, b_l1, W_r1, b_r1,
           W_p1, b_p1, W_p2, b_p2):
    src = edge_index[0]
    dst = edge_index[1]

    n = data.shape[0]
    agg0, cnt_raw = _segment_sum_sc(data, src, dst, with_cnt=True)
    cnt = cnt_raw.reshape(_NC * _NS, _HR * _HC)[:, :n].T
    x1 = _sage_dense(data, agg0, cnt, W_l0, b_l0, W_r0, b_r0, blk=2000)
    (agg1,) = _segment_sum_sc(x1, src, dst, with_cnt=False)
    return _sage_dense_post(x1, agg1, cnt, W_l1, b_l1, W_r1, b_r1,
                            W_p1, b_p1, W_p2, b_p2, blk=2000)

# --- scband reference (transcript-rebuilt; emitter-appended) ---
"""Pipeline reference for scband-gnnstack-59785944760753 (READ-ONLY COPY).

The authoritative reference and input builder live on the scoring server;
editing this copy changes nothing except your own understanding.
"""

import jax, jax.numpy as jnp
import numpy as np

N = 10000
E = 320000
D = 128
H = 128
OUT = 128


def _init_linear(key, fan_in, fan_out):
    k1, k2 = jax.random.split(key)
    lim = 1.0 / np.sqrt(fan_in)
    W = jax.random.uniform(k1, (fan_in, fan_out), jnp.float32, -lim, lim)
    b = jax.random.uniform(k2, (fan_out,), jnp.float32, -lim, lim)
    return W, b


def setup_inputs(seed: int = 0):
    key = jax.random.key(seed)
    ks = jax.random.split(key, 10)
    inp = {}
    inp['data'] = jax.random.normal(ks[0], (N, D), dtype=jnp.float32)
    inp['edge_index'] = jax.random.randint(ks[1], (2, E), 0, N, dtype=jnp.int32)
    inp['W_l0'], inp['b_l0'] = _init_linear(ks[2], D, H)
    inp['W_r0'], inp['b_r0'] = _init_linear(ks[3], D, H)
    inp['W_l1'], inp['b_l1'] = _init_linear(ks[4], H, H)
    inp['W_r1'], inp['b_r1'] = _init_linear(ks[5], H, H)
    inp['W_p1'], inp['b_p1'] = _init_linear(ks[6], H, H)
    inp['W_p2'], inp['b_p2'] = _init_linear(ks[7], H, OUT)
    return inp


def _sage_layer(x, Wl, bl, Wr, br, src, dst):
    n = x.shape[0]
    # message: x_j = x[src]; aggregate: scatter-mean onto dst
    agg = jax.ops.segment_sum(x[src], dst, num_segments=n)
    cnt = jax.ops.segment_sum(jnp.ones((src.shape[0],), jnp.float32), dst, num_segments=n)
    z = agg / jnp.maximum(cnt, 1.0)[:, None]
    z1 = x @ Wl + bl + z @ Wr + br
    # F.normalize(p=2, dim=1)
    nrm = jnp.sqrt(jnp.sum(z1 * z1, axis=1, keepdims=True))
    return z1 / jnp.maximum(nrm, 1e-12)


def reference(data, edge_index, W_l0, b_l0, W_r0, b_r0, W_l1, b_l1, W_r1, b_r1, W_p1, b_p1, W_p2, b_p2):
    src = edge_index[0]
    dst = edge_index[1]
    x = data
    # layer 0
    x = _sage_layer(x, W_l0, b_l0, W_r0, b_r0, src, dst)
    x = jax.nn.relu(x)
    # dropout p=0.0 -> identity
    # layer 1
    x = _sage_layer(x, W_l1, b_l1, W_r1, b_r1, src, dst)
    x = jax.nn.relu(x)
    # post_mp: Linear -> Dropout(0.0) -> Linear
    x = x @ W_p1 + b_p1
    x = x @ W_p2 + b_p2
    # emb=True -> return embeddings directly
    return x

if __name__ == "__main__":
    import jax
    _d = setup_inputs()
    print(jax.jit(kernel)(*tuple(_d.values())))

</pallas_src>

<mosaic_0001>
#map = affine_map<(d0, d1) -> (0, 0)>
#map1 = affine_map<(d0, d1) -> (0)>
#map2 = affine_map<(d0, d1) -> (0, 0, 0)>
module attributes {stable_mosaic.version = 14 : i64} {
  func.func @body(%arg0: i32, %arg1: i32, %arg2: memref<10000x128xf32, #tpu.memory_space<hbm>>, %arg3: memref<320000xi32, #tpu.memory_space<hbm>>, %arg4: memref<320000xi32, #tpu.memory_space<hbm>>, %arg5: memref<2x10000x128xf32, #tpu.memory_space<hbm>>, %arg6: memref<1x80xi32, #tpu.memory_space<vmem>>, %arg7: memref<1x80xi32, #tpu.memory_space<vmem>>, %arg8: memref<80x128xf32, #tpu.memory_space<vmem>>, %arg9: memref<80x128xf32, #tpu.memory_space<vmem>>, %arg10: memref<10000x128xf32, #tpu.memory_space<vmem_shared>>, %arg11: memref<1x80xi32, #tpu.memory_space<vmem>>, %arg12: memref<1x80xi32, #tpu.memory_space<vmem>>, %arg13: memref<!tpu.dma_semaphore, #tpu.memory_space<semaphore_mem>>, %arg14: memref<!tpu.dma_semaphore, #tpu.memory_space<semaphore_mem>>, %arg15: memref<!tpu.dma_semaphore, #tpu.memory_space<semaphore_mem>>, %arg16: memref<!tpu.dma_semaphore, #tpu.memory_space<semaphore_mem>>) attributes {dimension_semantics = [#tpu.dimension_semantics<core_parallel>, #tpu.dimension_semantics<subcore_parallel>], iteration_bounds = array<i64: 2, 16>, scalar_prefetch = 0 : i64, scratch_operands = 11 : i64, tpu.core_type = #tpu.core_type<sc_vector_subcore>, window_params = [{transform_indices = #map}, {transform_indices = #map1}, {transform_indices = #map1}, {transform_indices = #map2}]} {
    %scan3A = arith.constant 0 : i32
    %scan3A_0 = arith.constant 80 : i32
    %scan3A_1 = arith.addi %scan3A, %scan3A_0 : i32
    %scan3A_2 = arith.constant 1 : i32
    scf.for %scan3A_89 = %scan3A to %scan3A_1 step %scan3A_2  : i32 {
      %mul3A_90 = arith.constant 1 : i32
      %mul3A_91 = arith.muli %scan3A_89, %mul3A_90 : i32
      %add3A_92 = arith.constant 0 : i32
      %add3A_93 = arith.addi %add3A_92, %mul3A_91 : i32
      %broadcast_in_dim3A = arith.constant 0.000000e+00 : f32
      %broadcast_in_dim3A_94 = vector.broadcast %broadcast_in_dim3A : f32 to vector<16xf32>
      %swap3A = arith.index_cast %add3A_93 : i32 to index
      %swap3A_95 = arith.constant 0 : index
      %swap3A_96 = tpu.vector_load %arg9[%swap3A, %swap3A_95] {strides = array<i32>} : memref<80x128xf32, #tpu.memory_space<vmem>>, vector<16xf32>,
      tpu.vector_store %arg9[%swap3A, %swap3A_95], %broadcast_in_dim3A_94 {strides = array<i32>} : memref<80x128xf32, #tpu.memory_space<vmem>>, vector<16xf32>,
      %broadcast_in_dim3A_97 = arith.constant 0.000000e+00 : f32
      %broadcast_in_dim3A_98 = vector.broadcast %broadcast_in_dim3A_97 : f32 to vector<16xf32>
      %swap3A_99 = arith.index_cast %add3A_93 : i32 to index
      %swap3A_100 = arith.constant 16 : index
      %swap3A_101 = tpu.vector_load %arg9[%swap3A_99, %swap3A_100] {strides = array<i32>} : memref<80x128xf32, #tpu.memory_space<vmem>>, vector<16xf32>,
      tpu.vector_store %arg9[%swap3A_99, %swap3A_100], %broadcast_in_dim3A_98 {strides = array<i32>} : memref<80x128xf32, #tpu.memory_space<vmem>>, vector<16xf32>,
      %broadcast_in_dim3A_102 = arith.constant 0.000000e+00 : f32
      %broadcast_in_dim3A_103 = vector.broadcast %broadcast_in_dim3A_102 : f32 to vector<16xf32>
      %swap3A_104 = arith.index_cast %add3A_93 : i32 to index
      %swap3A_105 = arith.constant 32 : index
      %swap3A_106 = tpu.vector_load %arg9[%swap3A_104, %swap3A_105] {strides = array<i32>} : memref<80x128xf32, #tpu.memory_space<vmem>>, vector<16xf32>,
      tpu.vector_store %arg9[%swap3A_104, %swap3A_105], %broadcast_in_dim3A_103 {strides = array<i32>} : memref<80x128xf32, #tpu.memory_space<vmem>>, vector<16xf32>,
      %broadcast_in_dim3A_107 = arith.constant 0.000000e+00 : f32
      %broadcast_in_dim3A_108 = vector.broadcast %broadcast_in_dim3A_107 : f32 to vector<16xf32>
      %swap3A_109 = arith.index_cast %add3A_93 : i32 to index
      %swap3A_110 = arith.constant 48 : index
      %swap3A_111 = tpu.vector_load %arg9[%swap3A_109, %swap3A_110] {strides = array<i32>} : memref<80x128xf32, #tpu.memory_space<vmem>>, vector<16xf32>,
      tpu.vector_store %arg9[%swap3A_109, %swap3A_110], %broadcast_in_dim3A_108 {strides = array<i32>} : memref<80x128xf32, #tpu.memory_space<vmem>>, vector<16xf32>,
      %broadcast_in_dim3A_112 = arith.constant 0.000000e+00 : f32
      %broadcast_in_dim3A_113 = vector.broadcast %broadcast_in_dim3A_112 : f32 to vector<16xf32>
      %swap3A_114 = arith.index_cast %add3A_93 : i32 to index
      %swap3A_115 = arith.constant 64 : index
      %swap3A_116 = tpu.vector_load %arg9[%swap3A_114, %swap3A_115] {strides = array<i32>} : memref<80x128xf32, #tpu.memory_space<vmem>>, vector<16xf32>,
      tpu.vector_store %arg9[%swap3A_114, %swap3A_115], %broadcast_in_dim3A_113 {strides = array<i32>} : memref<80x128xf32, #tpu.memory_space<vmem>>, vector<16xf32>,
      %broadcast_in_dim3A_117 = arith.constant 0.000000e+00 : f32
      %broadcast_in_dim3A_118 = vector.broadcast %broadcast_in_dim3A_117 : f32 to vector<16xf32>
      %swap3A_119 = arith.index_cast %add3A_93 : i32 to index
      %swap3A_120 = arith.constant 80 : index
      %swap3A_121 = tpu.vector_load %arg9[%swap3A_119, %swap3A_120] {strides = array<i32>} : memref<80x128xf32, #tpu.memory_space<vmem>>, vector<16xf32>,
      tpu.vector_store %arg9[%swap3A_119, %swap3A_120], %broadcast_in_dim3A_118 {strides = array<i32>} : memref<80x128xf32, #tpu.memory_space<vmem>>, vector<16xf32>,
      %broadcast_in_dim3A_122 = arith.constant 0.000000e+00 : f32
      %broadcast_in_dim3A_123 = vector.broadcast %broadcast_in_dim3A_122 : f32 to vector<16xf32>
      %swap3A_124 = arith.index_cast %add3A_93 : i32 to index
      %swap3A_125 = arith.constant 96 : index
      %swap3A_126 = tpu.vector_load %arg9[%swap3A_124, %swap3A_125] {strides = array<i32>} : memref<80x128xf32, #tpu.memory_space<vmem>>, vector<16xf32>,
      tpu.vector_store %arg9[%swap3A_124, %swap3A_125], %broadcast_in_dim3A_123 {strides = array<i32>} : memref<80x128xf32, #tpu.memory_space<vmem>>, vector<16xf32>,
      %broadcast_in_dim3A_127 = arith.constant 0.000000e+00 : f32
      %broadcast_in_dim3A_128 = vector.broadcast %broadcast_in_dim3A_127 : f32 to vector<16xf32>
      %swap3A_129 = arith.index_cast %add3A_93 : i32 to index
      %swap3A_130 = arith.constant 112 : index
      %swap3A_131 = tpu.vector_load %arg9[%swap3A_129, %swap3A_130] {strides = array<i32>} : memref<80x128xf32, #tpu.memory_space<vmem>>, vector<16xf32>,
      tpu.vector_store %arg9[%swap3A_129, %swap3A_130], %broadcast_in_dim3A_128 {strides = array<i32>} : memref<80x128xf32, #tpu.memory_space<vmem>>, vector<16xf32>,
    }
    %scan3A_3 = arith.constant 80 : i32
    %sub3A = arith.constant 125 : i32
    %sub3A_4 = arith.subi %sub3A, %arg1 : i32
    %sub3A_5 = arith.constant 16 : i32
    %sub3A_6 = arith.constant 1 : i32
    %sub3A_7 = arith.subi %sub3A_5, %sub3A_6 : i32
    %add3A = arith.addi %sub3A_4, %sub3A_7 : i32
    %div3A = arith.constant 16 : i32
    %div3A_8 = arith.divsi %add3A, %div3A : i32
    %while3A = arith.constant 16 : i32
    %while3A_9 = arith.constant 0 : i32
    %while3A_10 = arith.subi %div3A_8, %while3A_9 : i32
    %while3A_11 = arith.addi %while3A_9, %while3A_10 : i32
    %while3A_12 = arith.constant 1 : i32
    %while3A_13 = arith.divsi %while3A_10, %while3A_12 : i32
    %while3A_14 = arith.muli %while3A_13, %while3A_12 : i32
    %while3A_15 = arith.addi %while3A_9, %while3A_14 : i32
    %while3A_16 = arith.constant 1 : i32
    scf.for %while3A_89 = %while3A_9 to %while3A_15 step %while3A_16  : i32 {
      %mul3A_90 = arith.muli %while3A_89, %while3A : i32
      %add3A_91 = arith.addi %arg1, %mul3A_90 : i32
      %mul3A_92 = arith.constant 80 : i32
      %mul3A_93 = arith.muli %add3A_91, %mul3A_92 : i32
      "tpu.region"() ({
        %run_scoped3A_94 = tpu.sem_alloc : memref<!tpu.dma_semaphore, #tpu.memory_space<semaphore_mem>>
        %dma_start3A_95 = arith.constant 0 : i32
        %dma_start3A_96 = tpu.memref_slice %arg10[%mul3A_93, %dma_start3A_95] : memref<10000x128xf32, #tpu.memory_space<vmem_shared>> -> memref<80x128xf32, #tpu.memory_space<vmem_shared>>
        %dma_start3A_97 = arith.constant 0 : i32
        %dma_start3A_98 = tpu.memref_slice %arg10[%mul3A_93, %dma_start3A_97] : memref<10000x128xf32, #tpu.memory_space<vmem_shared>> -> memref<80x128xf32, #tpu.memory_space<vmem_shared>>
        tpu.enqueue_dma source(%arg9 : memref<80x128xf32, #tpu.memory_space<vmem>>) target(%dma_start3A_98 : memref<80x128xf32, #tpu.memory_space<vmem_shared>>) target_semaphore(%run_scoped3A_94 : memref<!tpu.dma_semaphore, #tpu.memory_space<semaphore_mem>>)
        %dma_wait3A_99 = arith.constant 0 : i32
        %dma_wait3A_100 = tpu.memref_slice %arg10[%mul3A_93, %dma_wait3A_99] : memref<10000x128xf32, #tpu.memory_space<vmem_shared>> -> memref<80x128xf32, #tpu.memory_space<vmem_shared>>
        %dma_wait3A_101 = arith.constant 0 : i32
        %dma_wait3A_102 = tpu.memref_slice %arg10[%mul3A_93, %dma_wait3A_101] : memref<10000x128xf32, #tpu.memory_space<vmem_shared>> -> memref<80x128xf32, #tpu.memory_space<vmem_shared>>
        tpu.wait_dma2 semaphore(%run_scoped3A_94 : memref<!tpu.dma_semaphore, #tpu.memory_space<semaphore_mem>>) src(%arg9 : memref<80x128xf32, #tpu.memory_space<vmem>>) dst(%dma_wait3A_102 : memref<80x128xf32, #tpu.memory_space<vmem_shared>>)
        tpu.yield
      }) : () -> ()
    }
    %while3A_17 = arith.constant 1 : i32
    scf.for %while3A_89 = %while3A_15 to %while3A_11 step %while3A_17  : i32 {
      %mul3A_90 = arith.muli %while3A_89, %while3A : i32
      %add3A_91 = arith.addi %arg1, %mul3A_90 : i32
      %mul3A_92 = arith.constant 80 : i32
      %mul3A_93 = arith.muli %add3A_91, %mul3A_92 : i32
      "tpu.region"() ({
        %run_scoped3A_94 = tpu.sem_alloc : memref<!tpu.dma_semaphore, #tpu.memory_space<semaphore_mem>>
        %dma_start3A_95 = arith.constant 0 : i32
        %dma_start3A_96 = tpu.memref_slice %arg10[%mul3A_93, %dma_start3A_95] : memref<10000x128xf32, #tpu.memory_space<vmem_shared>> -> memref<80x128xf32, #tpu.memory_space<vmem_shared>>
        %dma_start3A_97 = arith.constant 0 : i32
        %dma_start3A_98 = tpu.memref_slice %arg10[%mul3A_93, %dma_start3A_97] : memref<10000x128xf32, #tpu.memory_space<vmem_shared>> -> memref<80x128xf32, #tpu.memory_space<vmem_shared>>
        tpu.enqueue_dma source(%arg9 : memref<80x128xf32, #tpu.memory_space<vmem>>) target(%dma_start3A_98 : memref<80x128xf32, #tpu.memory_space<vmem_shared>>) target_semaphore(%run_scoped3A_94 : memref<!tpu.dma_semaphore, #tpu.memory_space<semaphore_mem>>)
        %dma_wait3A_99 = arith.constant 0 : i32
        %dma_wait3A_100 = tpu.memref_slice %arg10[%mul3A_93, %dma_wait3A_99] : memref<10000x128xf32, #tpu.memory_space<vmem_shared>> -> memref<80x128xf32, #tpu.memory_space<vmem_shared>>
        %dma_wait3A_101 = arith.constant 0 : i32
        %dma_wait3A_102 = tpu.memref_slice %arg10[%mul3A_93, %dma_wait3A_101] : memref<10000x128xf32, #tpu.memory_space<vmem_shared>> -> memref<80x128xf32, #tpu.memory_space<vmem_shared>>
        tpu.wait_dma2 semaphore(%run_scoped3A_94 : memref<!tpu.dma_semaphore, #tpu.memory_space<semaphore_mem>>) src(%arg9 : memref<80x128xf32, #tpu.memory_space<vmem>>) dst(%dma_wait3A_102 : memref<80x128xf32, #tpu.memory_space<vmem_shared>>)
        tpu.yield
      }) : () -> ()
    }
    %mul3A = arith.constant 16 : i32
    %mul3A_18 = arith.muli %arg0, %mul3A : i32
    %add3A_19 = arith.addi %mul3A_18, %arg1 : i32
    %mul3A_20 = arith.constant 10000 : i32
    %mul3A_21 = arith.muli %add3A_19, %mul3A_20 : i32
    %add3A_22 = arith.constant 0 : i32
    %add3A_23 = arith.addi %mul3A_21, %add3A_22 : i32
    %dma_start3A = arith.constant 0 : i32
    %dma_start3A_24 = arith.constant 0 : i32
    %dma_start3A_25 = tpu.memref_slice %arg6[%dma_start3A, %dma_start3A_24] : memref<1x80xi32, #tpu.memory_space<vmem>> -> memref<1x80xi32, #tpu.memory_space<vmem>>
    %dma_start3A_26 = tpu.memref_squeeze %dma_start3A_25 : memref<1x80xi32, #tpu.memory_space<vmem>> -> memref<80xi32, #tpu.memory_space<vmem>>
    %dma_start3A_27 = tpu.memref_slice %arg3[%add3A_23] : memref<320000xi32, #tpu.memory_space<hbm>> -> memref<80xi32, #tpu.memory_space<hbm>>
    %dma_start3A_28 = arith.constant 0 : i32
    %dma_start3A_29 = tpu.memref_slice %arg6[%dma_start3A, %dma_start3A_28] : memref<1x80xi32, #tpu.memory_space<vmem>> -> memref<1x80xi32, #tpu.memory_space<vmem>>
    %dma_start3A_30 = tpu.memref_squeeze %dma_start3A_29 : memref<1x80xi32, #tpu.memory_space<vmem>> -> memref<80xi32, #tpu.memory_space<vmem>>
    %dma_start3A_31 = tpu.memref_slice %arg3[%add3A_23] : memref<320000xi32, #tpu.memory_space<hbm>> -> memref<80xi32, #tpu.memory_space<hbm>>
    tpu.enqueue_dma source(%dma_start3A_31 : memref<80xi32, #tpu.memory_space<hbm>>) target(%dma_start3A_30 : memref<80xi32, #tpu.memory_space<vmem>>) target_semaphore(%arg13 : memref<!tpu.dma_semaphore, #tpu.memory_space<semaphore_mem>>)
    %add3A_32 = arith.constant 0 : i32
    %add3A_33 = arith.addi %mul3A_21, %add3A_32 : i32
    %dma_start3A_34 = arith.constant 0 : i32
    %dma_start3A_35 = arith.constant 0 : i32
    %dma_start3A_36 = tpu.memref_slice %arg7[%dma_start3A_34, %dma_start3A_35] : memref<1x80xi32, #tpu.memory_space<vmem>> -> memref<1x80xi32, #tpu.memory_space<vmem>>
    %dma_start3A_37 = tpu.memref_squeeze %dma_start3A_36 : memref<1x80xi32, #tpu.memory_space<vmem>> -> memref<80xi32, #tpu.memory_space<vmem>>
    %dma_start3A_38 = tpu.memref_slice %arg4[%add3A_33] : memref<320000xi32, #tpu.memory_space<hbm>> -> memref<80xi32, #tpu.memory_space<hbm>>
    %dma_start3A_39 = arith.constant 0 : i32
    %dma_start3A_40 = tpu.memref_slice %arg7[%dma_start3A_34, %dma_start3A_39] : memref<1x80xi32, #tpu.memory_space<vmem>> -> memref<1x80xi32, #tpu.memory_space<vmem>>
    %dma_start3A_41 = tpu.memref_squeeze %dma_start3A_40 : memref<1x80xi32, #tpu.memory_space<vmem>> -> memref<80xi32, #tpu.memory_space<vmem>>
    %dma_start3A_42 = tpu.memref_slice %arg4[%add3A_33] : memref<320000xi32, #tpu.memory_space<hbm>> -> memref<80xi32, #tpu.memory_space<hbm>>
    tpu.enqueue_dma source(%dma_start3A_42 : memref<80xi32, #tpu.memory_space<hbm>>) target(%dma_start3A_41 : memref<80xi32, #tpu.memory_space<vmem>>) target_semaphore(%arg14 : memref<!tpu.dma_semaphore, #tpu.memory_space<semaphore_mem>>)
    %barrier3A = arith.constant 0 : index
    tpu.barrier barrier_id(%barrier3A)
    %scan3A_43 = arith.constant 0 : i32
    %scan3A_44 = arith.constant 62 : i32
    %scan3A_45 = arith.addi %scan3A_43, %scan3A_44 : i32
    %scan3A_46 = arith.constant 1 : i32
    scf.for %scan3A_89 = %scan3A_43 to %scan3A_45 step %scan3A_46  : i32 {
      %mul3A_90 = arith.constant 2 : i32
      %mul3A_91 = arith.muli %scan3A_89, %mul3A_90 : i32
      %add3A_92 = arith.constant 0 : i32
      %add3A_93 = arith.addi %add3A_92, %mul3A_91 : i32
      %mul3A_94 = arith.constant 80 : i32
      %mul3A_95 = arith.muli %add3A_93, %mul3A_94 : i32
      %add3A_96 = arith.addi %mul3A_21, %mul3A_95 : i32
      %dma_wait3A_97 = arith.constant 0 : i32
      %dma_wait3A_98 = arith.constant 0 : i32
      %dma_wait3A_99 = tpu.memref_slice %arg6[%dma_wait3A_97, %dma_wait3A_98] : memref<1x80xi32, #tpu.memory_space<vmem>> -> memref<1x80xi32, #tpu.memory_space<vmem>>
      %dma_wait3A_100 = tpu.memref_squeeze %dma_wait3A_99 : memref<1x80xi32, #tpu.memory_space<vmem>> -> memref<80xi32, #tpu.memory_space<vmem>>
      %dma_wait3A_101 = tpu.memref_slice %arg3[%add3A_96] : memref<320000xi32, #tpu.memory_space<hbm>> -> memref<80xi32, #tpu.memory_space<hbm>>
      %dma_wait3A_102 = arith.constant 0 : i32
      %dma_wait3A_103 = tpu.memref_slice %arg6[%dma_wait3A_97, %dma_wait3A_102] : memref<1x80xi32, #tpu.memory_space<vmem>> -> memref<1x80xi32, #tpu.memory_space<vmem>>
      %dma_wait3A_104 = tpu.memref_squeeze %dma_wait3A_103 : memref<1x80xi32, #tpu.memory_space<vmem>> -> memref<80xi32, #tpu.memory_space<vmem>>
      %dma_wait3A_105 = tpu.memref_slice %arg3[%add3A_96] : memref<320000xi32, #tpu.memory_space<hbm>> -> memref<80xi32, #tpu.memory_space<hbm>>
      tpu.wait_dma2 semaphore(%arg13 : memref<!tpu.dma_semaphore, #tpu.memory_space<semaphore_mem>>) src(%dma_wait3A_105 : memref<80xi32, #tpu.memory_space<hbm>>) dst(%dma_wait3A_104 : memref<80xi32, #tpu.memory_space<vmem>>)
      %mul3A_106 = arith.constant 80 : i32
      %mul3A_107 = arith.muli %add3A_93, %mul3A_106 : i32
      %add3A_108 = arith.addi %mul3A_21, %mul3A_107 : i32
      %dma_wait3A_109 = arith.constant 0 : i32
      %dma_wait3A_110 = arith.constant 0 : i32
      %dma_wait3A_111 = tpu.memref_slice %arg7[%dma_wait3A_109, %dma_wait3A_110] : memref<1x80xi32, #tpu.memory_space<vmem>> -> memref<1x80xi32, #tpu.memory_space<vmem>>
      %dma_wait3A_112 = tpu.memref_squeeze %dma_wait3A_111 : memref<1x80xi32, #tpu.memory_space<vmem>> -> memref<80xi32, #tpu.memory_space<vmem>>
      %dma_wait3A_113 = tpu.memref_slice %arg4[%add3A_108] : memref<320000xi32, #tpu.memory_space<hbm>> -> memref<80xi32, #tpu.memory_space<hbm>>
      %dma_wait3A_114 = arith.constant 0 : i32
      %dma_wait3A_115 = tpu.memref_slice %arg7[%dma_wait3A_109, %dma_wait3A_114] : memref<1x80xi32, #tpu.memory_space<vmem>> -> memref<1x80xi32, #tpu.memory_space<vmem>>
      %dma_wait3A_116 = tpu.memref_squeeze %dma_wait3A_115 : memref<1x80xi32, #tpu.memory_space<vmem>> -> memref<80xi32, #tpu.memory_space<vmem>>
      %dma_wait3A_117 = tpu.memref_slice %arg4[%add3A_108] : memref<320000xi32, #tpu.memory_space<hbm>> -> memref<80xi32, #tpu.memory_space<hbm>>
      tpu.wait_dma2 semaphore(%arg14 : memref<!tpu.dma_semaphore, #tpu.memory_space<semaphore_mem>>) src(%dma_wait3A_117 : memref<80xi32, #tpu.memory_space<hbm>>) dst(%dma_wait3A_116 : memref<80xi32, #tpu.memory_space<vmem>>)
      %add3A_118 = arith.constant 1 : i32
      %add3A_119 = arith.addi %add3A_93, %add3A_118 : i32
      %mul3A_120 = arith.constant 80 : i32
      %mul3A_121 = arith.muli %add3A_119, %mul3A_120 : i32
      %add3A_122 = arith.addi %mul3A_21, %mul3A_121 : i32
      %dma_start3A_123 = arith.constant 0 : i32
      %dma_start3A_124 = arith.constant 0 : i32
      %dma_start3A_125 = tpu.memref_slice %arg11[%dma_start3A_123, %dma_start3A_124] : memref<1x80xi32, #tpu.memory_space<vmem>> -> memref<1x80xi32, #tpu.memory_space<vmem>>
      %dma_start3A_126 = tpu.memref_squeeze %dma_start3A_125 : memref<1x80xi32, #tpu.memory_space<vmem>> -> memref<80xi32, #tpu.memory_space<vmem>>
      %dma_start3A_127 = tpu.memref_slice %arg3[%add3A_122] : memref<320000xi32, #tpu.memory_space<hbm>> -> memref<80xi32, #tpu.memory_space<hbm>>
      %dma_start3A_128 = arith.constant 0 : i32
      %dma_start3A_129 = tpu.memref_slice %arg11[%dma_start3A_123, %dma_start3A_128] : memref<1x80xi32, #tpu.memory_space<vmem>> -> memref<1x80xi32, #tpu.memory_space<vmem>>
      %dma_start3A_130 = tpu.memref_squeeze %dma_start3A_129 : memref<1x80xi32, #tpu.memory_space<vmem>> -> memref<80xi32, #tpu.memory_space<vmem>>
      %dma_start3A_131 = tpu.memref_slice %arg3[%add3A_122] : memref<320000xi32, #tpu.memory_space<hbm>> -> memref<80xi32, #tpu.memory_space<hbm>>
      tpu.enqueue_dma source(%dma_start3A_131 : memref<80xi32, #tpu.memory_space<hbm>>) target(%dma_start3A_130 : memref<80xi32, #tpu.memory_space<vmem>>) target_semaphore(%arg15 : memref<!tpu.dma_semaphore, #tpu.memory_space<semaphore_mem>>)
      %mul3A_132 = arith.constant 80 : i32
      %mul3A_133 = arith.muli %add3A_119, %mul3A_132 : i32
      %add3A_134 = arith.addi %mul3A_21, %mul3A_133 : i32
      %dma_start3A_135 = arith.constant 0 : i32
      %dma_start3A_136 = arith.constant 0 : i32
      %dma_start3A_137 = tpu.memref_slice %arg12[%dma_start3A_135, %dma_start3A_136] : memref<1x80xi32, #tpu.memory_space<vmem>> -> memref<1x80xi32, #tpu.memory_space<vmem>>
      %dma_start3A_138 = tpu.memref_squeeze %dma_start3A_137 : memref<1x80xi32, #tpu.memory_space<vmem>> -> memref<80xi32, #tpu.memory_space<vmem>>
      %dma_start3A_139 = tpu.memref_slice %arg4[%add3A_134] : memref<320000xi32, #tpu.memory_space<hbm>> -> memref<80xi32, #tpu.memory_space<hbm>>
      %dma_start3A_140 = arith.constant 0 : i32
      %dma_start3A_141 = tpu.memref_slice %arg12[%dma_start3A_135, %dma_start3A_140] : memref<1x80xi32, #tpu.memory_space<vmem>> -> memref<1x80xi32, #tpu.memory_space<vmem>>
      %dma_start3A_142 = tpu.memref_squeeze %dma_start3A_141 : memref<1x80xi32, #tpu.memory_space<vmem>> -> memref<80xi32, #tpu.memory_space<vmem>>
      %dma_start3A_143 = tpu.memref_slice %arg4[%add3A_134] : memref<320000xi32, #tpu.memory_space<hbm>> -> memref<80xi32, #tpu.memory_space<hbm>>
      tpu.enqueue_dma source(%dma_start3A_143 : memref<80xi32, #tpu.memory_space<hbm>>) target(%dma_start3A_142 : memref<80xi32, #tpu.memory_space<vmem>>) target_semaphore(%arg16 : memref<!tpu.dma_semaphore, #tpu.memory_space<semaphore_mem>>)
      %run_scoped3A_144 = arith.constant 0 : i32
      "tpu.region"() ({
        %run_scoped3A_200 = tpu.sem_alloc : memref<!tpu.dma_semaphore, #tpu.memory_space<semaphore_mem>>
        %dma_start3A_201 = arith.constant 0 : i32
        %dma_start3A_202 = tpu.memref_slice %arg6[%run_scoped3A_144, %dma_start3A_201] : memref<1x80xi32, #tpu.memory_space<vmem>> -> memref<1x80xi32, #tpu.memory_space<vmem>>
        %dma_start3A_203 = tpu.memref_squeeze %dma_start3A_202 : memref<1x80xi32, #tpu.memory_space<vmem>> -> memref<80xi32, #tpu.memory_space<vmem>>
        %dma_start3A_204 = arith.constant 0 : i32
        %dma_start3A_205 = arith.constant 0 : i32
        %dma_start3A_206 = tpu.memref_slice %arg2[%dma_start3A_204, %dma_start3A_205] : memref<10000x128xf32, #tpu.memory_space<hbm>> -> memref<10000x128xf32, #tpu.memory_space<hbm>>
        tpu.enqueue_indirect_dma source(%dma_start3A_206 : memref<10000x128xf32, #tpu.memory_space<hbm>>) target(%arg8 : memref<80x128xf32, #tpu.memory_space<vmem>>) offsets(%dma_start3A_203 : memref<80xi32, #tpu.memory_space<vmem>>) semaphore(%run_scoped3A_200 : memref<!tpu.dma_semaphore, #tpu.memory_space<semaphore_mem>>)
        %dma_wait3A_207 = arith.constant 0 : i32
        %dma_wait3A_208 = tpu.memref_slice %arg6[%run_scoped3A_144, %dma_wait3A_207] : memref<1x80xi32, #tpu.memory_space<vmem>> -> memref<1x80xi32, #tpu.memory_space<vmem>>
        %dma_wait3A_209 = tpu.memref_squeeze %dma_wait3A_208 : memref<1x80xi32, #tpu.memory_space<vmem>> -> memref<80xi32, #tpu.memory_space<vmem>>
        %dma_wait3A_210 = arith.constant 0 : i32
        %dma_wait3A_211 = arith.constant 0 : i32
        %dma_wait3A_212 = tpu.memref_slice %arg2[%dma_wait3A_210, %dma_wait3A_211] : memref<10000x128xf32, #tpu.memory_space<hbm>> -> memref<10000x128xf32, #tpu.memory_space<hbm>>
        tpu.wait_indirect_dma semaphore(%run_scoped3A_200 : memref<!tpu.dma_semaphore, #tpu.memory_space<semaphore_mem>>) src(%dma_wait3A_212 : memref<10000x128xf32, #tpu.memory_space<hbm>>) dst(%arg8 : memref<80x128xf32, #tpu.memory_space<vmem>>)
        tpu.yield
      }) : () -> ()
      %run_scoped3A_145 = arith.constant 0 : i32
      "tpu.region"() ({
        %run_scoped3A_200 = tpu.sem_alloc : memref<!tpu.dma_semaphore, #tpu.memory_space<semaphore_mem>>
        %dma_start3A_201 = arith.constant 0 : i32
        %dma_start3A_202 = tpu.memref_slice %arg7[%run_scoped3A_145, %dma_start3A_201] : memref<1x80xi32, #tpu.memory_space<vmem>> -> memref<1x80xi32, #tpu.memory_space<vmem>>
        %dma_start3A_203 = tpu.memref_squeeze %dma_start3A_202 : memref<1x80xi32, #tpu.memory_space<vmem>> -> memref<80xi32, #tpu.memory_space<vmem>>
        %dma_start3A_204 = arith.constant 0 : i32
        %dma_start3A_205 = arith.constant 0 : i32
        %dma_start3A_206 = tpu.memref_slice %arg10[%dma_start3A_204, %dma_start3A_205] : memref<10000x128xf32, #tpu.memory_space<vmem_shared>> -> memref<10000x128xf32, #tpu.memory_space<vmem_shared>>
        tpu.enqueue_indirect_dma source(%arg8 : memref<80x128xf32, #tpu.memory_space<vmem>>) target(%dma_start3A_206 : memref<10000x128xf32, #tpu.memory_space<vmem_shared>>) offsets(%dma_start3A_203 : memref<80xi32, #tpu.memory_space<vmem>>) semaphore(%run_scoped3A_200 : memref<!tpu.dma_semaphore, #tpu.memory_space<semaphore_mem>>) {add = true}
        %dma_wait3A_207 = arith.constant 0 : i32
        %dma_wait3A_208 = tpu.memref_slice %arg7[%run_scoped3A_145, %dma_wait3A_207] : memref<1x80xi32, #tpu.memory_space<vmem>> -> memref<1x80xi32, #tpu.memory_space<vmem>>
        %dma_wait3A_209 = tpu.memref_squeeze %dma_wait3A_208 : memref<1x80xi32, #tpu.memory_space<vmem>> -> memref<80xi32, #tpu.memory_space<vmem>>
        %dma_wait3A_210 = arith.constant 0 : i32
        %dma_wait3A_211 = arith.constant 0 : i32
        %dma_wait3A_212 = tpu.memref_slice %arg10[%dma_wait3A_210, %dma_wait3A_211] : memref<10000x128xf32, #tpu.memory_space<vmem_shared>> -> memref<10000x128xf32, #tpu.memory_space<vmem_shared>>
        tpu.wait_indirect_dma semaphore(%run_scoped3A_200 : memref<!tpu.dma_semaphore, #tpu.memory_space<semaphore_mem>>) src(%arg8 : memref<80x128xf32, #tpu.memory_space<vmem>>) dst(%dma_wait3A_212 : memref<10000x128xf32, #tpu.memory_space<vmem_shared>>)
        tpu.yield
      }) : () -> ()
      %add3A_146 = arith.constant 1 : i32
      %add3A_147 = arith.addi %add3A_93, %add3A_146 : i32
      %mul3A_148 = arith.constant 80 : i32
      %mul3A_149 = arith.muli %add3A_147, %mul3A_148 : i32
      %add3A_150 = arith.addi %mul3A_21, %mul3A_149 : i32
      %dma_wait3A_151 = arith.constant 0 : i32
      %dma_wait3A_152 = arith.constant 0 : i32
      %dma_wait3A_153 = tpu.memref_slice %arg11[%dma_wait3A_151, %dma_wait3A_152] : memref<1x80xi32, #tpu.memory_space<vmem>> -> memref<1x80xi32, #tpu.memory_space<vmem>>
      %dma_wait3A_154 = tpu.memref_squeeze %dma_wait3A_153 : memref<1x80xi32, #tpu.memory_space<vmem>> -> memref<80xi32, #tpu.memory_space<vmem>>
      %dma_wait3A_155 = tpu.memref_slice %arg3[%add3A_150] : memref<320000xi32, #tpu.memory_space<hbm>> -> memref<80xi32, #tpu.memory_space<hbm>>
      %dma_wait3A_156 = arith.constant 0 : i32
      %dma_wait3A_157 = tpu.memref_slice %arg11[%dma_wait3A_151, %dma_wait3A_156] : memref<1x80xi32, #tpu.memory_space<vmem>> -> memref<1x80xi32, #tpu.memory_space<vmem>>
      %dma_wait3A_158 = tpu.memref_squeeze %dma_wait3A_157 : memref<1x80xi32, #tpu.memory_space<vmem>> -> memref<80xi32, #tpu.memory_space<vmem>>
      %dma_wait3A_159 = tpu.memref_slice %arg3[%add3A_150] : memref<320000xi32, #tpu.memory_space<hbm>> -> memref<80xi32, #tpu.memory_space<hbm>>
      tpu.wait_dma2 semaphore(%arg15 : memref<!tpu.dma_semaphore, #tpu.memory_space<semaphore_mem>>) src(%dma_wait3A_159 : memref<80xi32, #tpu.memory_space<hbm>>) dst(%dma_wait3A_158 : memref<80xi32, #tpu.memory_space<vmem>>)
      %mul3A_160 = arith.constant 80 : i32
      %mul3A_161 = arith.muli %add3A_147, %mul3A_160 : i32
      %add3A_162 = arith.addi %mul3A_21, %mul3A_161 : i32
      %dma_wait3A_163 = arith.constant 0 : i32
      %dma_wait3A_164 = arith.constant 0 : i32
      %dma_wait3A_165 = tpu.memref_slice %arg12[%dma_wait3A_163, %dma_wait3A_164] : memref<1x80xi32, #tpu.memory_space<vmem>> -> memref<1x80xi32, #tpu.memory_space<vmem>>
      %dma_wait3A_166 = tpu.memref_squeeze %dma_wait3A_165 : memref<1x80xi32, #tpu.memory_space<vmem>> -> memref<80xi32, #tpu.memory_space<vmem>>
      %dma_wait3A_167 = tpu.memref_slice %arg4[%add3A_162] : memref<320000xi32, #tpu.memory_space<hbm>> -> memref<80xi32, #tpu.memory_space<hbm>>
      %dma_wait3A_168 = arith.constant 0 : i32
      %dma_wait3A_169 = tpu.memref_slice %arg12[%dma_wait3A_163, %dma_wait3A_168] : memref<1x80xi32, #tpu.memory_space<vmem>> -> memref<1x80xi32, #tpu.memory_space<vmem>>
      %dma_wait3A_170 = tpu.memref_squeeze %dma_wait3A_169 : memref<1x80xi32, #tpu.memory_space<vmem>> -> memref<80xi32, #tpu.memory_space<vmem>>
      %dma_wait3A_171 = tpu.memref_slice %arg4[%add3A_162] : memref<320000xi32, #tpu.memory_space<hbm>> -> memref<80xi32, #tpu.memory_space<hbm>>
      tpu.wait_dma2 semaphore(%arg16 : memref<!tpu.dma_semaphore, #tpu.memory_space<semaphore_mem>>) src(%dma_wait3A_171 : memref<80xi32, #tpu.memory_space<hbm>>) dst(%dma_wait3A_170 : memref<80xi32, #tpu.memory_space<vmem>>)
      %add3A_172 = arith.constant 2 : i32
      %add3A_173 = arith.addi %add3A_93, %add3A_172 : i32
      %mul3A_174 = arith.constant 80 : i32
      %mul3A_175 = arith.muli %add3A_173, %mul3A_174 : i32
      %add3A_176 = arith.addi %mul3A_21, %mul3A_175 : i32
      %dma_start3A_177 = arith.constant 0 : i32
      %dma_start3A_178 = arith.constant 0 : i32
      %dma_start3A_179 = tpu.memref_slice %arg6[%dma_start3A_177, %dma_start3A_178] : memref<1x80xi32, #tpu.memory_space<vmem>> -> memref<1x80xi32, #tpu.memory_space<vmem>>
      %dma_start3A_180 = tpu.memref_squeeze %dma_start3A_179 : memref<1x80xi32, #tpu.memory_space<vmem>> -> memref<80xi32, #tpu.memory_space<vmem>>
      %dma_start3A_181 = tpu.memref_slice %arg3[%add3A_176] : memref<320000xi32, #tpu.memory_space<hbm>> -> memref<80xi32, #tpu.memory_space<hbm>>
      %dma_start3A_182 = arith.constant 0 : i32
      %dma_start3A_183 = tpu.memref_slice %arg6[%dma_start3A_177, %dma_start3A_182] : memref<1x80xi32, #tpu.memory_space<vmem>> -> memref<1x80xi32, #tpu.memory_space<vmem>>
      %dma_start3A_184 = tpu.memref_squeeze %dma_start3A_183 : memref<1x80xi32, #tpu.memory_space<vmem>> -> memref<80xi32, #tpu.memory_space<vmem>>
      %dma_start3A_185 = tpu.memref_slice %arg3[%add3A_176] : memref<320000xi32, #tpu.memory_space<hbm>> -> memref<80xi32, #tpu.memory_space<hbm>>
      tpu.enqueue_dma source(%dma_start3A_185 : memref<80xi32, #tpu.memory_space<hbm>>) target(%dma_start3A_184 : memref<80xi32, #tpu.memory_space<vmem>>) target_semaphore(%arg13 : memref<!tpu.dma_semaphore, #tpu.memory_space<semaphore_mem>>)
      %mul3A_186 = arith.constant 80 : i32
      %mul3A_187 = arith.muli %add3A_173, %mul3A_186 : i32
      %add3A_188 = arith.addi %mul3A_21, %mul3A_187 : i32
      %dma_start3A_189 = arith.constant 0 : i32
      %dma_start3A_190 = arith.constant 0 : i32
      %dma_start3A_191 = tpu.memref_slice %arg7[%dma_start3A_189, %dma_start3A_190] : memref<1x80xi32, #tpu.memory_space<vmem>> -> memref<1x80xi32, #tpu.memory_space<vmem>>
      %dma_start3A_192 = tpu.memref_squeeze %dma_start3A_191 : memref<1x80xi32, #tpu.memory_space<vmem>> -> memref<80xi32, #tpu.memory_space<vmem>>
      %dma_start3A_193 = tpu.memref_slice %arg4[%add3A_188] : memref<320000xi32, #tpu.memory_space<hbm>> -> memref<80xi32, #tpu.memory_space<hbm>>
      %dma_start3A_194 = arith.constant 0 : i32
      %dma_start3A_195 = tpu.memref_slice %arg7[%dma_start3A_189, %dma_start3A_194] : memref<1x80xi32, #tpu.memory_space<vmem>> -> memref<1x80xi32, #tpu.memory_space<vmem>>
      %dma_start3A_196 = tpu.memref_squeeze %dma_start3A_195 : memref<1x80xi32, #tpu.memory_space<vmem>> -> memref<80xi32, #tpu.memory_space<vmem>>
      %dma_start3A_197 = tpu.memref_slice %arg4[%add3A_188] : memref<320000xi32, #tpu.memory_space<hbm>> -> memref<80xi32, #tpu.memory_space<hbm>>
      tpu.enqueue_dma source(%dma_start3A_197 : memref<80xi32, #tpu.memory_space<hbm>>) target(%dma_start3A_196 : memref<80xi32, #tpu.memory_space<vmem>>) target_semaphore(%arg14 : memref<!tpu.dma_semaphore, #tpu.memory_space<semaphore_mem>>)
      %run_scoped3A_198 = arith.constant 0 : i32
      "tpu.region"() ({
        %run_scoped3A_200 = tpu.sem_alloc : memref<!tpu.dma_semaphore, #tpu.memory_space<semaphore_mem>>
        %dma_start3A_201 = arith.constant 0 : i32
        %dma_start3A_202 = tpu.memref_slice %arg11[%run_scoped3A_198, %dma_start3A_201] : memref<1x80xi32, #tpu.memory_space<vmem>> -> memref<1x80xi32, #tpu.memory_space<vmem>>
        %dma_start3A_203 = tpu.memref_squeeze %dma_start3A_202 : memref<1x80xi32, #tpu.memory_space<vmem>> -> memref<80xi32, #tpu.memory_space<vmem>>
        %dma_start3A_204 = arith.constant 0 : i32
        %dma_start3A_205 = arith.constant 0 : i32
        %dma_start3A_206 = tpu.memref_slice %arg2[%dma_start3A_204, %dma_start3A_205] : memref<10000x128xf32, #tpu.memory_space<hbm>> -> memref<10000x128xf32, #tpu.memory_space<hbm>>
        tpu.enqueue_indirect_dma source(%dma_start3A_206 : memref<10000x128xf32, #tpu.memory_space<hbm>>) target(%arg8 : memref<80x128xf32, #tpu.memory_space<vmem>>) offsets(%dma_start3A_203 : memref<80xi32, #tpu.memory_space<vmem>>) semaphore(%run_scoped3A_200 : memref<!tpu.dma_semaphore, #tpu.memory_space<semaphore_mem>>)
        %dma_wait3A_207 = arith.constant 0 : i32
        %dma_wait3A_208 = tpu.memref_slice %arg11[%run_scoped3A_198, %dma_wait3A_207] : memref<1x80xi32, #tpu.memory_space<vmem>> -> memref<1x80xi32, #tpu.memory_space<vmem>>
        %dma_wait3A_209 = tpu.memref_squeeze %dma_wait3A_208 : memref<1x80xi32, #tpu.memory_space<vmem>> -> memref<80xi32, #tpu.memory_space<vmem>>
        %dma_wait3A_210 = arith.constant 0 : i32
        %dma_wait3A_211 = arith.constant 0 : i32
        %dma_wait3A_212 = tpu.memref_slice %arg2[%dma_wait3A_210, %dma_wait3A_211] : memref<10000x128xf32, #tpu.memory_space<hbm>> -> memref<10000x128xf32, #tpu.memory_space<hbm>>
        tpu.wait_indirect_dma semaphore(%run_scoped3A_200 : memref<!tpu.dma_semaphore, #tpu.memory_space<semaphore_mem>>) src(%dma_wait3A_212 : memref<10000x128xf32, #tpu.memory_space<hbm>>) dst(%arg8 : memref<80x128xf32, #tpu.memory_space<vmem>>)
        tpu.yield
      }) : () -> ()
      %run_scoped3A_199 = arith.constant 0 : i32
      "tpu.region"() ({
        %run_scoped3A_200 = tpu.sem_alloc : memref<!tpu.dma_semaphore, #tpu.memory_space<semaphore_mem>>
        %dma_start3A_201 = arith.constant 0 : i32
        %dma_start3A_202 = tpu.memref_slice %arg12[%run_scoped3A_199, %dma_start3A_201] : memref<1x80xi32, #tpu.memory_space<vmem>> -> memref<1x80xi32, #tpu.memory_space<vmem>>
        %dma_start3A_203 = tpu.memref_squeeze %dma_start3A_202 : memref<1x80xi32, #tpu.memory_space<vmem>> -> memref<80xi32, #tpu.memory_space<vmem>>
        %dma_start3A_204 = arith.constant 0 : i32
        %dma_start3A_205 = arith.constant 0 : i32
        %dma_start3A_206 = tpu.memref_slice %arg10[%dma_start3A_204, %dma_start3A_205] : memref<10000x128xf32, #tpu.memory_space<vmem_shared>> -> memref<10000x128xf32, #tpu.memory_space<vmem_shared>>
        tpu.enqueue_indirect_dma source(%arg8 : memref<80x128xf32, #tpu.memory_space<vmem>>) target(%dma_start3A_206 : memref<10000x128xf32, #tpu.memory_space<vmem_shared>>) offsets(%dma_start3A_203 : memref<80xi32, #tpu.memory_space<vmem>>) semaphore(%run_scoped3A_200 : memref<!tpu.dma_semaphore, #tpu.memory_space<semaphore_mem>>) {add = true}
        %dma_wait3A_207 = arith.constant 0 : i32
        %dma_wait3A_208 = tpu.memref_slice %arg12[%run_scoped3A_199, %dma_wait3A_207] : memref<1x80xi32, #tpu.memory_space<vmem>> -> memref<1x80xi32, #tpu.memory_space<vmem>>
        %dma_wait3A_209 = tpu.memref_squeeze %dma_wait3A_208 : memref<1x80xi32, #tpu.memory_space<vmem>> -> memref<80xi32, #tpu.memory_space<vmem>>
        %dma_wait3A_210 = arith.constant 0 : i32
        %dma_wait3A_211 = arith.constant 0 : i32
        %dma_wait3A_212 = tpu.memref_slice %arg10[%dma_wait3A_210, %dma_wait3A_211] : memref<10000x128xf32, #tpu.memory_space<vmem_shared>> -> memref<10000x128xf32, #tpu.memory_space<vmem_shared>>
        tpu.wait_indirect_dma semaphore(%run_scoped3A_200 : memref<!tpu.dma_semaphore, #tpu.memory_space<semaphore_mem>>) src(%arg8 : memref<80x128xf32, #tpu.memory_space<vmem>>) dst(%dma_wait3A_212 : memref<10000x128xf32, #tpu.memory_space<vmem_shared>>)
        tpu.yield
      }) : () -> ()
    }
    %scan3A_47 = arith.constant 62 : i32
    %add3A_48 = arith.constant 9920 : i32
    %add3A_49 = arith.addi %mul3A_21, %add3A_48 : i32
    %dma_wait3A = arith.constant 0 : i32
    %dma_wait3A_50 = arith.constant 0 : i32
    %dma_wait3A_51 = tpu.memref_slice %arg6[%dma_wait3A, %dma_wait3A_50] : memref<1x80xi32, #tpu.memory_space<vmem>> -> memref<1x80xi32, #tpu.memory_space<vmem>>
    %dma_wait3A_52 = tpu.memref_squeeze %dma_wait3A_51 : memref<1x80xi32, #tpu.memory_space<vmem>> -> memref<80xi32, #tpu.memory_space<vmem>>
    %dma_wait3A_53 = tpu.memref_slice %arg3[%add3A_49] : memref<320000xi32, #tpu.memory_space<hbm>> -> memref<80xi32, #tpu.memory_space<hbm>>
    %dma_wait3A_54 = arith.constant 0 : i32
    %dma_wait3A_55 = tpu.memref_slice %arg6[%dma_wait3A, %dma_wait3A_54] : memref<1x80xi32, #tpu.memory_space<vmem>> -> memref<1x80xi32, #tpu.memory_space<vmem>>
    %dma_wait3A_56 = tpu.memref_squeeze %dma_wait3A_55 : memref<1x80xi32, #tpu.memory_space<vmem>> -> memref<80xi32, #tpu.memory_space<vmem>>
    %dma_wait3A_57 = tpu.memref_slice %arg3[%add3A_49] : memref<320000xi32, #tpu.memory_space<hbm>> -> memref<80xi32, #tpu.memory_space<hbm>>
    tpu.wait_dma2 semaphore(%arg13 : memref<!tpu.dma_semaphore, #tpu.memory_space<semaphore_mem>>) src(%dma_wait3A_57 : memref<80xi32, #tpu.memory_space<hbm>>) dst(%dma_wait3A_56 : memref<80xi32, #tpu.memory_space<vmem>>)
    %add3A_58 = arith.constant 9920 : i32
    %add3A_59 = arith.addi %mul3A_21, %add3A_58 : i32
    %dma_wait3A_60 = arith.constant 0 : i32
    %dma_wait3A_61 = arith.constant 0 : i32
    %dma_wait3A_62 = tpu.memref_slice %arg7[%dma_wait3A_60, %dma_wait3A_61] : memref<1x80xi32, #tpu.memory_space<vmem>> -> memref<1x80xi32, #tpu.memory_space<vmem>>
    %dma_wait3A_63 = tpu.memref_squeeze %dma_wait3A_62 : memref<1x80xi32, #tpu.memory_space<vmem>> -> memref<80xi32, #tpu.memory_space<vmem>>
    %dma_wait3A_64 = tpu.memref_slice %arg4[%add3A_59] : memref<320000xi32, #tpu.memory_space<hbm>> -> memref<80xi32, #tpu.memory_space<hbm>>
    %dma_wait3A_65 = arith.constant 0 : i32
    %dma_wait3A_66 = tpu.memref_slice %arg7[%dma_wait3A_60, %dma_wait3A_65] : memref<1x80xi32, #tpu.memory_space<vmem>> -> memref<1x80xi32, #tpu.memory_space<vmem>>
    %dma_wait3A_67 = tpu.memref_squeeze %dma_wait3A_66 : memref<1x80xi32, #tpu.memory_space<vmem>> -> memref<80xi32, #tpu.memory_space<vmem>>
    %dma_wait3A_68 = tpu.memref_slice %arg4[%add3A_59] : memref<320000xi32, #tpu.memory_space<hbm>> -> memref<80xi32, #tpu.memory_space<hbm>>
    tpu.wait_dma2 semaphore(%arg14 : memref<!tpu.dma_semaphore, #tpu.memory_space<semaphore_mem>>) src(%dma_wait3A_68 : memref<80xi32, #tpu.memory_space<hbm>>) dst(%dma_wait3A_67 : memref<80xi32, #tpu.memory_space<vmem>>)
    %run_scoped3A = arith.constant 0 : i32
    "tpu.region"() ({
      %run_scoped3A_89 = tpu.sem_alloc : memref<!tpu.dma_semaphore, #tpu.memory_space<semaphore_mem>>
      %dma_start3A_90 = arith.constant 0 : i32
      %dma_start3A_91 = tpu.memref_slice %arg6[%run_scoped3A, %dma_start3A_90] : memref<1x80xi32, #tpu.memory_space<vmem>> -> memref<1x80xi32, #tpu.memory_space<vmem>>
      %dma_start3A_92 = tpu.memref_squeeze %dma_start3A_91 : memref<1x80xi32, #tpu.memory_space<vmem>> -> memref<80xi32, #tpu.memory_space<vmem>>
      %dma_start3A_93 = arith.constant 0 : i32
      %dma_start3A_94 = arith.constant 0 : i32
      %dma_start3A_95 = tpu.memref_slice %arg2[%dma_start3A_93, %dma_start3A_94] : memref<10000x128xf32, #tpu.memory_space<hbm>> -> memref<10000x128xf32, #tpu.memory_space<hbm>>
      tpu.enqueue_indirect_dma source(%dma_start3A_95 : memref<10000x128xf32, #tpu.memory_space<hbm>>) target(%arg8 : memref<80x128xf32, #tpu.memory_space<vmem>>) offsets(%dma_start3A_92 : memref<80xi32, #tpu.memory_space<vmem>>) semaphore(%run_scoped3A_89 : memref<!tpu.dma_semaphore, #tpu.memory_space<semaphore_mem>>)
      %dma_wait3A_96 = arith.constant 0 : i32
      %dma_wait3A_97 = tpu.memref_slice %arg6[%run_scoped3A, %dma_wait3A_96] : memref<1x80xi32, #tpu.memory_space<vmem>> -> memref<1x80xi32, #tpu.memory_space<vmem>>
      %dma_wait3A_98 = tpu.memref_squeeze %dma_wait3A_97 : memref<1x80xi32, #tpu.memory_space<vmem>> -> memref<80xi32, #tpu.memory_space<vmem>>
      %dma_wait3A_99 = arith.constant 0 : i32
      %dma_wait3A_100 = arith.constant 0 : i32
      %dma_wait3A_101 = tpu.memref_slice %arg2[%dma_wait3A_99, %dma_wait3A_100] : memref<10000x128xf32, #tpu.memory_space<hbm>> -> memref<10000x128xf32, #tpu.memory_space<hbm>>
      tpu.wait_indirect_dma semaphore(%run_scoped3A_89 : memref<!tpu.dma_semaphore, #tpu.memory_space<semaphore_mem>>) src(%dma_wait3A_101 : memref<10000x128xf32, #tpu.memory_space<hbm>>) dst(%arg8 : memref<80x128xf32, #tpu.memory_space<vmem>>)
      tpu.yield
    }) : () -> ()
    %run_scoped3A_69 = arith.constant 0 : i32
    "tpu.region"() ({
      %run_scoped3A_89 = tpu.sem_alloc : memref<!tpu.dma_semaphore, #tpu.memory_space<semaphore_mem>>
      %dma_start3A_90 = arith.constant 0 : i32
      %dma_start3A_91 = tpu.memref_slice %arg7[%run_scoped3A_69, %dma_start3A_90] : memref<1x80xi32, #tpu.memory_space<vmem>> -> memref<1x80xi32, #tpu.memory_space<vmem>>
      %dma_start3A_92 = tpu.memref_squeeze %dma_start3A_91 : memref<1x80xi32, #tpu.memory_space<vmem>> -> memref<80xi32, #tpu.memory_space<vmem>>
      %dma_start3A_93 = arith.constant 0 : i32
      %dma_start3A_94 = arith.constant 0 : i32
      %dma_start3A_95 = tpu.memref_slice %arg10[%dma_start3A_93, %dma_start3A_94] : memref<10000x128xf32, #tpu.memory_space<vmem_shared>> -> memref<10000x128xf32, #tpu.memory_space<vmem_shared>>
      tpu.enqueue_indirect_dma source(%arg8 : memref<80x128xf32, #tpu.memory_space<vmem>>) target(%dma_start3A_95 : memref<10000x128xf32, #tpu.memory_space<vmem_shared>>) offsets(%dma_start3A_92 : memref<80xi32, #tpu.memory_space<vmem>>) semaphore(%run_scoped3A_89 : memref<!tpu.dma_semaphore, #tpu.memory_space<semaphore_mem>>) {add = true}
      %dma_wait3A_96 = arith.constant 0 : i32
      %dma_wait3A_97 = tpu.memref_slice %arg7[%run_scoped3A_69, %dma_wait3A_96] : memref<1x80xi32, #tpu.memory_space<vmem>> -> memref<1x80xi32, #tpu.memory_space<vmem>>
      %dma_wait3A_98 = tpu.memref_squeeze %dma_wait3A_97 : memref<1x80xi32, #tpu.memory_space<vmem>> -> memref<80xi32, #tpu.memory_space<vmem>>
      %dma_wait3A_99 = arith.constant 0 : i32
      %dma_wait3A_100 = arith.constant 0 : i32
      %dma_wait3A_101 = tpu.memref_slice %arg10[%dma_wait3A_99, %dma_wait3A_100] : memref<10000x128xf32, #tpu.memory_space<vmem_shared>> -> memref<10000x128xf32, #tpu.memory_space<vmem_shared>>
      tpu.wait_indirect_dma semaphore(%run_scoped3A_89 : memref<!tpu.dma_semaphore, #tpu.memory_space<semaphore_mem>>) src(%arg8 : memref<80x128xf32, #tpu.memory_space<vmem>>) dst(%dma_wait3A_101 : memref<10000x128xf32, #tpu.memory_space<vmem_shared>>)
      tpu.yield
    }) : () -> ()
    %barrier3A_70 = arith.constant 0 : index
    tpu.barrier barrier_id(%barrier3A_70)
    %sub3A_71 = arith.constant 125 : i32
    %sub3A_72 = arith.subi %sub3A_71, %arg1 : i32
    %sub3A_73 = arith.constant 16 : i32
    %sub3A_74 = arith.constant 1 : i32
    %sub3A_75 = arith.subi %sub3A_73, %sub3A_74 : i32
    %add3A_76 = arith.addi %sub3A_72, %sub3A_75 : i32
    %div3A_77 = arith.constant 16 : i32
    %div3A_78 = arith.divsi %add3A_76, %div3A_77 : i32
    %while3A_79 = arith.constant 16 : i32
    %while3A_80 = arith.constant 0 : i32
    %while3A_81 = arith.subi %div3A_78, %while3A_80 : i32
    %while3A_82 = arith.addi %while3A_80, %while3A_81 : i32
    %while3A_83 = arith.constant 1 : i32
    %while3A_84 = arith.divsi %while3A_81, %while3A_83 : i32
    %while3A_85 = arith.muli %while3A_84, %while3A_83 : i32
    %while3A_86 = arith.addi %while3A_80, %while3A_85 : i32
    %while3A_87 = arith.constant 1 : i32
    scf.for %while3A_89 = %while3A_80 to %while3A_86 step %while3A_87  : i32 {
      %mul3A_90 = arith.muli %while3A_89, %while3A_79 : i32
      %add3A_91 = arith.addi %arg1, %mul3A_90 : i32
      %mul3A_92 = arith.constant 80 : i32
      %mul3A_93 = arith.muli %add3A_91, %mul3A_92 : i32
      "tpu.region"() ({
        %run_scoped3A_94 = tpu.sem_alloc : memref<!tpu.dma_semaphore, #tpu.memory_space<semaphore_mem>>
        %dma_start3A_95 = arith.constant 0 : i32
        %dma_start3A_96 = arith.constant 0 : i32
        %dma_start3A_97 = tpu.memref_slice %arg5[%arg0, %dma_start3A_95, %dma_start3A_96] : memref<2x10000x128xf32, #tpu.memory_space<hbm>> -> memref<1x10000x128xf32, #tpu.memory_space<hbm>>
        %dma_start3A_98 = tpu.memref_squeeze %dma_start3A_97 : memref<1x10000x128xf32, #tpu.memory_space<hbm>> -> memref<10000x128xf32, #tpu.memory_space<hbm>>
        %dma_start3A_99 = arith.constant 0 : i32
        %dma_start3A_100 = tpu.memref_slice %dma_start3A_98[%mul3A_93, %dma_start3A_99] : memref<10000x128xf32, #tpu.memory_space<hbm>> -> memref<80x128xf32, #tpu.memory_space<hbm>>
        %dma_start3A_101 = arith.constant 0 : i32
        %dma_start3A_102 = tpu.memref_slice %arg10[%mul3A_93, %dma_start3A_101] : memref<10000x128xf32, #tpu.memory_space<vmem_shared>> -> memref<80x128xf32, #tpu.memory_space<vmem_shared>>
        tpu.enqueue_dma source(%dma_start3A_102 : memref<80x128xf32, #tpu.memory_space<vmem_shared>>) target(%dma_start3A_100 : memref<80x128xf32, #tpu.memory_space<hbm>>) target_semaphore(%run_scoped3A_94 : memref<!tpu.dma_semaphore, #tpu.memory_space<semaphore_mem>>)
        %dma_wait3A_103 = arith.constant 0 : i32
        %dma_wait3A_104 = arith.constant 0 : i32
        %dma_wait3A_105 = tpu.memref_slice %arg5[%arg0, %dma_wait3A_103, %dma_wait3A_104] : memref<2x10000x128xf32, #tpu.memory_space<hbm>> -> memref<1x10000x128xf32, #tpu.memory_space<hbm>>
        %dma_wait3A_106 = tpu.memref_squeeze %dma_wait3A_105 : memref<1x10000x128xf32, #tpu.memory_space<hbm>> -> memref<10000x128xf32, #tpu.memory_space<hbm>>
        %dma_wait3A_107 = arith.constant 0 : i32
        %dma_wait3A_108 = tpu.memref_slice %dma_wait3A_106[%mul3A_93, %dma_wait3A_107] : memref<10000x128xf32, #tpu.memory_space<hbm>> -> memref<80x128xf32, #tpu.memory_space<hbm>>
        %dma_wait3A_109 = arith.constant 0 : i32
        %dma_wait3A_110 = tpu.memref_slice %arg10[%mul3A_93, %dma_wait3A_109] : memref<10000x128xf32, #tpu.memory_space<vmem_shared>> -> memref<80x128xf32, #tpu.memory_space<vmem_shared>>
        tpu.wait_dma2 semaphore(%run_scoped3A_94 : memref<!tpu.dma_semaphore, #tpu.memory_space<semaphore_mem>>) src(%dma_wait3A_110 : memref<80x128xf32, #tpu.memory_space<vmem_shared>>) dst(%dma_wait3A_108 : memref<80x128xf32, #tpu.memory_space<hbm>>)
        tpu.yield
      }) : () -> ()
    }
    %while3A_88 = arith.constant 1 : i32
    scf.for %while3A_89 = %while3A_86 to %while3A_82 step %while3A_88  : i32 {
      %mul3A_90 = arith.muli %while3A_89, %while3A_79 : i32
      %add3A_91 = arith.addi %arg1, %mul3A_90 : i32
      %mul3A_92 = arith.constant 80 : i32
      %mul3A_93 = arith.muli %add3A_91, %mul3A_92 : i32
      "tpu.region"() ({
        %run_scoped3A_94 = tpu.sem_alloc : memref<!tpu.dma_semaphore, #tpu.memory_space<semaphore_mem>>
        %dma_start3A_95 = arith.constant 0 : i32
        %dma_start3A_96 = arith.constant 0 : i32
        %dma_start3A_97 = tpu.memref_slice %arg5[%arg0, %dma_start3A_95, %dma_start3A_96] : memref<2x10000x128xf32, #tpu.memory_space<hbm>> -> memref<1x10000x128xf32, #tpu.memory_space<hbm>>
        %dma_start3A_98 = tpu.memref_squeeze %dma_start3A_97 : memref<1x10000x128xf32, #tpu.memory_space<hbm>> -> memref<10000x128xf32, #tpu.memory_space<hbm>>
        %dma_start3A_99 = arith.constant 0 : i32
        %dma_start3A_100 = tpu.memref_slice %dma_start3A_98[%mul3A_93, %dma_start3A_99] : memref<10000x128xf32, #tpu.memory_space<hbm>> -> memref<80x128xf32, #tpu.memory_space<hbm>>
        %dma_start3A_101 = arith.constant 0 : i32
        %dma_start3A_102 = tpu.memref_slice %arg10[%mul3A_93, %dma_start3A_101] : memref<10000x128xf32, #tpu.memory_space<vmem_shared>> -> memref<80x128xf32, #tpu.memory_space<vmem_shared>>
        tpu.enqueue_dma source(%dma_start3A_102 : memref<80x128xf32, #tpu.memory_space<vmem_shared>>) target(%dma_start3A_100 : memref<80x128xf32, #tpu.memory_space<hbm>>) target_semaphore(%run_scoped3A_94 : memref<!tpu.dma_semaphore, #tpu.memory_space<semaphore_mem>>)
        %dma_wait3A_103 = arith.constant 0 : i32
        %dma_wait3A_104 = arith.constant 0 : i32
        %dma_wait3A_105 = tpu.memref_slice %arg5[%arg0, %dma_wait3A_103, %dma_wait3A_104] : memref<2x10000x128xf32, #tpu.memory_space<hbm>> -> memref<1x10000x128xf32, #tpu.memory_space<hbm>>
        %dma_wait3A_106 = tpu.memref_squeeze %dma_wait3A_105 : memref<1x10000x128xf32, #tpu.memory_space<hbm>> -> memref<10000x128xf32, #tpu.memory_space<hbm>>
        %dma_wait3A_107 = arith.constant 0 : i32
        %dma_wait3A_108 = tpu.memref_slice %dma_wait3A_106[%mul3A_93, %dma_wait3A_107] : memref<10000x128xf32, #tpu.memory_space<hbm>> -> memref<80x128xf32, #tpu.memory_space<hbm>>
        %dma_wait3A_109 = arith.constant 0 : i32
        %dma_wait3A_110 = tpu.memref_slice %arg10[%mul3A_93, %dma_wait3A_109] : memref<10000x128xf32, #tpu.memory_space<vmem_shared>> -> memref<80x128xf32, #tpu.memory_space<vmem_shared>>
        tpu.wait_dma2 semaphore(%run_scoped3A_94 : memref<!tpu.dma_semaphore, #tpu.memory_space<semaphore_mem>>) src(%dma_wait3A_110 : memref<80x128xf32, #tpu.memory_space<vmem_shared>>) dst(%dma_wait3A_108 : memref<80x128xf32, #tpu.memory_space<hbm>>)
        tpu.yield
      }) : () -> ()
    }
    return
  }
}

#map = affine_map<(d0, d1) -> (0, 0)>
#map1 = affine_map<(d0, d1) -> (0)>
#map2 = affine_map<(d0, d1) -> (0, 0, 0)>
module attributes {stable_mosaic.version = 14 : i64} {
  func.func @body(%arg0: i32, %arg1: i32, %arg2: memref<10000x128xf32, #tpu.memory_space<hbm>>, %arg3: memref<320000xi32, #tpu.memory_space<hbm>>, %arg4: memref<320000xi32, #tpu.memory_space<hbm>>, %arg5: memref<2x10000x128xf32, #tpu.memory_space<hbm>>, %arg6: memref<256x2048xf32, #tpu.memory_space<hbm>>, %arg7: memref<1x80xi32, #tpu.memory_space<vmem>>, %arg8: memref<1x80xi32, #tpu.memory_space<vmem>>, %arg9: memref<80x128xf32, #tpu.memory_space<vmem>>, %arg10: memref<80x128xf32, #tpu.memory_space<vmem>>, %arg11: memref<10000x128xf32, #tpu.memory_space<vmem_shared>>, %arg12: memref<1x80xi32, #tpu.memory_space<vmem>>, %arg13: memref<1x80xi32, #tpu.memory_space<vmem>>, %arg14: memref<!tpu.dma_semaphore, #tpu.memory_space<semaphore_mem>>, %arg15: memref<!tpu.dma_semaphore, #tpu.memory_space<semaphore_mem>>, %arg16: memref<!tpu.dma_semaphore, #tpu.memory_space<semaphore_mem>>, %arg17: memref<!tpu.dma_semaphore, #tpu.memory_space<semaphore_mem>>, %arg18: memref<8x2048xf32, #tpu.memory_space<vmem>>) attributes {dimension_semantics = [#tpu.dimension_semantics<core_parallel>, #tpu.dimension_semantics<subcore_parallel>], iteration_bounds = array<i64: 2, 16>, scalar_prefetch = 0 : i64, scratch_operands = 12 : i64, tpu.core_type = #tpu.core_type<sc_vector_subcore>, window_params = [{transform_indices = #map}, {transform_indices = #map1}, {transform_indices = #map1}, {transform_indices = #map2}, {transform_indices = #map}]} {
    %scan3A = arith.constant 0 : i32
    %scan3A_0 = arith.constant 80 : i32
    %scan3A_1 = arith.addi %scan3A, %scan3A_0 : i32
    %scan3A_2 = arith.constant 1 : i32
    scf.for %scan3A_182 = %scan3A to %scan3A_1 step %scan3A_2  : i32 {
      %mul3A_183 = arith.constant 1 : i32
      %mul3A_184 = arith.muli %scan3A_182, %mul3A_183 : i32
      %add3A_185 = arith.constant 0 : i32
      %add3A_186 = arith.addi %add3A_185, %mul3A_184 : i32
      %broadcast_in_dim3A_187 = arith.constant 0.000000e+00 : f32
      %broadcast_in_dim3A_188 = vector.broadcast %broadcast_in_dim3A_187 : f32 to vector<16xf32>
      %swap3A = arith.index_cast %add3A_186 : i32 to index
      %swap3A_189 = arith.constant 0 : index
      %swap3A_190 = tpu.vector_load %arg10[%swap3A, %swap3A_189] {strides = array<i32>} : memref<80x128xf32, #tpu.memory_space<vmem>>, vector<16xf32>,
      tpu.vector_store %arg10[%swap3A, %swap3A_189], %broadcast_in_dim3A_188 {strides = array<i32>} : memref<80x128xf32, #tpu.memory_space<vmem>>, vector<16xf32>,
      %broadcast_in_dim3A_191 = arith.constant 0.000000e+00 : f32
      %broadcast_in_dim3A_192 = vector.broadcast %broadcast_in_dim3A_191 : f32 to vector<16xf32>
      %swap3A_193 = arith.index_cast %add3A_186 : i32 to index
      %swap3A_194 = arith.constant 16 : index
      %swap3A_195 = tpu.vector_load %arg10[%swap3A_193, %swap3A_194] {strides = array<i32>} : memref<80x128xf32, #tpu.memory_space<vmem>>, vector<16xf32>,
      tpu.vector_store %arg10[%swap3A_193, %swap3A_194], %broadcast_in_dim3A_192 {strides = array<i32>} : memref<80x128xf32, #tpu.memory_space<vmem>>, vector<16xf32>,
      %broadcast_in_dim3A_196 = arith.constant 0.000000e+00 : f32
      %broadcast_in_dim3A_197 = vector.broadcast %broadcast_in_dim3A_196 : f32 to vector<16xf32>
      %swap3A_198 = arith.index_cast %add3A_186 : i32 to index
      %swap3A_199 = arith.constant 32 : index
      %swap3A_200 = tpu.vector_load %arg10[%swap3A_198, %swap3A_199] {strides = array<i32>} : memref<80x128xf32, #tpu.memory_space<vmem>>, vector<16xf32>,
      tpu.vector_store %arg10[%swap3A_198, %swap3A_199], %broadcast_in_dim3A_197 {strides = array<i32>} : memref<80x128xf32, #tpu.memory_space<vmem>>, vector<16xf32>,
      %broadcast_in_dim3A_201 = arith.constant 0.000000e+00 : f32
      %broadcast_in_dim3A_202 = vector.broadcast %broadcast_in_dim3A_201 : f32 to vector<16xf32>
      %swap3A_203 = arith.index_cast %add3A_186 : i32 to index
      %swap3A_204 = arith.constant 48 : index
      %swap3A_205 = tpu.vector_load %arg10[%swap3A_203, %swap3A_204] {strides = array<i32>} : memref<80x128xf32, #tpu.memory_space<vmem>>, vector<16xf32>,
      tpu.vector_store %arg10[%swap3A_203, %swap3A_204], %broadcast_in_dim3A_202 {strides = array<i32>} : memref<80x128xf32, #tpu.memory_space<vmem>>, vector<16xf32>,
      %broadcast_in_dim3A_206 = arith.constant 0.000000e+00 : f32
      %broadcast_in_dim3A_207 = vector.broadcast %broadcast_in_dim3A_206 : f32 to vector<16xf32>
      %swap3A_208 = arith.index_cast %add3A_186 : i32 to index
      %swap3A_209 = arith.constant 64 : index
      %swap3A_210 = tpu.vector_load %arg10[%swap3A_208, %swap3A_209] {strides = array<i32>} : memref<80x128xf32, #tpu.memory_space<vmem>>, vector<16xf32>,
      tpu.vector_store %arg10[%swap3A_208, %swap3A_209], %broadcast_in_dim3A_207 {strides = array<i32>} : memref<80x128xf32, #tpu.memory_space<vmem>>, vector<16xf32>,
      %broadcast_in_dim3A_211 = arith.constant 0.000000e+00 : f32
      %broadcast_in_dim3A_212 = vector.broadcast %broadcast_in_dim3A_211 : f32 to vector<16xf32>
      %swap3A_213 = arith.index_cast %add3A_186 : i32 to index
      %swap3A_214 = arith.constant 80 : index
      %swap3A_215 = tpu.vector_load %arg10[%swap3A_213, %swap3A_214] {strides = array<i32>} : memref<80x128xf32, #tpu.memory_space<vmem>>, vector<16xf32>,
      tpu.vector_store %arg10[%swap3A_213, %swap3A_214], %broadcast_in_dim3A_212 {strides = array<i32>} : memref<80x128xf32, #tpu.memory_space<vmem>>, vector<16xf32>,
      %broadcast_in_dim3A_216 = arith.constant 0.000000e+00 : f32
      %broadcast_in_dim3A_217 = vector.broadcast %broadcast_in_dim3A_216 : f32 to vector<16xf32>
      %swap3A_218 = arith.index_cast %add3A_186 : i32 to index
      %swap3A_219 = arith.constant 96 : index
      %swap3A_220 = tpu.vector_load %arg10[%swap3A_218, %swap3A_219] {strides = array<i32>} : memref<80x128xf32, #tpu.memory_space<vmem>>, vector<16xf32>,
      tpu.vector_store %arg10[%swap3A_218, %swap3A_219], %broadcast_in_dim3A_217 {strides = array<i32>} : memref<80x128xf32, #tpu.memory_space<vmem>>, vector<16xf32>,
      %broadcast_in_dim3A_221 = arith.constant 0.000000e+00 : f32
      %broadcast_in_dim3A_222 = vector.broadcast %broadcast_in_dim3A_221 : f32 to vector<16xf32>
      %swap3A_223 = arith.index_cast %add3A_186 : i32 to index
      %swap3A_224 = arith.constant 112 : index
      %swap3A_225 = tpu.vector_load %arg10[%swap3A_223, %swap3A_224] {strides = array<i32>} : memref<80x128xf32, #tpu.memory_space<vmem>>, vector<16xf32>,
      tpu.vector_store %arg10[%swap3A_223, %swap3A_224], %broadcast_in_dim3A_222 {strides = array<i32>} : memref<80x128xf32, #tpu.memory_space<vmem>>, vector<16xf32>,
    }
    %scan3A_3 = arith.constant 80 : i32
    %scan3A_4 = arith.constant 0 : i32
    %scan3A_5 = arith.constant 128 : i32
    %scan3A_6 = arith.addi %scan3A_4, %scan3A_5 : i32
    %scan3A_7 = arith.constant 1 : i32
    scf.for %scan3A_182 = %scan3A_4 to %scan3A_6 step %scan3A_7  : i32 {
      %mul3A_183 = arith.constant 1 : i32
      %mul3A_184 = arith.muli %scan3A_182, %mul3A_183 : i32
      %add3A_185 = arith.constant 0 : i32
      %add3A_186 = arith.addi %add3A_185, %mul3A_184 : i32
      %broadcast_in_dim3A_187 = arith.constant 0.000000e+00 : f32
      %broadcast_in_dim3A_188 = vector.broadcast %broadcast_in_dim3A_187 : f32 to vector<16xf32>
      %mul3A_189 = arith.constant 16 : i32
      %mul3A_190 = arith.muli %add3A_186, %mul3A_189 : i32
      %swap3A = arith.constant 0 : i32
      %swap3A_191 = arith.index_cast %swap3A : i32 to index
      %swap3A_192 = arith.index_cast %mul3A_190 : i32 to index
      %swap3A_193 = tpu.vector_load %arg18[%swap3A_191, %swap3A_192] {strides = array<i32>} : memref<8x2048xf32, #tpu.memory_space<vmem>>, vector<16xf32>,
      tpu.vector_store %arg18[%swap3A_191, %swap3A_192], %broadcast_in_dim3A_188 {strides = array<i32>} : memref<8x2048xf32, #tpu.memory_space<vmem>>, vector<16xf32>,
    }
    %scan3A_8 = arith.constant 128 : i32
    %scan3A_9 = arith.constant 0 : i32
    %scan3A_10 = arith.constant 128 : i32
    %scan3A_11 = arith.addi %scan3A_9, %scan3A_10 : i32
    %scan3A_12 = arith.constant 1 : i32
    scf.for %scan3A_182 = %scan3A_9 to %scan3A_11 step %scan3A_12  : i32 {
      %mul3A_183 = arith.constant 1 : i32
      %mul3A_184 = arith.muli %scan3A_182, %mul3A_183 : i32
      %add3A_185 = arith.constant 0 : i32
      %add3A_186 = arith.addi %add3A_185, %mul3A_184 : i32
      %broadcast_in_dim3A_187 = arith.constant 0.000000e+00 : f32
      %broadcast_in_dim3A_188 = vector.broadcast %broadcast_in_dim3A_187 : f32 to vector<16xf32>
      %mul3A_189 = arith.constant 16 : i32
      %mul3A_190 = arith.muli %add3A_186, %mul3A_189 : i32
      %swap3A = arith.constant 1 : i32
      %swap3A_191 = arith.index_cast %swap3A : i32 to index
      %swap3A_192 = arith.index_cast %mul3A_190 : i32 to index
      %swap3A_193 = tpu.vector_load %arg18[%swap3A_191, %swap3A_192] {strides = array<i32>} : memref<8x2048xf32, #tpu.memory_space<vmem>>, vector<16xf32>,
      tpu.vector_store %arg18[%swap3A_191, %swap3A_192], %broadcast_in_dim3A_188 {strides = array<i32>} : memref<8x2048xf32, #tpu.memory_space<vmem>>, vector<16xf32>,
    }
    %scan3A_13 = arith.constant 128 : i32
    %scan3A_14 = arith.constant 0 : i32
    %scan3A_15 = arith.constant 128 : i32
    %scan3A_16 = arith.addi %scan3A_14, %scan3A_15 : i32
    %scan3A_17 = arith.constant 1 : i32
    scf.for %scan3A_182 = %scan3A_14 to %scan3A_16 step %scan3A_17  : i32 {
      %mul3A_183 = arith.constant 1 : i32
      %mul3A_184 = arith.muli %scan3A_182, %mul3A_183 : i32
      %add3A_185 = arith.constant 0 : i32
      %add3A_186 = arith.addi %add3A_185, %mul3A_184 : i32
      %broadcast_in_dim3A_187 = arith.constant 0.000000e+00 : f32
      %broadcast_in_dim3A_188 = vector.broadcast %broadcast_in_dim3A_187 : f32 to vector<16xf32>
      %mul3A_189 = arith.constant 16 : i32
      %mul3A_190 = arith.muli %add3A_186, %mul3A_189 : i32
      %swap3A = arith.constant 2 : i32
      %swap3A_191 = arith.index_cast %swap3A : i32 to index
      %swap3A_192 = arith.index_cast %mul3A_190 : i32 to index
      %swap3A_193 = tpu.vector_load %arg18[%swap3A_191, %swap3A_192] {strides = array<i32>} : memref<8x2048xf32, #tpu.memory_space<vmem>>, vector<16xf32>,
      tpu.vector_store %arg18[%swap3A_191, %swap3A_192], %broadcast_in_dim3A_188 {strides = array<i32>} : memref<8x2048xf32, #tpu.memory_space<vmem>>, vector<16xf32>,
    }
    %scan3A_18 = arith.constant 128 : i32
    %scan3A_19 = arith.constant 0 : i32
    %scan3A_20 = arith.constant 128 : i32
    %scan3A_21 = arith.addi %scan3A_19, %scan3A_20 : i32
    %scan3A_22 = arith.constant 1 : i32
    scf.for %scan3A_182 = %scan3A_19 to %scan3A_21 step %scan3A_22  : i32 {
      %mul3A_183 = arith.constant 1 : i32
      %mul3A_184 = arith.muli %scan3A_182, %mul3A_183 : i32
      %add3A_185 = arith.constant 0 : i32
      %add3A_186 = arith.addi %add3A_185, %mul3A_184 : i32
      %broadcast_in_dim3A_187 = arith.constant 0.000000e+00 : f32
      %broadcast_in_dim3A_188 = vector.broadcast %broadcast_in_dim3A_187 : f32 to vector<16xf32>
      %mul3A_189 = arith.constant 16 : i32
      %mul3A_190 = arith.muli %add3A_186, %mul3A_189 : i32
      %swap3A = arith.constant 3 : i32
      %swap3A_191 = arith.index_cast %swap3A : i32 to index
      %swap3A_192 = arith.index_cast %mul3A_190 : i32 to index
      %swap3A_193 = tpu.vector_load %arg18[%swap3A_191, %swap3A_192] {strides = array<i32>} : memref<8x2048xf32, #tpu.memory_space<vmem>>, vector<16xf32>,
      tpu.vector_store %arg18[%swap3A_191, %swap3A_192], %broadcast_in_dim3A_188 {strides = array<i32>} : memref<8x2048xf32, #tpu.memory_space<vmem>>, vector<16xf32>,
    }
    %scan3A_23 = arith.constant 128 : i32
    %scan3A_24 = arith.constant 0 : i32
    %scan3A_25 = arith.constant 128 : i32
    %scan3A_26 = arith.addi %scan3A_24, %scan3A_25 : i32
    %scan3A_27 = arith.constant 1 : i32
    scf.for %scan3A_182 = %scan3A_24 to %scan3A_26 step %scan3A_27  : i32 {
      %mul3A_183 = arith.constant 1 : i32
      %mul3A_184 = arith.muli %scan3A_182, %mul3A_183 : i32
      %add3A_185 = arith.constant 0 : i32
      %add3A_186 = arith.addi %add3A_185, %mul3A_184 : i32
      %broadcast_in_dim3A_187 = arith.constant 0.000000e+00 : f32
      %broadcast_in_dim3A_188 = vector.broadcast %broadcast_in_dim3A_187 : f32 to vector<16xf32>
      %mul3A_189 = arith.constant 16 : i32
      %mul3A_190 = arith.muli %add3A_186, %mul3A_189 : i32
      %swap3A = arith.constant 4 : i32
      %swap3A_191 = arith.index_cast %swap3A : i32 to index
      %swap3A_192 = arith.index_cast %mul3A_190 : i32 to index
      %swap3A_193 = tpu.vector_load %arg18[%swap3A_191, %swap3A_192] {strides = array<i32>} : memref<8x2048xf32, #tpu.memory_space<vmem>>, vector<16xf32>,
      tpu.vector_store %arg18[%swap3A_191, %swap3A_192], %broadcast_in_dim3A_188 {strides = array<i32>} : memref<8x2048xf32, #tpu.memory_space<vmem>>, vector<16xf32>,
    }
    %scan3A_28 = arith.constant 128 : i32
    %scan3A_29 = arith.constant 0 : i32
    %scan3A_30 = arith.constant 128 : i32
    %scan3A_31 = arith.addi %scan3A_29, %scan3A_30 : i32
    %scan3A_32 = arith.constant 1 : i32
    scf.for %scan3A_182 = %scan3A_29 to %scan3A_31 step %scan3A_32  : i32 {
      %mul3A_183 = arith.constant 1 : i32
      %mul3A_184 = arith.muli %scan3A_182, %mul3A_183 : i32
      %add3A_185 = arith.constant 0 : i32
      %add3A_186 = arith.addi %add3A_185, %mul3A_184 : i32
      %broadcast_in_dim3A_187 = arith.constant 0.000000e+00 : f32
      %broadcast_in_dim3A_188 = vector.broadcast %broadcast_in_dim3A_187 : f32 to vector<16xf32>
      %mul3A_189 = arith.constant 16 : i32
      %mul3A_190 = arith.muli %add3A_186, %mul3A_189 : i32
      %swap3A = arith.constant 5 : i32
      %swap3A_191 = arith.index_cast %swap3A : i32 to index
      %swap3A_192 = arith.index_cast %mul3A_190 : i32 to index
      %swap3A_193 = tpu.vector_load %arg18[%swap3A_191, %swap3A_192] {strides = array<i32>} : memref<8x2048xf32, #tpu.memory_space<vmem>>, vector<16xf32>,
      tpu.vector_store %arg18[%swap3A_191, %swap3A_192], %broadcast_in_dim3A_188 {strides = array<i32>} : memref<8x2048xf32, #tpu.memory_space<vmem>>, vector<16xf32>,
    }
    %scan3A_33 = arith.constant 128 : i32
    %scan3A_34 = arith.constant 0 : i32
    %scan3A_35 = arith.constant 128 : i32
    %scan3A_36 = arith.addi %scan3A_34, %scan3A_35 : i32
    %scan3A_37 = arith.constant 1 : i32
    scf.for %scan3A_182 = %scan3A_34 to %scan3A_36 step %scan3A_37  : i32 {
      %mul3A_183 = arith.constant 1 : i32
      %mul3A_184 = arith.muli %scan3A_182, %mul3A_183 : i32
      %add3A_185 = arith.constant 0 : i32
      %add3A_186 = arith.addi %add3A_185, %mul3A_184 : i32
      %broadcast_in_dim3A_187 = arith.constant 0.000000e+00 : f32
      %broadcast_in_dim3A_188 = vector.broadcast %broadcast_in_dim3A_187 : f32 to vector<16xf32>
      %mul3A_189 = arith.constant 16 : i32
      %mul3A_190 = arith.muli %add3A_186, %mul3A_189 : i32
      %swap3A = arith.constant 6 : i32
      %swap3A_191 = arith.index_cast %swap3A : i32 to index
      %swap3A_192 = arith.index_cast %mul3A_190 : i32 to index
      %swap3A_193 = tpu.vector_load %arg18[%swap3A_191, %swap3A_192] {strides = array<i32>} : memref<8x2048xf32, #tpu.memory_space<vmem>>, vector<16xf32>,
      tpu.vector_store %arg18[%swap3A_191, %swap3A_192], %broadcast_in_dim3A_188 {strides = array<i32>} : memref<8x2048xf32, #tpu.memory_space<vmem>>, vector<16xf32>,
    }
    %scan3A_38 = arith.constant 128 : i32
    %scan3A_39 = arith.constant 0 : i32
    %scan3A_40 = arith.constant 128 : i32
    %scan3A_41 = arith.addi %scan3A_39, %scan3A_40 : i32
    %scan3A_42 = arith.constant 1 : i32
    scf.for %scan3A_182 = %scan3A_39 to %scan3A_41 step %scan3A_42  : i32 {
      %mul3A_183 = arith.constant 1 : i32
      %mul3A_184 = arith.muli %scan3A_182, %mul3A_183 : i32
      %add3A_185 = arith.constant 0 : i32
      %add3A_186 = arith.addi %add3A_185, %mul3A_184 : i32
      %broadcast_in_dim3A_187 = arith.constant 0.000000e+00 : f32
      %broadcast_in_dim3A_188 = vector.broadcast %broadcast_in_dim3A_187 : f32 to vector<16xf32>
      %mul3A_189 = arith.constant 16 : i32
      %mul3A_190 = arith.muli %add3A_186, %mul3A_189 : i32
      %swap3A = arith.constant 7 : i32
      %swap3A_191 = arith.index_cast %swap3A : i32 to index
      %swap3A_192 = arith.index_cast %mul3A_190 : i32 to index
      %swap3A_193 = tpu.vector_load %arg18[%swap3A_191, %swap3A_192] {strides = array<i32>} : memref<8x2048xf32, #tpu.memory_space<vmem>>, vector<16xf32>,
      tpu.vector_store %arg18[%swap3A_191, %swap3A_192], %broadcast_in_dim3A_188 {strides = array<i32>} : memref<8x2048xf32, #tpu.memory_space<vmem>>, vector<16xf32>,
    }
    %scan3A_43 = arith.constant 128 : i32
    %sub3A = arith.constant 125 : i32
    %sub3A_44 = arith.subi %sub3A, %arg1 : i32
    %sub3A_45 = arith.constant 16 : i32
    %sub3A_46 = arith.constant 1 : i32
    %sub3A_47 = arith.subi %sub3A_45, %sub3A_46 : i32
    %add3A = arith.addi %sub3A_44, %sub3A_47 : i32
    %div3A = arith.constant 16 : i32
    %div3A_48 = arith.divsi %add3A, %div3A : i32
    %while3A = arith.constant 16 : i32
    %while3A_49 = arith.constant 0 : i32
    %while3A_50 = arith.subi %div3A_48, %while3A_49 : i32
    %while3A_51 = arith.addi %while3A_49, %while3A_50 : i32
    %while3A_52 = arith.constant 1 : i32
    %while3A_53 = arith.divsi %while3A_50, %while3A_52 : i32
    %while3A_54 = arith.muli %while3A_53, %while3A_52 : i32
    %while3A_55 = arith.addi %while3A_49, %while3A_54 : i32
    %while3A_56 = arith.constant 1 : i32
    scf.for %while3A_182 = %while3A_49 to %while3A_55 step %while3A_56  : i32 {
      %mul3A_183 = arith.muli %while3A_182, %while3A : i32
      %add3A_184 = arith.addi %arg1, %mul3A_183 : i32
      %mul3A_185 = arith.constant 80 : i32
      %mul3A_186 = arith.muli %add3A_184, %mul3A_185 : i32
      "tpu.region"() ({
        %run_scoped3A_187 = tpu.sem_alloc : memref<!tpu.dma_semaphore, #tpu.memory_space<semaphore_mem>>
        %dma_start3A_188 = arith.constant 0 : i32
        %dma_start3A_189 = tpu.memref_slice %arg11[%mul3A_186, %dma_start3A_188] : memref<10000x128xf32, #tpu.memory_space<vmem_shared>> -> memref<80x128xf32, #tpu.memory_space<vmem_shared>>
        %dma_start3A_190 = arith.constant 0 : i32
        %dma_start3A_191 = tpu.memref_slice %arg11[%mul3A_186, %dma_start3A_190] : memref<10000x128xf32, #tpu.memory_space<vmem_shared>> -> memref<80x128xf32, #tpu.memory_space<vmem_shared>>
        tpu.enqueue_dma source(%arg10 : memref<80x128xf32, #tpu.memory_space<vmem>>) target(%dma_start3A_191 : memref<80x128xf32, #tpu.memory_space<vmem_shared>>) target_semaphore(%run_scoped3A_187 : memref<!tpu.dma_semaphore, #tpu.memory_space<semaphore_mem>>)
        %dma_wait3A_192 = arith.constant 0 : i32
        %dma_wait3A_193 = tpu.memref_slice %arg11[%mul3A_186, %dma_wait3A_192] : memref<10000x128xf32, #tpu.memory_space<vmem_shared>> -> memref<80x128xf32, #tpu.memory_space<vmem_shared>>
        %dma_wait3A_194 = arith.constant 0 : i32
        %dma_wait3A_195 = tpu.memref_slice %arg11[%mul3A_186, %dma_wait3A_194] : memref<10000x128xf32, #tpu.memory_space<vmem_shared>> -> memref<80x128xf32, #tpu.memory_space<vmem_shared>>
        tpu.wait_dma2 semaphore(%run_scoped3A_187 : memref<!tpu.dma_semaphore, #tpu.memory_space<semaphore_mem>>) src(%arg10 : memref<80x128xf32, #tpu.memory_space<vmem>>) dst(%dma_wait3A_195 : memref<80x128xf32, #tpu.memory_space<vmem_shared>>)
        tpu.yield
      }) : () -> ()
    }
    %while3A_57 = arith.constant 1 : i32
    scf.for %while3A_182 = %while3A_55 to %while3A_51 step %while3A_57  : i32 {
      %mul3A_183 = arith.muli %while3A_182, %while3A : i32
      %add3A_184 = arith.addi %arg1, %mul3A_183 : i32
      %mul3A_185 = arith.constant 80 : i32
      %mul3A_186 = arith.muli %add3A_184, %mul3A_185 : i32
      "tpu.region"() ({
        %run_scoped3A_187 = tpu.sem_alloc : memref<!tpu.dma_semaphore, #tpu.memory_space<semaphore_mem>>
        %dma_start3A_188 = arith.constant 0 : i32
        %dma_start3A_189 = tpu.memref_slice %arg11[%mul3A_186, %dma_start3A_188] : memref<10000x128xf32, #tpu.memory_space<vmem_shared>> -> memref<80x128xf32, #tpu.memory_space<vmem_shared>>
        %dma_start3A_190 = arith.constant 0 : i32
        %dma_start3A_191 = tpu.memref_slice %arg11[%mul3A_186, %dma_start3A_190] : memref<10000x128xf32, #tpu.memory_space<vmem_shared>> -> memref<80x128xf32, #tpu.memory_space<vmem_shared>>
        tpu.enqueue_dma source(%arg10 : memref<80x128xf32, #tpu.memory_space<vmem>>) target(%dma_start3A_191 : memref<80x128xf32, #tpu.memory_space<vmem_shared>>) target_semaphore(%run_scoped3A_187 : memref<!tpu.dma_semaphore, #tpu.memory_space<semaphore_mem>>)
        %dma_wait3A_192 = arith.constant 0 : i32
        %dma_wait3A_193 = tpu.memref_slice %arg11[%mul3A_186, %dma_wait3A_192] : memref<10000x128xf32, #tpu.memory_space<vmem_shared>> -> memref<80x128xf32, #tpu.memory_space<vmem_shared>>
        %dma_wait3A_194 = arith.constant 0 : i32
        %dma_wait3A_195 = tpu.memref_slice %arg11[%mul3A_186, %dma_wait3A_194] : memref<10000x128xf32, #tpu.memory_space<vmem_shared>> -> memref<80x128xf32, #tpu.memory_space<vmem_shared>>
        tpu.wait_dma2 semaphore(%run_scoped3A_187 : memref<!tpu.dma_semaphore, #tpu.memory_space<semaphore_mem>>) src(%arg10 : memref<80x128xf32, #tpu.memory_space<vmem>>) dst(%dma_wait3A_195 : memref<80x128xf32, #tpu.memory_space<vmem_shared>>)
        tpu.yield
      }) : () -> ()
    }
    %mul3A = arith.constant 16 : i32
    %mul3A_58 = arith.muli %arg0, %mul3A : i32
    %add3A_59 = arith.addi %mul3A_58, %arg1 : i32
    %mul3A_60 = arith.constant 10000 : i32
    %mul3A_61 = arith.muli %add3A_59, %mul3A_60 : i32
    %add3A_62 = arith.constant 0 : i32
    %add3A_63 = arith.addi %mul3A_61, %add3A_62 : i32
    %dma_start3A = arith.constant 0 : i32
    %dma_start3A_64 = arith.constant 0 : i32
    %dma_start3A_65 = tpu.memref_slice %arg7[%dma_start3A, %dma_start3A_64] : memref<1x80xi32, #tpu.memory_space<vmem>> -> memref<1x80xi32, #tpu.memory_space<vmem>>
    %dma_start3A_66 = tpu.memref_squeeze %dma_start3A_65 : memref<1x80xi32, #tpu.memory_space<vmem>> -> memref<80xi32, #tpu.memory_space<vmem>>
    %dma_start3A_67 = tpu.memref_slice %arg3[%add3A_63] : memref<320000xi32, #tpu.memory_space<hbm>> -> memref<80xi32, #tpu.memory_space<hbm>>
    %dma_start3A_68 = arith.constant 0 : i32
    %dma_start3A_69 = tpu.memref_slice %arg7[%dma_start3A, %dma_start3A_68] : memref<1x80xi32, #tpu.memory_space<vmem>> -> memref<1x80xi32, #tpu.memory_space<vmem>>
    %dma_start3A_70 = tpu.memref_squeeze %dma_start3A_69 : memref<1x80xi32, #tpu.memory_space<vmem>> -> memref<80xi32, #tpu.memory_space<vmem>>
    %dma_start3A_71 = tpu.memref_slice %arg3[%add3A_63] : memref<320000xi32, #tpu.memory_space<hbm>> -> memref<80xi32, #tpu.memory_space<hbm>>
    tpu.enqueue_dma source(%dma_start3A_71 : memref<80xi32, #tpu.memory_space<hbm>>) target(%dma_start3A_70 : memref<80xi32, #tpu.memory_space<vmem>>) target_semaphore(%arg14 : memref<!tpu.dma_semaphore, #tpu.memory_space<semaphore_mem>>)
    %add3A_72 = arith.constant 0 : i32
    %add3A_73 = arith.addi %mul3A_61, %add3A_72 : i32
    %dma_start3A_74 = arith.constant 0 : i32
    %dma_start3A_75 = arith.constant 0 : i32
    %dma_start3A_76 = tpu.memref_slice %arg8[%dma_start3A_74, %dma_start3A_75] : memref<1x80xi32, #tpu.memory_space<vmem>> -> memref<1x80xi32, #tpu.memory_space<vmem>>
    %dma_start3A_77 = tpu.memref_squeeze %dma_start3A_76 : memref<1x80xi32, #tpu.memory_space<vmem>> -> memref<80xi32, #tpu.memory_space<vmem>>
    %dma_start3A_78 = tpu.memref_slice %arg4[%add3A_73] : memref<320000xi32, #tpu.memory_space<hbm>> -> memref<80xi32, #tpu.memory_space<hbm>>
    %dma_start3A_79 = arith.constant 0 : i32
    %dma_start3A_80 = tpu.memref_slice %arg8[%dma_start3A_74, %dma_start3A_79] : memref<1x80xi32, #tpu.memory_space<vmem>> -> memref<1x80xi32, #tpu.memory_space<vmem>>
    %dma_start3A_81 = tpu.memref_squeeze %dma_start3A_80 : memref<1x80xi32, #tpu.memory_space<vmem>> -> memref<80xi32, #tpu.memory_space<vmem>>
    %dma_start3A_82 = tpu.memref_slice %arg4[%add3A_73] : memref<320000xi32, #tpu.memory_space<hbm>> -> memref<80xi32, #tpu.memory_space<hbm>>
    tpu.enqueue_dma source(%dma_start3A_82 : memref<80xi32, #tpu.memory_space<hbm>>) target(%dma_start3A_81 : memref<80xi32, #tpu.memory_space<vmem>>) target_semaphore(%arg15 : memref<!tpu.dma_semaphore, #tpu.memory_space<semaphore_mem>>)
    %barrier3A = arith.constant 0 : index
    tpu.barrier barrier_id(%barrier3A)
    %scan3A_83 = arith.constant 0 : i32
    %scan3A_84 = arith.constant 62 : i32
    %scan3A_85 = arith.addi %scan3A_83, %scan3A_84 : i32
    %scan3A_86 = arith.constant 1 : i32
    scf.for %scan3A_182 = %scan3A_83 to %scan3A_85 step %scan3A_86  : i32 {
      %mul3A_183 = arith.constant 2 : i32
      %mul3A_184 = arith.muli %scan3A_182, %mul3A_183 : i32
      %add3A_185 = arith.constant 0 : i32
      %add3A_186 = arith.addi %add3A_185, %mul3A_184 : i32
      %mul3A_187 = arith.constant 80 : i32
      %mul3A_188 = arith.muli %add3A_186, %mul3A_187 : i32
      %add3A_189 = arith.addi %mul3A_61, %mul3A_188 : i32
      %dma_wait3A_190 = arith.constant 0 : i32
      %dma_wait3A_191 = arith.constant 0 : i32
      %dma_wait3A_192 = tpu.memref_slice %arg7[%dma_wait3A_190, %dma_wait3A_191] : memref<1x80xi32, #tpu.memory_space<vmem>> -> memref<1x80xi32, #tpu.memory_space<vmem>>
      %dma_wait3A_193 = tpu.memref_squeeze %dma_wait3A_192 : memref<1x80xi32, #tpu.memory_space<vmem>> -> memref<80xi32, #tpu.memory_space<vmem>>
      %dma_wait3A_194 = tpu.memref_slice %arg3[%add3A_189] : memref<320000xi32, #tpu.memory_space<hbm>> -> memref<80xi32, #tpu.memory_space<hbm>>
      %dma_wait3A_195 = arith.constant 0 : i32
      %dma_wait3A_196 = tpu.memref_slice %arg7[%dma_wait3A_190, %dma_wait3A_195] : memref<1x80xi32, #tpu.memory_space<vmem>> -> memref<1x80xi32, #tpu.memory_space<vmem>>
      %dma_wait3A_197 = tpu.memref_squeeze %dma_wait3A_196 : memref<1x80xi32, #tpu.memory_space<vmem>> -> memref<80xi32, #tpu.memory_space<vmem>>
      %dma_wait3A_198 = tpu.memref_slice %arg3[%add3A_189] : memref<320000xi32, #tpu.memory_space<hbm>> -> memref<80xi32, #tpu.memory_space<hbm>>
      tpu.wait_dma2 semaphore(%arg14 : memref<!tpu.dma_semaphore, #tpu.memory_space<semaphore_mem>>) src(%dma_wait3A_198 : memref<80xi32, #tpu.memory_space<hbm>>) dst(%dma_wait3A_197 : memref<80xi32, #tpu.memory_space<vmem>>)
      %mul3A_199 = arith.constant 80 : i32
      %mul3A_200 = arith.muli %add3A_186, %mul3A_199 : i32
      %add3A_201 = arith.addi %mul3A_61, %mul3A_200 : i32
      %dma_wait3A_202 = arith.constant 0 : i32
      %dma_wait3A_203 = arith.constant 0 : i32
      %dma_wait3A_204 = tpu.memref_slice %arg8[%dma_wait3A_202, %dma_wait3A_203] : memref<1x80xi32, #tpu.memory_space<vmem>> -> memref<1x80xi32, #tpu.memory_space<vmem>>
      %dma_wait3A_205 = tpu.memref_squeeze %dma_wait3A_204 : memref<1x80xi32, #tpu.memory_space<vmem>> -> memref<80xi32, #tpu.memory_space<vmem>>
      %dma_wait3A_206 = tpu.memref_slice %arg4[%add3A_201] : memref<320000xi32, #tpu.memory_space<hbm>> -> memref<80xi32, #tpu.memory_space<hbm>>
      %dma_wait3A_207 = arith.constant 0 : i32
      %dma_wait3A_208 = tpu.memref_slice %arg8[%dma_wait3A_202, %dma_wait3A_207] : memref<1x80xi32, #tpu.memory_space<vmem>> -> memref<1x80xi32, #tpu.memory_space<vmem>>
      %dma_wait3A_209 = tpu.memref_squeeze %dma_wait3A_208 : memref<1x80xi32, #tpu.memory_space<vmem>> -> memref<80xi32, #tpu.memory_space<vmem>>
      %dma_wait3A_210 = tpu.memref_slice %arg4[%add3A_201] : memref<320000xi32, #tpu.memory_space<hbm>> -> memref<80xi32, #tpu.memory_space<hbm>>
      tpu.wait_dma2 semaphore(%arg15 : memref<!tpu.dma_semaphore, #tpu.memory_space<semaphore_mem>>) src(%dma_wait3A_210 : memref<80xi32, #tpu.memory_space<hbm>>) dst(%dma_wait3A_209 : memref<80xi32, #tpu.memory_space<vmem>>)
      %add3A_211 = arith.constant 1 : i32
      %add3A_212 = arith.addi %add3A_186, %add3A_211 : i32
      %mul3A_213 = arith.constant 80 : i32
      %mul3A_214 = arith.muli %add3A_212, %mul3A_213 : i32
      %add3A_215 = arith.addi %mul3A_61, %mul3A_214 : i32
      %dma_start3A_216 = arith.constant 0 : i32
      %dma_start3A_217 = arith.constant 0 : i32
      %dma_start3A_218 = tpu.memref_slice %arg12[%dma_start3A_216, %dma_start3A_217] : memref<1x80xi32, #tpu.memory_space<vmem>> -> memref<1x80xi32, #tpu.memory_space<vmem>>
      %dma_start3A_219 = tpu.memref_squeeze %dma_start3A_218 : memref<1x80xi32, #tpu.memory_space<vmem>> -> memref<80xi32, #tpu.memory_space<vmem>>
      %dma_start3A_220 = tpu.memref_slice %arg3[%add3A_215] : memref<320000xi32, #tpu.memory_space<hbm>> -> memref<80xi32, #tpu.memory_space<hbm>>
      %dma_start3A_221 = arith.constant 0 : i32
      %dma_start3A_222 = tpu.memref_slice %arg12[%dma_start3A_216, %dma_start3A_221] : memref<1x80xi32, #tpu.memory_space<vmem>> -> memref<1x80xi32, #tpu.memory_space<vmem>>
      %dma_start3A_223 = tpu.memref_squeeze %dma_start3A_222 : memref<1x80xi32, #tpu.memory_space<vmem>> -> memref<80xi32, #tpu.memory_space<vmem>>
      %dma_start3A_224 = tpu.memref_slice %arg3[%add3A_215] : memref<320000xi32, #tpu.memory_space<hbm>> -> memref<80xi32, #tpu.memory_space<hbm>>
      tpu.enqueue_dma source(%dma_start3A_224 : memref<80xi32, #tpu.memory_space<hbm>>) target(%dma_start3A_223 : memref<80xi32, #tpu.memory_space<vmem>>) target_semaphore(%arg16 : memref<!tpu.dma_semaphore, #tpu.memory_space<semaphore_mem>>)
      %mul3A_225 = arith.constant 80 : i32
      %mul3A_226 = arith.muli %add3A_212, %mul3A_225 : i32
      %add3A_227 = arith.addi %mul3A_61, %mul3A_226 : i32
      %dma_start3A_228 = arith.constant 0 : i32
      %dma_start3A_229 = arith.constant 0 : i32
      %dma_start3A_230 = tpu.memref_slice %arg13[%dma_start3A_228, %dma_start3A_229] : memref<1x80xi32, #tpu.memory_space<vmem>> -> memref<1x80xi32, #tpu.memory_space<vmem>>
      %dma_start3A_231 = tpu.memref_squeeze %dma_start3A_230 : memref<1x80xi32, #tpu.memory_space<vmem>> -> memref<80xi32, #tpu.memory_space<vmem>>
      %dma_start3A_232 = tpu.memref_slice %arg4[%add3A_227] : memref<320000xi32, #tpu.memory_space<hbm>> -> memref<80xi32, #tpu.memory_space<hbm>>
      %dma_start3A_233 = arith.constant 0 : i32
      %dma_start3A_234 = tpu.memref_slice %arg13[%dma_start3A_228, %dma_start3A_233] : memref<1x80xi32, #tpu.memory_space<vmem>> -> memref<1x80xi32, #tpu.memory_space<vmem>>
      %dma_start3A_235 = tpu.memref_squeeze %dma_start3A_234 : memref<1x80xi32, #tpu.memory_space<vmem>> -> memref<80xi32, #tpu.memory_space<vmem>>
      %dma_start3A_236 = tpu.memref_slice %arg4[%add3A_227] : memref<320000xi32, #tpu.memory_space<hbm>> -> memref<80xi32, #tpu.memory_space<hbm>>
      tpu.enqueue_dma source(%dma_start3A_236 : memref<80xi32, #tpu.memory_space<hbm>>) target(%dma_start3A_235 : memref<80xi32, #tpu.memory_space<vmem>>) target_semaphore(%arg17 : memref<!tpu.dma_semaphore, #tpu.memory_space<semaphore_mem>>)
      %run_scoped3A_237 = arith.constant 0 : i32
      "tpu.region"() ({
        %run_scoped3A_397 = tpu.sem_alloc : memref<!tpu.dma_semaphore, #tpu.memory_space<semaphore_mem>>
        %dma_start3A_398 = arith.constant 0 : i32
        %dma_start3A_399 = tpu.memref_slice %arg7[%run_scoped3A_237, %dma_start3A_398] : memref<1x80xi32, #tpu.memory_space<vmem>> -> memref<1x80xi32, #tpu.memory_space<vmem>>
        %dma_start3A_400 = tpu.memref_squeeze %dma_start3A_399 : memref<1x80xi32, #tpu.memory_space<vmem>> -> memref<80xi32, #tpu.memory_space<vmem>>
        %dma_start3A_401 = arith.constant 0 : i32
        %dma_start3A_402 = arith.constant 0 : i32
        %dma_start3A_403 = tpu.memref_slice %arg2[%dma_start3A_401, %dma_start3A_402] : memref<10000x128xf32, #tpu.memory_space<hbm>> -> memref<10000x128xf32, #tpu.memory_space<hbm>>
        tpu.enqueue_indirect_dma source(%dma_start3A_403 : memref<10000x128xf32, #tpu.memory_space<hbm>>) target(%arg9 : memref<80x128xf32, #tpu.memory_space<vmem>>) offsets(%dma_start3A_400 : memref<80xi32, #tpu.memory_space<vmem>>) semaphore(%run_scoped3A_397 : memref<!tpu.dma_semaphore, #tpu.memory_space<semaphore_mem>>)
        %dma_wait3A_404 = arith.constant 0 : i32
        %dma_wait3A_405 = tpu.memref_slice %arg7[%run_scoped3A_237, %dma_wait3A_404] : memref<1x80xi32, #tpu.memory_space<vmem>> -> memref<1x80xi32, #tpu.memory_space<vmem>>
        %dma_wait3A_406 = tpu.memref_squeeze %dma_wait3A_405 : memref<1x80xi32, #tpu.memory_space<vmem>> -> memref<80xi32, #tpu.memory_space<vmem>>
        %dma_wait3A_407 = arith.constant 0 : i32
        %dma_wait3A_408 = arith.constant 0 : i32
        %dma_wait3A_409 = tpu.memref_slice %arg2[%dma_wait3A_407, %dma_wait3A_408] : memref<10000x128xf32, #tpu.memory_space<hbm>> -> memref<10000x128xf32, #tpu.memory_space<hbm>>
        tpu.wait_indirect_dma semaphore(%run_scoped3A_397 : memref<!tpu.dma_semaphore, #tpu.memory_space<semaphore_mem>>) src(%dma_wait3A_409 : memref<10000x128xf32, #tpu.memory_space<hbm>>) dst(%arg9 : memref<80x128xf32, #tpu.memory_space<vmem>>)
        tpu.yield
      }) : () -> ()
      %run_scoped3A_238 = arith.constant 0 : i32
      "tpu.region"() ({
        %run_scoped3A_397 = tpu.sem_alloc : memref<!tpu.dma_semaphore, #tpu.memory_space<semaphore_mem>>
        %dma_start3A_398 = arith.constant 0 : i32
        %dma_start3A_399 = tpu.memref_slice %arg8[%run_scoped3A_238, %dma_start3A_398] : memref<1x80xi32, #tpu.memory_space<vmem>> -> memref<1x80xi32, #tpu.memory_space<vmem>>
        %dma_start3A_400 = tpu.memref_squeeze %dma_start3A_399 : memref<1x80xi32, #tpu.memory_space<vmem>> -> memref<80xi32, #tpu.memory_space<vmem>>
        %dma_start3A_401 = arith.constant 0 : i32
        %dma_start3A_402 = arith.constant 0 : i32
        %dma_start3A_403 = tpu.memref_slice %arg11[%dma_start3A_401, %dma_start3A_402] : memref<10000x128xf32, #tpu.memory_space<vmem_shared>> -> memref<10000x128xf32, #tpu.memory_space<vmem_shared>>
        tpu.enqueue_indirect_dma source(%arg9 : memref<80x128xf32, #tpu.memory_space<vmem>>) target(%dma_start3A_403 : memref<10000x128xf32, #tpu.memory_space<vmem_shared>>) offsets(%dma_start3A_400 : memref<80xi32, #tpu.memory_space<vmem>>) semaphore(%run_scoped3A_397 : memref<!tpu.dma_semaphore, #tpu.memory_space<semaphore_mem>>) {add = true}
        %dma_wait3A_404 = arith.constant 0 : i32
        %dma_wait3A_405 = tpu.memref_slice %arg8[%run_scoped3A_238, %dma_wait3A_404] : memref<1x80xi32, #tpu.memory_space<vmem>> -> memref<1x80xi32, #tpu.memory_space<vmem>>
        %dma_wait3A_406 = tpu.memref_squeeze %dma_wait3A_405 : memref<1x80xi32, #tpu.memory_space<vmem>> -> memref<80xi32, #tpu.memory_space<vmem>>
        %dma_wait3A_407 = arith.constant 0 : i32
        %dma_wait3A_408 = arith.constant 0 : i32
        %dma_wait3A_409 = tpu.memref_slice %arg11[%dma_wait3A_407, %dma_wait3A_408] : memref<10000x128xf32, #tpu.memory_space<vmem_shared>> -> memref<10000x128xf32, #tpu.memory_space<vmem_shared>>
        tpu.wait_indirect_dma semaphore(%run_scoped3A_397 : memref<!tpu.dma_semaphore, #tpu.memory_space<semaphore_mem>>) src(%arg9 : memref<80x128xf32, #tpu.memory_space<vmem>>) dst(%dma_wait3A_409 : memref<10000x128xf32, #tpu.memory_space<vmem_shared>>)
        tpu.yield
      }) : () -> ()
      %broadcast_in_dim3A_239 = arith.constant 1.000000e+00 : f32
      %broadcast_in_dim3A_240 = vector.broadcast %broadcast_in_dim3A_239 : f32 to vector<16xf32>
      %get3A_241 = arith.constant 0 : i32
      %get3A_242 = arith.index_cast %get3A_241 : i32 to index
      %get3A_243 = arith.constant 0 : index
      %get3A_244 = tpu.vector_load %arg8[%get3A_242, %get3A_243] {strides = array<i32>} : memref<1x80xi32, #tpu.memory_space<vmem>>, vector<16xi32>,
      %shift_right_logical3A_245 = arith.constant 11 : i32
      %shift_right_logical3A_246 = vector.broadcast %shift_right_logical3A_245 : i32 to vector<16xi32>
      %shift_right_logical3A_247 = arith.shrui %get3A_244, %shift_right_logical3A_246 : vector<16xi32>
      %and3A_248 = arith.constant 2047 : i32
      %and3A_249 = vector.broadcast %and3A_248 : i32 to vector<16xi32>
      %and3A_250 = arith.andi %get3A_244, %and3A_249 : vector<16xi32>
      tpu.vector_store_idx %arg18[%shift_right_logical3A_247, %and3A_250], %broadcast_in_dim3A_240 {add = true} : memref<8x2048xf32, #tpu.memory_space<vmem>>[vector<16xi32>, vector<16xi32>], vector<16xf32>,
      %get3A_251 = arith.constant 0 : i32
      %get3A_252 = arith.index_cast %get3A_251 : i32 to index
      %get3A_253 = arith.constant 16 : index
      %get3A_254 = tpu.vector_load %arg8[%get3A_252, %get3A_253] {strides = array<i32>} : memref<1x80xi32, #tpu.memory_space<vmem>>, vector<16xi32>,
      %shift_right_logical3A_255 = arith.constant 11 : i32
      %shift_right_logical3A_256 = vector.broadcast %shift_right_logical3A_255 : i32 to vector<16xi32>
      %shift_right_logical3A_257 = arith.shrui %get3A_254, %shift_right_logical3A_256 : vector<16xi32>
      %and3A_258 = arith.constant 2047 : i32
      %and3A_259 = vector.broadcast %and3A_258 : i32 to vector<16xi32>
      %and3A_260 = arith.andi %get3A_254, %and3A_259 : vector<16xi32>
      tpu.vector_store_idx %arg18[%shift_right_logical3A_257, %and3A_260], %broadcast_in_dim3A_240 {add = true} : memref<8x2048xf32, #tpu.memory_space<vmem>>[vector<16xi32>, vector<16xi32>], vector<16xf32>,
      %get3A_261 = arith.constant 0 : i32
      %get3A_262 = arith.index_cast %get3A_261 : i32 to index
      %get3A_263 = arith.constant 32 : index
      %get3A_264 = tpu.vector_load %arg8[%get3A_262, %get3A_263] {strides = array<i32>} : memref<1x80xi32, #tpu.memory_space<vmem>>, vector<16xi32>,
      %shift_right_logical3A_265 = arith.constant 11 : i32
      %shift_right_logical3A_266 = vector.broadcast %shift_right_logical3A_265 : i32 to vector<16xi32>
      %shift_right_logical3A_267 = arith.shrui %get3A_264, %shift_right_logical3A_266 : vector<16xi32>
      %and3A_268 = arith.constant 2047 : i32
      %and3A_269 = vector.broadcast %and3A_268 : i32 to vector<16xi32>
      %and3A_270 = arith.andi %get3A_264, %and3A_269 : vector<16xi32>
      tpu.vector_store_idx %arg18[%shift_right_logical3A_267, %and3A_270], %broadcast_in_dim3A_240 {add = true} : memref<8x2048xf32, #tpu.memory_space<vmem>>[vector<16xi32>, vector<16xi32>], vector<16xf32>,
      %get3A_271 = arith.constant 0 : i32
      %get3A_272 = arith.index_cast %get3A_271 : i32 to index
      %get3A_273 = arith.constant 48 : index
      %get3A_274 = tpu.vector_load %arg8[%get3A_272, %get3A_273] {strides = array<i32>} : memref<1x80xi32, #tpu.memory_space<vmem>>, vector<16xi32>,
      %shift_right_logical3A_275 = arith.constant 11 : i32
      %shift_right_logical3A_276 = vector.broadcast %shift_right_logical3A_275 : i32 to vector<16xi32>
      %shift_right_logical3A_277 = arith.shrui %get3A_274, %shift_right_logical3A_276 : vector<16xi32>
      %and3A_278 = arith.constant 2047 : i32
      %and3A_279 = vector.broadcast %and3A_278 : i32 to vector<16xi32>
      %and3A_280 = arith.andi %get3A_274, %and3A_279 : vector<16xi32>
      tpu.vector_store_idx %arg18[%shift_right_logical3A_277, %and3A_280], %broadcast_in_dim3A_240 {add = true} : memref<8x2048xf32, #tpu.memory_space<vmem>>[vector<16xi32>, vector<16xi32>], vector<16xf32>,
      %get3A_281 = arith.constant 0 : i32
      %get3A_282 = arith.index_cast %get3A_281 : i32 to index
      %get3A_283 = arith.constant 64 : index
      %get3A_284 = tpu.vector_load %arg8[%get3A_282, %get3A_283] {strides = array<i32>} : memref<1x80xi32, #tpu.memory_space<vmem>>, vector<16xi32>,
      %shift_right_logical3A_285 = arith.constant 11 : i32
      %shift_right_logical3A_286 = vector.broadcast %shift_right_logical3A_285 : i32 to vector<16xi32>
      %shift_right_logical3A_287 = arith.shrui %get3A_284, %shift_right_logical3A_286 : vector<16xi32>
      %and3A_288 = arith.constant 2047 : i32
      %and3A_289 = vector.broadcast %and3A_288 : i32 to vector<16xi32>
      %and3A_290 = arith.andi %get3A_284, %and3A_289 : vector<16xi32>
      tpu.vector_store_idx %arg18[%shift_right_logical3A_287, %and3A_290], %broadcast_in_dim3A_240 {add = true} : memref<8x2048xf32, #tpu.memory_space<vmem>>[vector<16xi32>, vector<16xi32>], vector<16xf32>,
      %add3A_291 = arith.constant 1 : i32
      %add3A_292 = arith.addi %add3A_186, %add3A_291 : i32
      %mul3A_293 = arith.constant 80 : i32
      %mul3A_294 = arith.muli %add3A_292, %mul3A_293 : i32
      %add3A_295 = arith.addi %mul3A_61, %mul3A_294 : i32
      %dma_wait3A_296 = arith.constant 0 : i32
      %dma_wait3A_297 = arith.constant 0 : i32
      %dma_wait3A_298 = tpu.memref_slice %arg12[%dma_wait3A_296, %dma_wait3A_297] : memref<1x80xi32, #tpu.memory_space<vmem>> -> memref<1x80xi32, #tpu.memory_space<vmem>>
      %dma_wait3A_299 = tpu.memref_squeeze %dma_wait3A_298 : memref<1x80xi32, #tpu.memory_space<vmem>> -> memref<80xi32, #tpu.memory_space<vmem>>
      %dma_wait3A_300 = tpu.memref_slice %arg3[%add3A_295] : memref<320000xi32, #tpu.memory_space<hbm>> -> memref<80xi32, #tpu.memory_space<hbm>>
      %dma_wait3A_301 = arith.constant 0 : i32
      %dma_wait3A_302 = tpu.memref_slice %arg12[%dma_wait3A_296, %dma_wait3A_301] : memref<1x80xi32, #tpu.memory_space<vmem>> -> memref<1x80xi32, #tpu.memory_space<vmem>>
      %dma_wait3A_303 = tpu.memref_squeeze %dma_wait3A_302 : memref<1x80xi32, #tpu.memory_space<vmem>> -> memref<80xi32, #tpu.memory_space<vmem>>
      %dma_wait3A_304 = tpu.memref_slice %arg3[%add3A_295] : memref<320000xi32, #tpu.memory_space<hbm>> -> memref<80xi32, #tpu.memory_space<hbm>>
      tpu.wait_dma2 semaphore(%arg16 : memref<!tpu.dma_semaphore, #tpu.memory_space<semaphore_mem>>) src(%dma_wait3A_304 : memref<80xi32, #tpu.memory_space<hbm>>) dst(%dma_wait3A_303 : memref<80xi32, #tpu.memory_space<vmem>>)
      %mul3A_305 = arith.constant 80 : i32
      %mul3A_306 = arith.muli %add3A_292, %mul3A_305 : i32
      %add3A_307 = arith.addi %mul3A_61, %mul3A_306 : i32
      %dma_wait3A_308 = arith.constant 0 : i32
      %dma_wait3A_309 = arith.constant 0 : i32
      %dma_wait3A_310 = tpu.memref_slice %arg13[%dma_wait3A_308, %dma_wait3A_309] : memref<1x80xi32, #tpu.memory_space<vmem>> -> memref<1x80xi32, #tpu.memory_space<vmem>>
      %dma_wait3A_311 = tpu.memref_squeeze %dma_wait3A_310 : memref<1x80xi32, #tpu.memory_space<vmem>> -> memref<80xi32, #tpu.memory_space<vmem>>
      %dma_wait3A_312 = tpu.memref_slice %arg4[%add3A_307] : memref<320000xi32, #tpu.memory_space<hbm>> -> memref<80xi32, #tpu.memory_space<hbm>>
      %dma_wait3A_313 = arith.constant 0 : i32
      %dma_wait3A_314 = tpu.memref_slice %arg13[%dma_wait3A_308, %dma_wait3A_313] : memref<1x80xi32, #tpu.memory_space<vmem>> -> memref<1x80xi32, #tpu.memory_space<vmem>>
      %dma_wait3A_315 = tpu.memref_squeeze %dma_wait3A_314 : memref<1x80xi32, #tpu.memory_space<vmem>> -> memref<80xi32, #tpu.memory_space<vmem>>
      %dma_wait3A_316 = tpu.memref_slice %arg4[%add3A_307] : memref<320000xi32, #tpu.memory_space<hbm>> -> memref<80xi32, #tpu.memory_space<hbm>>
      tpu.wait_dma2 semaphore(%arg17 : memref<!tpu.dma_semaphore, #tpu.memory_space<semaphore_mem>>) src(%dma_wait3A_316 : memref<80xi32, #tpu.memory_space<hbm>>) dst(%dma_wait3A_315 : memref<80xi32, #tpu.memory_space<vmem>>)
      %add3A_317 = arith.constant 2 : i32
      %add3A_318 = arith.addi %add3A_186, %add3A_317 : i32
      %mul3A_319 = arith.constant 80 : i32
      %mul3A_320 = arith.muli %add3A_318, %mul3A_319 : i32
      %add3A_321 = arith.addi %mul3A_61, %mul3A_320 : i32
      %dma_start3A_322 = arith.constant 0 : i32
      %dma_start3A_323 = arith.constant 0 : i32
      %dma_start3A_324 = tpu.memref_slice %arg7[%dma_start3A_322, %dma_start3A_323] : memref<1x80xi32, #tpu.memory_space<vmem>> -> memref<1x80xi32, #tpu.memory_space<vmem>>
      %dma_start3A_325 = tpu.memref_squeeze %dma_start3A_324 : memref<1x80xi32, #tpu.memory_space<vmem>> -> memref<80xi32, #tpu.memory_space<vmem>>
      %dma_start3A_326 = tpu.memref_slice %arg3[%add3A_321] : memref<320000xi32, #tpu.memory_space<hbm>> -> memref<80xi32, #tpu.memory_space<hbm>>
      %dma_start3A_327 = arith.constant 0 : i32
      %dma_start3A_328 = tpu.memref_slice %arg7[%dma_start3A_322, %dma_start3A_327] : memref<1x80xi32, #tpu.memory_space<vmem>> -> memref<1x80xi32, #tpu.memory_space<vmem>>
      %dma_start3A_329 = tpu.memref_squeeze %dma_start3A_328 : memref<1x80xi32, #tpu.memory_space<vmem>> -> memref<80xi32, #tpu.memory_space<vmem>>
      %dma_start3A_330 = tpu.memref_slice %arg3[%add3A_321] : memref<320000xi32, #tpu.memory_space<hbm>> -> memref<80xi32, #tpu.memory_space<hbm>>
      tpu.enqueue_dma source(%dma_start3A_330 : memref<80xi32, #tpu.memory_space<hbm>>) target(%dma_start3A_329 : memref<80xi32, #tpu.memory_space<vmem>>) target_semaphore(%arg14 : memref<!tpu.dma_semaphore, #tpu.memory_space<semaphore_mem>>)
      %mul3A_331 = arith.constant 80 : i32
      %mul3A_332 = arith.muli %add3A_318, %mul3A_331 : i32
      %add3A_333 = arith.addi %mul3A_61, %mul3A_332 : i32
      %dma_start3A_334 = arith.constant 0 : i32
      %dma_start3A_335 = arith.constant 0 : i32
      %dma_start3A_336 = tpu.memref_slice %arg8[%dma_start3A_334, %dma_start3A_335] : memref<1x80xi32, #tpu.memory_space<vmem>> -> memref<1x80xi32, #tpu.memory_space<vmem>>
      %dma_start3A_337 = tpu.memref_squeeze %dma_start3A_336 : memref<1x80xi32, #tpu.memory_space<vmem>> -> memref<80xi32, #tpu.memory_space<vmem>>
      %dma_start3A_338 = tpu.memref_slice %arg4[%add3A_333] : memref<320000xi32, #tpu.memory_space<hbm>> -> memref<80xi32, #tpu.memory_space<hbm>>
      %dma_start3A_339 = arith.constant 0 : i32
      %dma_start3A_340 = tpu.memref_slice %arg8[%dma_start3A_334, %dma_start3A_339] : memref<1x80xi32, #tpu.memory_space<vmem>> -> memref<1x80xi32, #tpu.memory_space<vmem>>
      %dma_start3A_341 = tpu.memref_squeeze %dma_start3A_340 : memref<1x80xi32, #tpu.memory_space<vmem>> -> memref<80xi32, #tpu.memory_space<vmem>>
      %dma_start3A_342 = tpu.memref_slice %arg4[%add3A_333] : memref<320000xi32, #tpu.memory_space<hbm>> -> memref<80xi32, #tpu.memory_space<hbm>>
      tpu.enqueue_dma source(%dma_start3A_342 : memref<80xi32, #tpu.memory_space<hbm>>) target(%dma_start3A_341 : memref<80xi32, #tpu.memory_space<vmem>>) target_semaphore(%arg15 : memref<!tpu.dma_semaphore, #tpu.memory_space<semaphore_mem>>)
      %run_scoped3A_343 = arith.constant 0 : i32
      "tpu.region"() ({
        %run_scoped3A_397 = tpu.sem_alloc : memref<!tpu.dma_semaphore, #tpu.memory_space<semaphore_mem>>
        %dma_start3A_398 = arith.constant 0 : i32
        %dma_start3A_399 = tpu.memref_slice %arg12[%run_scoped3A_343, %dma_start3A_398] : memref<1x80xi32, #tpu.memory_space<vmem>> -> memref<1x80xi32, #tpu.memory_space<vmem>>
        %dma_start3A_400 = tpu.memref_squeeze %dma_start3A_399 : memref<1x80xi32, #tpu.memory_space<vmem>> -> memref<80xi32, #tpu.memory_space<vmem>>
        %dma_start3A_401 = arith.constant 0 : i32
        %dma_start3A_402 = arith.constant 0 : i32
        %dma_start3A_403 = tpu.memref_slice %arg2[%dma_start3A_401, %dma_start3A_402] : memref<10000x128xf32, #tpu.memory_space<hbm>> -> memref<10000x128xf32, #tpu.memory_space<hbm>>
        tpu.enqueue_indirect_dma source(%dma_start3A_403 : memref<10000x128xf32, #tpu.memory_space<hbm>>) target(%arg9 : memref<80x128xf32, #tpu.memory_space<vmem>>) offsets(%dma_start3A_400 : memref<80xi32, #tpu.memory_space<vmem>>) semaphore(%run_scoped3A_397 : memref<!tpu.dma_semaphore, #tpu.memory_space<semaphore_mem>>)
        %dma_wait3A_404 = arith.constant 0 : i32
        %dma_wait3A_405 = tpu.memref_slice %arg12[%run_scoped3A_343, %dma_wait3A_404] : memref<1x80xi32, #tpu.memory_space<vmem>> -> memref<1x80xi32, #tpu.memory_space<vmem>>
        %dma_wait3A_406 = tpu.memref_squeeze %dma_wait3A_405 : memref<1x80xi32, #tpu.memory_space<vmem>> -> memref<80xi32, #tpu.memory_space<vmem>>
        %dma_wait3A_407 = arith.constant 0 : i32
        %dma_wait3A_408 = arith.constant 0 : i32
        %dma_wait3A_409 = tpu.memref_slice %arg2[%dma_wait3A_407, %dma_wait3A_408] : memref<10000x128xf32, #tpu.memory_space<hbm>> -> memref<10000x128xf32, #tpu.memory_space<hbm>>
        tpu.wait_indirect_dma semaphore(%run_scoped3A_397 : memref<!tpu.dma_semaphore, #tpu.memory_space<semaphore_mem>>) src(%dma_wait3A_409 : memref<10000x128xf32, #tpu.memory_space<hbm>>) dst(%arg9 : memref<80x128xf32, #tpu.memory_space<vmem>>)
        tpu.yield
      }) : () -> ()
      %run_scoped3A_344 = arith.constant 0 : i32
      "tpu.region"() ({
        %run_scoped3A_397 = tpu.sem_alloc : memref<!tpu.dma_semaphore, #tpu.memory_space<semaphore_mem>>
        %dma_start3A_398 = arith.constant 0 : i32
        %dma_start3A_399 = tpu.memref_slice %arg13[%run_scoped3A_344, %dma_start3A_398] : memref<1x80xi32, #tpu.memory_space<vmem>> -> memref<1x80xi32, #tpu.memory_space<vmem>>
        %dma_start3A_400 = tpu.memref_squeeze %dma_start3A_399 : memref<1x80xi32, #tpu.memory_space<vmem>> -> memref<80xi32, #tpu.memory_space<vmem>>
        %dma_start3A_401 = arith.constant 0 : i32
        %dma_start3A_402 = arith.constant 0 : i32
        %dma_start3A_403 = tpu.memref_slice %arg11[%dma_start3A_401, %dma_start3A_402] : memref<10000x128xf32, #tpu.memory_space<vmem_shared>> -> memref<10000x128xf32, #tpu.memory_space<vmem_shared>>
        tpu.enqueue_indirect_dma source(%arg9 : memref<80x128xf32, #tpu.memory_space<vmem>>) target(%dma_start3A_403 : memref<10000x128xf32, #tpu.memory_space<vmem_shared>>) offsets(%dma_start3A_400 : memref<80xi32, #tpu.memory_space<vmem>>) semaphore(%run_scoped3A_397 : memref<!tpu.dma_semaphore, #tpu.memory_space<semaphore_mem>>) {add = true}
        %dma_wait3A_404 = arith.constant 0 : i32
        %dma_wait3A_405 = tpu.memref_slice %arg13[%run_scoped3A_344, %dma_wait3A_404] : memref<1x80xi32, #tpu.memory_space<vmem>> -> memref<1x80xi32, #tpu.memory_space<vmem>>
        %dma_wait3A_406 = tpu.memref_squeeze %dma_wait3A_405 : memref<1x80xi32, #tpu.memory_space<vmem>> -> memref<80xi32, #tpu.memory_space<vmem>>
        %dma_wait3A_407 = arith.constant 0 : i32
        %dma_wait3A_408 = arith.constant 0 : i32
        %dma_wait3A_409 = tpu.memref_slice %arg11[%dma_wait3A_407, %dma_wait3A_408] : memref<10000x128xf32, #tpu.memory_space<vmem_shared>> -> memref<10000x128xf32, #tpu.memory_space<vmem_shared>>
        tpu.wait_indirect_dma semaphore(%run_scoped3A_397 : memref<!tpu.dma_semaphore, #tpu.memory_space<semaphore_mem>>) src(%arg9 : memref<80x128xf32, #tpu.memory_space<vmem>>) dst(%dma_wait3A_409 : memref<10000x128xf32, #tpu.memory_space<vmem_shared>>)
        tpu.yield
      }) : () -> ()
      %broadcast_in_dim3A_345 = arith.constant 1.000000e+00 : f32
      %broadcast_in_dim3A_346 = vector.broadcast %broadcast_in_dim3A_345 : f32 to vector<16xf32>
      %get3A_347 = arith.constant 0 : i32
      %get3A_348 = arith.index_cast %get3A_347 : i32 to index
      %get3A_349 = arith.constant 0 : index
      %get3A_350 = tpu.vector_load %arg13[%get3A_348, %get3A_349] {strides = array<i32>} : memref<1x80xi32, #tpu.memory_space<vmem>>, vector<16xi32>,
      %shift_right_logical3A_351 = arith.constant 11 : i32
      %shift_right_logical3A_352 = vector.broadcast %shift_right_logical3A_351 : i32 to vector<16xi32>
      %shift_right_logical3A_353 = arith.shrui %get3A_350, %shift_right_logical3A_352 : vector<16xi32>
      %and3A_354 = arith.constant 2047 : i32
      %and3A_355 = vector.broadcast %and3A_354 : i32 to vector<16xi32>
      %and3A_356 = arith.andi %get3A_350, %and3A_355 : vector<16xi32>
      tpu.vector_store_idx %arg18[%shift_right_logical3A_353, %and3A_356], %broadcast_in_dim3A_346 {add = true} : memref<8x2048xf32, #tpu.memory_space<vmem>>[vector<16xi32>, vector<16xi32>], vector<16xf32>,
      %get3A_357 = arith.constant 0 : i32
      %get3A_358 = arith.index_cast %get3A_357 : i32 to index
      %get3A_359 = arith.constant 16 : index
      %get3A_360 = tpu.vector_load %arg13[%get3A_358, %get3A_359] {strides = array<i32>} : memref<1x80xi32, #tpu.memory_space<vmem>>, vector<16xi32>,
      %shift_right_logical3A_361 = arith.constant 11 : i32
      %shift_right_logical3A_362 = vector.broadcast %shift_right_logical3A_361 : i32 to vector<16xi32>
      %shift_right_logical3A_363 = arith.shrui %get3A_360, %shift_right_logical3A_362 : vector<16xi32>
      %and3A_364 = arith.constant 2047 : i32
      %and3A_365 = vector.broadcast %and3A_364 : i32 to vector<16xi32>
      %and3A_366 = arith.andi %get3A_360, %and3A_365 : vector<16xi32>
      tpu.vector_store_idx %arg18[%shift_right_logical3A_363, %and3A_366], %broadcast_in_dim3A_346 {add = true} : memref<8x2048xf32, #tpu.memory_space<vmem>>[vector<16xi32>, vector<16xi32>], vector<16xf32>,
      %get3A_367 = arith.constant 0 : i32
      %get3A_368 = arith.index_cast %get3A_367 : i32 to index
      %get3A_369 = arith.constant 32 : index
      %get3A_370 = tpu.vector_load %arg13[%get3A_368, %get3A_369] {strides = array<i32>} : memref<1x80xi32, #tpu.memory_space<vmem>>, vector<16xi32>,
      %shift_right_logical3A_371 = arith.constant 11 : i32
      %shift_right_logical3A_372 = vector.broadcast %shift_right_logical3A_371 : i32 to vector<16xi32>
      %shift_right_logical3A_373 = arith.shrui %get3A_370, %shift_right_logical3A_372 : vector<16xi32>
      %and3A_374 = arith.constant 2047 : i32
      %and3A_375 = vector.broadcast %and3A_374 : i32 to vector<16xi32>
      %and3A_376 = arith.andi %get3A_370, %and3A_375 : vector<16xi32>
      tpu.vector_store_idx %arg18[%shift_right_logical3A_373, %and3A_376], %broadcast_in_dim3A_346 {add = true} : memref<8x2048xf32, #tpu.memory_space<vmem>>[vector<16xi32>, vector<16xi32>], vector<16xf32>,
      %get3A_377 = arith.constant 0 : i32
      %get3A_378 = arith.index_cast %get3A_377 : i32 to index
      %get3A_379 = arith.constant 48 : index
      %get3A_380 = tpu.vector_load %arg13[%get3A_378, %get3A_379] {strides = array<i32>} : memref<1x80xi32, #tpu.memory_space<vmem>>, vector<16xi32>,
      %shift_right_logical3A_381 = arith.constant 11 : i32
      %shift_right_logical3A_382 = vector.broadcast %shift_right_logical3A_381 : i32 to vector<16xi32>
      %shift_right_logical3A_383 = arith.shrui %get3A_380, %shift_right_logical3A_382 : vector<16xi32>
      %and3A_384 = arith.constant 2047 : i32
      %and3A_385 = vector.broadcast %and3A_384 : i32 to vector<16xi32>
      %and3A_386 = arith.andi %get3A_380, %and3A_385 : vector<16xi32>
      tpu.vector_store_idx %arg18[%shift_right_logical3A_383, %and3A_386], %broadcast_in_dim3A_346 {add = true} : memref<8x2048xf32, #tpu.memory_space<vmem>>[vector<16xi32>, vector<16xi32>], vector<16xf32>,
      %get3A_387 = arith.constant 0 : i32
      %get3A_388 = arith.index_cast %get3A_387 : i32 to index
      %get3A_389 = arith.constant 64 : index
      %get3A_390 = tpu.vector_load %arg13[%get3A_388, %get3A_389] {strides = array<i32>} : memref<1x80xi32, #tpu.memory_space<vmem>>, vector<16xi32>,
      %shift_right_logical3A_391 = arith.constant 11 : i32
      %shift_right_logical3A_392 = vector.broadcast %shift_right_logical3A_391 : i32 to vector<16xi32>
      %shift_right_logical3A_393 = arith.shrui %get3A_390, %shift_right_logical3A_392 : vector<16xi32>
      %and3A_394 = arith.constant 2047 : i32
      %and3A_395 = vector.broadcast %and3A_394 : i32 to vector<16xi32>
      %and3A_396 = arith.andi %get3A_390, %and3A_395 : vector<16xi32>
      tpu.vector_store_idx %arg18[%shift_right_logical3A_393, %and3A_396], %broadcast_in_dim3A_346 {add = true} : memref<8x2048xf32, #tpu.memory_space<vmem>>[vector<16xi32>, vector<16xi32>], vector<16xf32>,
    }
    %scan3A_87 = arith.constant 62 : i32
    %add3A_88 = arith.constant 9920 : i32
    %add3A_89 = arith.addi %mul3A_61, %add3A_88 : i32
    %dma_wait3A = arith.constant 0 : i32
    %dma_wait3A_90 = arith.constant 0 : i32
    %dma_wait3A_91 = tpu.memref_slice %arg7[%dma_wait3A, %dma_wait3A_90] : memref<1x80xi32, #tpu.memory_space<vmem>> -> memref<1x80xi32, #tpu.memory_space<vmem>>
    %dma_wait3A_92 = tpu.memref_squeeze %dma_wait3A_91 : memref<1x80xi32, #tpu.memory_space<vmem>> -> memref<80xi32, #tpu.memory_space<vmem>>
    %dma_wait3A_93 = tpu.memref_slice %arg3[%add3A_89] : memref<320000xi32, #tpu.memory_space<hbm>> -> memref<80xi32, #tpu.memory_space<hbm>>
    %dma_wait3A_94 = arith.constant 0 : i32
    %dma_wait3A_95 = tpu.memref_slice %arg7[%dma_wait3A, %dma_wait3A_94] : memref<1x80xi32, #tpu.memory_space<vmem>> -> memref<1x80xi32, #tpu.memory_space<vmem>>
    %dma_wait3A_96 = tpu.memref_squeeze %dma_wait3A_95 : memref<1x80xi32, #tpu.memory_space<vmem>> -> memref<80xi32, #tpu.memory_space<vmem>>
    %dma_wait3A_97 = tpu.memref_slice %arg3[%add3A_89] : memref<320000xi32, #tpu.memory_space<hbm>> -> memref<80xi32, #tpu.memory_space<hbm>>
    tpu.wait_dma2 semaphore(%arg14 : memref<!tpu.dma_semaphore, #tpu.memory_space<semaphore_mem>>) src(%dma_wait3A_97 : memref<80xi32, #tpu.memory_space<hbm>>) dst(%dma_wait3A_96 : memref<80xi32, #tpu.memory_space<vmem>>)
    %add3A_98 = arith.constant 9920 : i32
    %add3A_99 = arith.addi %mul3A_61, %add3A_98 : i32
    %dma_wait3A_100 = arith.constant 0 : i32
    %dma_wait3A_101 = arith.constant 0 : i32
    %dma_wait3A_102 = tpu.memref_slice %arg8[%dma_wait3A_100, %dma_wait3A_101] : memref<1x80xi32, #tpu.memory_space<vmem>> -> memref<1x80xi32, #tpu.memory_space<vmem>>
    %dma_wait3A_103 = tpu.memref_squeeze %dma_wait3A_102 : memref<1x80xi32, #tpu.memory_space<vmem>> -> memref<80xi32, #tpu.memory_space<vmem>>
    %dma_wait3A_104 = tpu.memref_slice %arg4[%add3A_99] : memref<320000xi32, #tpu.memory_space<hbm>> -> memref<80xi32, #tpu.memory_space<hbm>>
    %dma_wait3A_105 = arith.constant 0 : i32
    %dma_wait3A_106 = tpu.memref_slice %arg8[%dma_wait3A_100, %dma_wait3A_105] : memref<1x80xi32, #tpu.memory_space<vmem>> -> memref<1x80xi32, #tpu.memory_space<vmem>>
    %dma_wait3A_107 = tpu.memref_squeeze %dma_wait3A_106 : memref<1x80xi32, #tpu.memory_space<vmem>> -> memref<80xi32, #tpu.memory_space<vmem>>
    %dma_wait3A_108 = tpu.memref_slice %arg4[%add3A_99] : memref<320000xi32, #tpu.memory_space<hbm>> -> memref<80xi32, #tpu.memory_space<hbm>>
    tpu.wait_dma2 semaphore(%arg15 : memref<!tpu.dma_semaphore, #tpu.memory_space<semaphore_mem>>) src(%dma_wait3A_108 : memref<80xi32, #tpu.memory_space<hbm>>) dst(%dma_wait3A_107 : memref<80xi32, #tpu.memory_space<vmem>>)
    %run_scoped3A = arith.constant 0 : i32
    "tpu.region"() ({
      %run_scoped3A_182 = tpu.sem_alloc : memref<!tpu.dma_semaphore, #tpu.memory_space<semaphore_mem>>
      %dma_start3A_183 = arith.constant 0 : i32
      %dma_start3A_184 = tpu.memref_slice %arg7[%run_scoped3A, %dma_start3A_183] : memref<1x80xi32, #tpu.memory_space<vmem>> -> memref<1x80xi32, #tpu.memory_space<vmem>>
      %dma_start3A_185 = tpu.memref_squeeze %dma_start3A_184 : memref<1x80xi32, #tpu.memory_space<vmem>> -> memref<80xi32, #tpu.memory_space<vmem>>
      %dma_start3A_186 = arith.constant 0 : i32
      %dma_start3A_187 = arith.constant 0 : i32
      %dma_start3A_188 = tpu.memref_slice %arg2[%dma_start3A_186, %dma_start3A_187] : memref<10000x128xf32, #tpu.memory_space<hbm>> -> memref<10000x128xf32, #tpu.memory_space<hbm>>
      tpu.enqueue_indirect_dma source(%dma_start3A_188 : memref<10000x128xf32, #tpu.memory_space<hbm>>) target(%arg9 : memref<80x128xf32, #tpu.memory_space<vmem>>) offsets(%dma_start3A_185 : memref<80xi32, #tpu.memory_space<vmem>>) semaphore(%run_scoped3A_182 : memref<!tpu.dma_semaphore, #tpu.memory_space<semaphore_mem>>)
      %dma_wait3A_189 = arith.constant 0 : i32
      %dma_wait3A_190 = tpu.memref_slice %arg7[%run_scoped3A, %dma_wait3A_189] : memref<1x80xi32, #tpu.memory_space<vmem>> -> memref<1x80xi32, #tpu.memory_space<vmem>>
      %dma_wait3A_191 = tpu.memref_squeeze %dma_wait3A_190 : memref<1x80xi32, #tpu.memory_space<vmem>> -> memref<80xi32, #tpu.memory_space<vmem>>
      %dma_wait3A_192 = arith.constant 0 : i32
      %dma_wait3A_193 = arith.constant 0 : i32
      %dma_wait3A_194 = tpu.memref_slice %arg2[%dma_wait3A_192, %dma_wait3A_193] : memref<10000x128xf32, #tpu.memory_space<hbm>> -> memref<10000x128xf32, #tpu.memory_space<hbm>>
      tpu.wait_indirect_dma semaphore(%run_scoped3A_182 : memref<!tpu.dma_semaphore, #tpu.memory_space<semaphore_mem>>) src(%dma_wait3A_194 : memref<10000x128xf32, #tpu.memory_space<hbm>>) dst(%arg9 : memref<80x128xf32, #tpu.memory_space<vmem>>)
      tpu.yield
    }) : () -> ()
    %run_scoped3A_109 = arith.constant 0 : i32
    "tpu.region"() ({
      %run_scoped3A_182 = tpu.sem_alloc : memref<!tpu.dma_semaphore, #tpu.memory_space<semaphore_mem>>
      %dma_start3A_183 = arith.constant 0 : i32
      %dma_start3A_184 = tpu.memref_slice %arg8[%run_scoped3A_109, %dma_start3A_183] : memref<1x80xi32, #tpu.memory_space<vmem>> -> memref<1x80xi32, #tpu.memory_space<vmem>>
      %dma_start3A_185 = tpu.memref_squeeze %dma_start3A_184 : memref<1x80xi32, #tpu.memory_space<vmem>> -> memref<80xi32, #tpu.memory_space<vmem>>
      %dma_start3A_186 = arith.constant 0 : i32
      %dma_start3A_187 = arith.constant 0 : i32
      %dma_start3A_188 = tpu.memref_slice %arg11[%dma_start3A_186, %dma_start3A_187] : memref<10000x128xf32, #tpu.memory_space<vmem_shared>> -> memref<10000x128xf32, #tpu.memory_space<vmem_shared>>
      tpu.enqueue_indirect_dma source(%arg9 : memref<80x128xf32, #tpu.memory_space<vmem>>) target(%dma_start3A_188 : memref<10000x128xf32, #tpu.memory_space<vmem_shared>>) offsets(%dma_start3A_185 : memref<80xi32, #tpu.memory_space<vmem>>) semaphore(%run_scoped3A_182 : memref<!tpu.dma_semaphore, #tpu.memory_space<semaphore_mem>>) {add = true}
      %dma_wait3A_189 = arith.constant 0 : i32
      %dma_wait3A_190 = tpu.memref_slice %arg8[%run_scoped3A_109, %dma_wait3A_189] : memref<1x80xi32, #tpu.memory_space<vmem>> -> memref<1x80xi32, #tpu.memory_space<vmem>>
      %dma_wait3A_191 = tpu.memref_squeeze %dma_wait3A_190 : memref<1x80xi32, #tpu.memory_space<vmem>> -> memref<80xi32, #tpu.memory_space<vmem>>
      %dma_wait3A_192 = arith.constant 0 : i32
      %dma_wait3A_193 = arith.constant 0 : i32
      %dma_wait3A_194 = tpu.memref_slice %arg11[%dma_wait3A_192, %dma_wait3A_193] : memref<10000x128xf32, #tpu.memory_space<vmem_shared>> -> memref<10000x128xf32, #tpu.memory_space<vmem_shared>>
      tpu.wait_indirect_dma semaphore(%run_scoped3A_182 : memref<!tpu.dma_semaphore, #tpu.memory_space<semaphore_mem>>) src(%arg9 : memref<80x128xf32, #tpu.memory_space<vmem>>) dst(%dma_wait3A_194 : memref<10000x128xf32, #tpu.memory_space<vmem_shared>>)
      tpu.yield
    }) : () -> ()
    %broadcast_in_dim3A = arith.constant 1.000000e+00 : f32
    %broadcast_in_dim3A_110 = vector.broadcast %broadcast_in_dim3A : f32 to vector<16xf32>
    %get3A = arith.constant 0 : i32
    %get3A_111 = arith.index_cast %get3A : i32 to index
    %get3A_112 = arith.constant 0 : index
    %get3A_113 = tpu.vector_load %arg8[%get3A_111, %get3A_112] {strides = array<i32>} : memref<1x80xi32, #tpu.memory_space<vmem>>, vector<16xi32>,
    %shift_right_logical3A = arith.constant 11 : i32
    %shift_right_logical3A_114 = vector.broadcast %shift_right_logical3A : i32 to vector<16xi32>
    %shift_right_logical3A_115 = arith.shrui %get3A_113, %shift_right_logical3A_114 : vector<16xi32>
    %and3A = arith.constant 2047 : i32
    %and3A_116 = vector.broadcast %and3A : i32 to vector<16xi32>
    %and3A_117 = arith.andi %get3A_113, %and3A_116 : vector<16xi32>
    tpu.vector_store_idx %arg18[%shift_right_logical3A_115, %and3A_117], %broadcast_in_dim3A_110 {add = true} : memref<8x2048xf32, #tpu.memory_space<vmem>>[vector<16xi32>, vector<16xi32>], vector<16xf32>,
    %get3A_118 = arith.constant 0 : i32
    %get3A_119 = arith.index_cast %get3A_118 : i32 to index
    %get3A_120 = arith.constant 16 : index
    %get3A_121 = tpu.vector_load %arg8[%get3A_119, %get3A_120] {strides = array<i32>} : memref<1x80xi32, #tpu.memory_space<vmem>>, vector<16xi32>,
    %shift_right_logical3A_122 = arith.constant 11 : i32
    %shift_right_logical3A_123 = vector.broadcast %shift_right_logical3A_122 : i32 to vector<16xi32>
    %shift_right_logical3A_124 = arith.shrui %get3A_121, %shift_right_logical3A_123 : vector<16xi32>
    %and3A_125 = arith.constant 2047 : i32
    %and3A_126 = vector.broadcast %and3A_125 : i32 to vector<16xi32>
    %and3A_127 = arith.andi %get3A_121, %and3A_126 : vector<16xi32>
    tpu.vector_store_idx %arg18[%shift_right_logical3A_124, %and3A_127], %broadcast_in_dim3A_110 {add = true} : memref<8x2048xf32, #tpu.memory_space<vmem>>[vector<16xi32>, vector<16xi32>], vector<16xf32>,
    %get3A_128 = arith.constant 0 : i32
    %get3A_129 = arith.index_cast %get3A_128 : i32 to index
    %get3A_130 = arith.constant 32 : index
    %get3A_131 = tpu.vector_load %arg8[%get3A_129, %get3A_130] {strides = array<i32>} : memref<1x80xi32, #tpu.memory_space<vmem>>, vector<16xi32>,
    %shift_right_logical3A_132 = arith.constant 11 : i32
    %shift_right_logical3A_133 = vector.broadcast %shift_right_logical3A_132 : i32 to vector<16xi32>
    %shift_right_logical3A_134 = arith.shrui %get3A_131, %shift_right_logical3A_133 : vector<16xi32>
    %and3A_135 = arith.constant 2047 : i32
    %and3A_136 = vector.broadcast %and3A_135 : i32 to vector<16xi32>
    %and3A_137 = arith.andi %get3A_131, %and3A_136 : vector<16xi32>
    tpu.vector_store_idx %arg18[%shift_right_logical3A_134, %and3A_137], %broadcast_in_dim3A_110 {add = true} : memref<8x2048xf32, #tpu.memory_space<vmem>>[vector<16xi32>, vector<16xi32>], vector<16xf32>,
    %get3A_138 = arith.constant 0 : i32
    %get3A_139 = arith.index_cast %get3A_138 : i32 to index
    %get3A_140 = arith.constant 48 : index
    %get3A_141 = tpu.vector_load %arg8[%get3A_139, %get3A_140] {strides = array<i32>} : memref<1x80xi32, #tpu.memory_space<vmem>>, vector<16xi32>,
    %shift_right_logical3A_142 = arith.constant 11 : i32
    %shift_right_logical3A_143 = vector.broadcast %shift_right_logical3A_142 : i32 to vector<16xi32>
    %shift_right_logical3A_144 = arith.shrui %get3A_141, %shift_right_logical3A_143 : vector<16xi32>
    %and3A_145 = arith.constant 2047 : i32
    %and3A_146 = vector.broadcast %and3A_145 : i32 to vector<16xi32>
    %and3A_147 = arith.andi %get3A_141, %and3A_146 : vector<16xi32>
    tpu.vector_store_idx %arg18[%shift_right_logical3A_144, %and3A_147], %broadcast_in_dim3A_110 {add = true} : memref<8x2048xf32, #tpu.memory_space<vmem>>[vector<16xi32>, vector<16xi32>], vector<16xf32>,
    %get3A_148 = arith.constant 0 : i32
    %get3A_149 = arith.index_cast %get3A_148 : i32 to index
    %get3A_150 = arith.constant 64 : index
    %get3A_151 = tpu.vector_load %arg8[%get3A_149, %get3A_150] {strides = array<i32>} : memref<1x80xi32, #tpu.memory_space<vmem>>, vector<16xi32>,
    %shift_right_logical3A_152 = arith.constant 11 : i32
    %shift_right_logical3A_153 = vector.broadcast %shift_right_logical3A_152 : i32 to vector<16xi32>
    %shift_right_logical3A_154 = arith.shrui %get3A_151, %shift_right_logical3A_153 : vector<16xi32>
    %and3A_155 = arith.constant 2047 : i32
    %and3A_156 = vector.broadcast %and3A_155 : i32 to vector<16xi32>
    %and3A_157 = arith.andi %get3A_151, %and3A_156 : vector<16xi32>
    tpu.vector_store_idx %arg18[%shift_right_logical3A_154, %and3A_157], %broadcast_in_dim3A_110 {add = true} : memref<8x2048xf32, #tpu.memory_space<vmem>>[vector<16xi32>, vector<16xi32>], vector<16xf32>,
    %barrier3A_158 = arith.constant 0 : index
    tpu.barrier barrier_id(%barrier3A_158)
    %sub3A_159 = arith.constant 125 : i32
    %sub3A_160 = arith.subi %sub3A_159, %arg1 : i32
    %sub3A_161 = arith.constant 16 : i32
    %sub3A_162 = arith.constant 1 : i32
    %sub3A_163 = arith.subi %sub3A_161, %sub3A_162 : i32
    %add3A_164 = arith.addi %sub3A_160, %sub3A_163 : i32
    %div3A_165 = arith.constant 16 : i32
    %div3A_166 = arith.divsi %add3A_164, %div3A_165 : i32
    %while3A_167 = arith.constant 16 : i32
    %while3A_168 = arith.constant 0 : i32
    %while3A_169 = arith.subi %div3A_166, %while3A_168 : i32
    %while3A_170 = arith.addi %while3A_168, %while3A_169 : i32
    %while3A_171 = arith.constant 1 : i32
    %while3A_172 = arith.divsi %while3A_169, %while3A_171 : i32
    %while3A_173 = arith.muli %while3A_172, %while3A_171 : i32
    %while3A_174 = arith.addi %while3A_168, %while3A_173 : i32
    %while3A_175 = arith.constant 1 : i32
    scf.for %while3A_182 = %while3A_168 to %while3A_174 step %while3A_175  : i32 {
      %mul3A_183 = arith.muli %while3A_182, %while3A_167 : i32
      %add3A_184 = arith.addi %arg1, %mul3A_183 : i32
      %mul3A_185 = arith.constant 80 : i32
      %mul3A_186 = arith.muli %add3A_184, %mul3A_185 : i32
      "tpu.region"() ({
        %run_scoped3A_187 = tpu.sem_alloc : memref<!tpu.dma_semaphore, #tpu.memory_space<semaphore_mem>>
        %dma_start3A_188 = arith.constant 0 : i32
        %dma_start3A_189 = arith.constant 0 : i32
        %dma_start3A_190 = tpu.memref_slice %arg5[%arg0, %dma_start3A_188, %dma_start3A_189] : memref<2x10000x128xf32, #tpu.memory_space<hbm>> -> memref<1x10000x128xf32, #tpu.memory_space<hbm>>
        %dma_start3A_191 = tpu.memref_squeeze %dma_start3A_190 : memref<1x10000x128xf32, #tpu.memory_space<hbm>> -> memref<10000x128xf32, #tpu.memory_space<hbm>>
        %dma_start3A_192 = arith.constant 0 : i32
        %dma_start3A_193 = tpu.memref_slice %dma_start3A_191[%mul3A_186, %dma_start3A_192] : memref<10000x128xf32, #tpu.memory_space<hbm>> -> memref<80x128xf32, #tpu.memory_space<hbm>>
        %dma_start3A_194 = arith.constant 0 : i32
        %dma_start3A_195 = tpu.memref_slice %arg11[%mul3A_186, %dma_start3A_194] : memref<10000x128xf32, #tpu.memory_space<vmem_shared>> -> memref<80x128xf32, #tpu.memory_space<vmem_shared>>
        tpu.enqueue_dma source(%dma_start3A_195 : memref<80x128xf32, #tpu.memory_space<vmem_shared>>) target(%dma_start3A_193 : memref<80x128xf32, #tpu.memory_space<hbm>>) target_semaphore(%run_scoped3A_187 : memref<!tpu.dma_semaphore, #tpu.memory_space<semaphore_mem>>)
        %dma_wait3A_196 = arith.constant 0 : i32
        %dma_wait3A_197 = arith.constant 0 : i32
        %dma_wait3A_198 = tpu.memref_slice %arg5[%arg0, %dma_wait3A_196, %dma_wait3A_197] : memref<2x10000x128xf32, #tpu.memory_space<hbm>> -> memref<1x10000x128xf32, #tpu.memory_space<hbm>>
        %dma_wait3A_199 = tpu.memref_squeeze %dma_wait3A_198 : memref<1x10000x128xf32, #tpu.memory_space<hbm>> -> memref<10000x128xf32, #tpu.memory_space<hbm>>
        %dma_wait3A_200 = arith.constant 0 : i32
        %dma_wait3A_201 = tpu.memref_slice %dma_wait3A_199[%mul3A_186, %dma_wait3A_200] : memref<10000x128xf32, #tpu.memory_space<hbm>> -> memref<80x128xf32, #tpu.memory_space<hbm>>
        %dma_wait3A_202 = arith.constant 0 : i32
        %dma_wait3A_203 = tpu.memref_slice %arg11[%mul3A_186, %dma_wait3A_202] : memref<10000x128xf32, #tpu.memory_space<vmem_shared>> -> memref<80x128xf32, #tpu.memory_space<vmem_shared>>
        tpu.wait_dma2 semaphore(%run_scoped3A_187 : memref<!tpu.dma_semaphore, #tpu.memory_space<semaphore_mem>>) src(%dma_wait3A_203 : memref<80x128xf32, #tpu.memory_space<vmem_shared>>) dst(%dma_wait3A_201 : memref<80x128xf32, #tpu.memory_space<hbm>>)
        tpu.yield
      }) : () -> ()
    }
    %while3A_176 = arith.constant 1 : i32
    scf.for %while3A_182 = %while3A_174 to %while3A_170 step %while3A_176  : i32 {
      %mul3A_183 = arith.muli %while3A_182, %while3A_167 : i32
      %add3A_184 = arith.addi %arg1, %mul3A_183 : i32
      %mul3A_185 = arith.constant 80 : i32
      %mul3A_186 = arith.muli %add3A_184, %mul3A_185 : i32
      "tpu.region"() ({
        %run_scoped3A_187 = tpu.sem_alloc : memref<!tpu.dma_semaphore, #tpu.memory_space<semaphore_mem>>
        %dma_start3A_188 = arith.constant 0 : i32
        %dma_start3A_189 = arith.constant 0 : i32
        %dma_start3A_190 = tpu.memref_slice %arg5[%arg0, %dma_start3A_188, %dma_start3A_189] : memref<2x10000x128xf32, #tpu.memory_space<hbm>> -> memref<1x10000x128xf32, #tpu.memory_space<hbm>>
        %dma_start3A_191 = tpu.memref_squeeze %dma_start3A_190 : memref<1x10000x128xf32, #tpu.memory_space<hbm>> -> memref<10000x128xf32, #tpu.memory_space<hbm>>
        %dma_start3A_192 = arith.constant 0 : i32
        %dma_start3A_193 = tpu.memref_slice %dma_start3A_191[%mul3A_186, %dma_start3A_192] : memref<10000x128xf32, #tpu.memory_space<hbm>> -> memref<80x128xf32, #tpu.memory_space<hbm>>
        %dma_start3A_194 = arith.constant 0 : i32
        %dma_start3A_195 = tpu.memref_slice %arg11[%mul3A_186, %dma_start3A_194] : memref<10000x128xf32, #tpu.memory_space<vmem_shared>> -> memref<80x128xf32, #tpu.memory_space<vmem_shared>>
        tpu.enqueue_dma source(%dma_start3A_195 : memref<80x128xf32, #tpu.memory_space<vmem_shared>>) target(%dma_start3A_193 : memref<80x128xf32, #tpu.memory_space<hbm>>) target_semaphore(%run_scoped3A_187 : memref<!tpu.dma_semaphore, #tpu.memory_space<semaphore_mem>>)
        %dma_wait3A_196 = arith.constant 0 : i32
        %dma_wait3A_197 = arith.constant 0 : i32
        %dma_wait3A_198 = tpu.memref_slice %arg5[%arg0, %dma_wait3A_196, %dma_wait3A_197] : memref<2x10000x128xf32, #tpu.memory_space<hbm>> -> memref<1x10000x128xf32, #tpu.memory_space<hbm>>
        %dma_wait3A_199 = tpu.memref_squeeze %dma_wait3A_198 : memref<1x10000x128xf32, #tpu.memory_space<hbm>> -> memref<10000x128xf32, #tpu.memory_space<hbm>>
        %dma_wait3A_200 = arith.constant 0 : i32
        %dma_wait3A_201 = tpu.memref_slice %dma_wait3A_199[%mul3A_186, %dma_wait3A_200] : memref<10000x128xf32, #tpu.memory_space<hbm>> -> memref<80x128xf32, #tpu.memory_space<hbm>>
        %dma_wait3A_202 = arith.constant 0 : i32
        %dma_wait3A_203 = tpu.memref_slice %arg11[%mul3A_186, %dma_wait3A_202] : memref<10000x128xf32, #tpu.memory_space<vmem_shared>> -> memref<80x128xf32, #tpu.memory_space<vmem_shared>>
        tpu.wait_dma2 semaphore(%run_scoped3A_187 : memref<!tpu.dma_semaphore, #tpu.memory_space<semaphore_mem>>) src(%dma_wait3A_203 : memref<80x128xf32, #tpu.memory_space<vmem_shared>>) dst(%dma_wait3A_201 : memref<80x128xf32, #tpu.memory_space<hbm>>)
        tpu.yield
      }) : () -> ()
    }
    %mul3A_177 = arith.constant 16 : i32
    %mul3A_178 = arith.muli %arg0, %mul3A_177 : i32
    %add3A_179 = arith.addi %mul3A_178, %arg1 : i32
    %mul3A_180 = arith.constant 8 : i32
    %mul3A_181 = arith.muli %add3A_179, %mul3A_180 : i32
    "tpu.region"() ({
      %run_scoped3A_182 = tpu.sem_alloc : memref<!tpu.dma_semaphore, #tpu.memory_space<semaphore_mem>>
      %dma_start3A_183 = arith.constant 0 : i32
      %dma_start3A_184 = tpu.memref_slice %arg6[%mul3A_181, %dma_start3A_183] : memref<256x2048xf32, #tpu.memory_space<hbm>> -> memref<8x2048xf32, #tpu.memory_space<hbm>>
      %dma_start3A_185 = arith.constant 0 : i32
      %dma_start3A_186 = tpu.memref_slice %arg6[%mul3A_181, %dma_start3A_185] : memref<256x2048xf32, #tpu.memory_space<hbm>> -> memref<8x2048xf32, #tpu.memory_space<hbm>>
      tpu.enqueue_dma source(%arg18 : memref<8x2048xf32, #tpu.memory_space<vmem>>) target(%dma_start3A_186 : memref<8x2048xf32, #tpu.memory_space<hbm>>) target_semaphore(%run_scoped3A_182 : memref<!tpu.dma_semaphore, #tpu.memory_space<semaphore_mem>>)
      %dma_wait3A_187 = arith.constant 0 : i32
      %dma_wait3A_188 = tpu.memref_slice %arg6[%mul3A_181, %dma_wait3A_187] : memref<256x2048xf32, #tpu.memory_space<hbm>> -> memref<8x2048xf32, #tpu.memory_space<hbm>>
      %dma_wait3A_189 = arith.constant 0 : i32
      %dma_wait3A_190 = tpu.memref_slice %arg6[%mul3A_181, %dma_wait3A_189] : memref<256x2048xf32, #tpu.memory_space<hbm>> -> memref<8x2048xf32, #tpu.memory_space<hbm>>
      tpu.wait_dma2 semaphore(%run_scoped3A_182 : memref<!tpu.dma_semaphore, #tpu.memory_space<semaphore_mem>>) src(%arg18 : memref<8x2048xf32, #tpu.memory_space<vmem>>) dst(%dma_wait3A_190 : memref<8x2048xf32, #tpu.memory_space<hbm>>)
      tpu.yield
    }) : () -> ()
    return
  }
}

module attributes {stable_mosaic.version = 14 : i64} {
  func.func @body(%arg0: i32, %arg1: memref<2000x128xf32, #tpu.memory_space<vmem>>, %arg2: memref<2x2000x128xf32, #tpu.memory_space<vmem>>, %arg3: memref<2000x32xf32, #tpu.memory_space<vmem>>, %arg4: memref<128x128xf32, #tpu.memory_space<vmem>>, %arg5: memref<1x128xf32, #tpu.memory_space<vmem>>, %arg6: memref<128x128xf32, #tpu.memory_space<vmem>>, %arg7: memref<1x128xf32, #tpu.memory_space<vmem>>, %arg8: memref<2000x128xf32, #tpu.memory_space<vmem>>) attributes {dimension_semantics = [#tpu.dimension_semantics<arbitrary>], iteration_bounds = array<i64: 5>, scalar_prefetch = 0 : i64, scratch_operands = 0 : i64, tpu.core_type = #tpu.core_type<tc>, window_params = [{transform_indices = @transform_0, window_bounds = array<i64: 2000, 128>}, {transform_indices = @transform_1, window_bounds = array<i64: 2, 2000, 128>}, {transform_indices = @transform_2, window_bounds = array<i64: 2000, 32>}, {pipeline_mode = #tpu.pipeline_mode<synchronous>, transform_indices = @transform_3, window_bounds = array<i64: 128, 128>}, {pipeline_mode = #tpu.pipeline_mode<synchronous>, transform_indices = @transform_4, window_bounds = array<i64: 1, 128>}, {pipeline_mode = #tpu.pipeline_mode<synchronous>, transform_indices = @transform_5, window_bounds = array<i64: 128, 128>}, {pipeline_mode = #tpu.pipeline_mode<synchronous>, transform_indices = @transform_6, window_bounds = array<i64: 1, 128>}, {transform_indices = @transform_7, window_bounds = array<i64: 2000, 128>}]} {
    %get3A = arith.constant 0 : index
    %get3A_0 = arith.constant 0 : index
    %get3A_1 = vector.load %arg3[%get3A, %get3A_0] : memref<2000x32xf32, #tpu.memory_space<vmem>>, vector<2000x32xf32>
    %reduce_sum3A = arith.constant dense<0.000000e+00> : vector<2000xf32>
    %reduce_sum3A_2 = vector.multi_reduction <add>, %get3A_1, %reduce_sum3A [1] : vector<2000x32xf32> to vector<2000xf32>
    %broadcast_in_dim3A = vector.shape_cast %reduce_sum3A_2 : vector<2000xf32> to vector<2000x1xf32>
    %get3A_3 = arith.constant 0 : index
    %get3A_4 = arith.constant 0 : index
    %get3A_5 = arith.constant 0 : index
    %get3A_6 = vector.load %arg2[%get3A_3, %get3A_4, %get3A_5] : memref<2x2000x128xf32, #tpu.memory_space<vmem>>, vector<1x2000x128xf32>
    %get3A_7 = vector.shape_cast %get3A_6 : vector<1x2000x128xf32> to vector<2000x128xf32>
    %get3A_8 = arith.constant 1 : index
    %get3A_9 = arith.constant 0 : index
    %get3A_10 = arith.constant 0 : index
    %get3A_11 = vector.load %arg2[%get3A_8, %get3A_9, %get3A_10] : memref<2x2000x128xf32, #tpu.memory_space<vmem>>, vector<1x2000x128xf32>
    %get3A_12 = vector.shape_cast %get3A_11 : vector<1x2000x128xf32> to vector<2000x128xf32>
    %add3A = arith.addf %get3A_7, %get3A_12 : vector<2000x128xf32>
    %max3A = arith.constant 1.000000e+00 : f32
    %max3A_13 = vector.broadcast %max3A : f32 to vector<2000x1xf32>
    %max3A_14 = arith.maximumf %broadcast_in_dim3A, %max3A_13 : vector<2000x1xf32>
    %div3A = vector.broadcast %max3A_14 : vector<2000x1xf32> to vector<2000x128xf32>
    %div3A_15 = arith.divf %add3A, %div3A : vector<2000x128xf32>
    %get3A_16 = arith.constant 0 : index
    %get3A_17 = arith.constant 0 : index
    %get3A_18 = vector.load %arg1[%get3A_16, %get3A_17] : memref<2000x128xf32, #tpu.memory_space<vmem>>, vector<2000x128xf32>
    %get3A_19 = arith.constant 0 : index
    %get3A_20 = arith.constant 0 : index
    %get3A_21 = vector.load %arg4[%get3A_19, %get3A_20] : memref<128x128xf32, #tpu.memory_space<vmem>>, vector<128x128xf32>
    %dot_general3A = arith.constant dense<0.000000e+00> : vector<2000x128xf32>
    %dot_general3A_22 = tpu.matmul %get3A_18, %get3A_21, %dot_general3A {dimension_numbers = #tpu.dot_dimension_numbers<[1], [0], [0], [1], [0, 0, 1, 1], [], []>, transpose_lhs_hint = false} : vector<2000x128xf32>, vector<128x128xf32>, vector<2000x128xf32> -> vector<2000x128xf32>
    %get3A_23 = arith.constant 0 : index
    %get3A_24 = arith.constant 0 : index
    %get3A_25 = vector.load %arg5[%get3A_23, %get3A_24] : memref<1x128xf32, #tpu.memory_space<vmem>>, vector<1x128xf32>
    %add3A_26 = vector.broadcast %get3A_25 : vector<1x128xf32> to vector<2000x128xf32>
    %add3A_27 = arith.addf %dot_general3A_22, %add3A_26 : vector<2000x128xf32>
    %get3A_28 = arith.constant 0 : index
    %get3A_29 = arith.constant 0 : index
    %get3A_30 = vector.load %arg6[%get3A_28, %get3A_29] : memref<128x128xf32, #tpu.memory_space<vmem>>, vector<128x128xf32>
    %dot_general3A_31 = arith.constant dense<0.000000e+00> : vector<2000x128xf32>
    %dot_general3A_32 = tpu.matmul %div3A_15, %get3A_30, %dot_general3A_31 {dimension_numbers = #tpu.dot_dimension_numbers<[1], [0], [0], [1], [0, 0, 1, 1], [], []>, transpose_lhs_hint = false} : vector<2000x128xf32>, vector<128x128xf32>, vector<2000x128xf32> -> vector<2000x128xf32>
    %add3A_33 = arith.addf %add3A_27, %dot_general3A_32 : vector<2000x128xf32>
    %get3A_34 = arith.constant 0 : index
    %get3A_35 = arith.constant 0 : index
    %get3A_36 = vector.load %arg7[%get3A_34, %get3A_35] : memref<1x128xf32, #tpu.memory_space<vmem>>, vector<1x128xf32>
    %add3A_37 = vector.broadcast %get3A_36 : vector<1x128xf32> to vector<2000x128xf32>
    %add3A_38 = arith.addf %add3A_33, %add3A_37 : vector<2000x128xf32>
    %mul3A = arith.mulf %add3A_38, %add3A_38 : vector<2000x128xf32>
    %reduce_sum3A_39 = arith.constant dense<0.000000e+00> : vector<2000xf32>
    %reduce_sum3A_40 = vector.multi_reduction <add>, %mul3A, %reduce_sum3A_39 [1] : vector<2000x128xf32> to vector<2000xf32>
    %broadcast_in_dim3A_41 = vector.shape_cast %reduce_sum3A_40 : vector<2000xf32> to vector<2000x1xf32>
    %sqrt3A = math.sqrt %broadcast_in_dim3A_41 : vector<2000x1xf32>
    %max3A_42 = arith.constant 9.99999996E-13 : f32
    %max3A_43 = vector.broadcast %max3A_42 : f32 to vector<2000x1xf32>
    %max3A_44 = arith.maximumf %sqrt3A, %max3A_43 : vector<2000x1xf32>
    %div3A_45 = vector.broadcast %max3A_44 : vector<2000x1xf32> to vector<2000x128xf32>
    %div3A_46 = arith.divf %add3A_38, %div3A_45 : vector<2000x128xf32>
    %max3A_47 = arith.constant 0.000000e+00 : f32
    %max3A_48 = vector.broadcast %max3A_47 : f32 to vector<2000x128xf32>
    %max3A_49 = arith.maximumf %div3A_46, %max3A_48 : vector<2000x128xf32>
    %swap3A = arith.constant 0 : index
    %swap3A_50 = arith.constant 0 : index
    %swap3A_51 = vector.load %arg8[%swap3A, %swap3A_50] : memref<2000x128xf32, #tpu.memory_space<vmem>>, vector<2000x128xf32>
    tpu.vector_store %arg8[%swap3A, %swap3A_50], %max3A_49 {strides = array<i32>} : memref<2000x128xf32, #tpu.memory_space<vmem>>, vector<2000x128xf32>,
    return
  }
  func.func @transform_0(%arg0: i32) -> (i32, i32) {
    %c0_i32 = arith.constant 0 : i32
    %c0_i32_0 = arith.constant 0 : i32
    return %arg0, %c0_i32 : i32, i32
  }
  func.func @transform_1(%arg0: i32) -> (i32, i32, i32) {
    %c0_i32 = arith.constant 0 : i32
    %c0_i32_0 = arith.constant 0 : i32
    %c0_i32_1 = arith.constant 0 : i32
    return %c0_i32, %arg0, %c0_i32_0 : i32, i32, i32
  }
  func.func @transform_2(%arg0: i32) -> (i32, i32) {
    %c0_i32 = arith.constant 0 : i32
    %c0_i32_0 = arith.constant 0 : i32
    return %arg0, %c0_i32 : i32, i32
  }
  func.func @transform_3(%arg0: i32) -> (i32, i32) {
    %c0_i32 = arith.constant 0 : i32
    %c0_i32_0 = arith.constant 0 : i32
    %c0_i32_1 = arith.constant 0 : i32
    return %c0_i32, %c0_i32_0 : i32, i32
  }
  func.func @transform_4(%arg0: i32) -> (i32, i32) {
    %c0_i32 = arith.constant 0 : i32
    %c0_i32_0 = arith.constant 0 : i32
    %c0_i32_1 = arith.constant 0 : i32
    return %c0_i32, %c0_i32_0 : i32, i32
  }
  func.func @transform_5(%arg0: i32) -> (i32, i32) {
    %c0_i32 = arith.constant 0 : i32
    %c0_i32_0 = arith.constant 0 : i32
    %c0_i32_1 = arith.constant 0 : i32
    return %c0_i32, %c0_i32_0 : i32, i32
  }
  func.func @transform_6(%arg0: i32) -> (i32, i32) {
    %c0_i32 = arith.constant 0 : i32
    %c0_i32_0 = arith.constant 0 : i32
    %c0_i32_1 = arith.constant 0 : i32
    return %c0_i32, %c0_i32_0 : i32, i32
  }
  func.func @transform_7(%arg0: i32) -> (i32, i32) {
    %c0_i32 = arith.constant 0 : i32
    %c0_i32_0 = arith.constant 0 : i32
    return %arg0, %c0_i32 : i32, i32
  }
}

module attributes {stable_mosaic.version = 14 : i64} {
  func.func @body(%arg0: i32, %arg1: memref<2000x128xf32, #tpu.memory_space<vmem>>, %arg2: memref<2x2000x128xf32, #tpu.memory_space<vmem>>, %arg3: memref<2000x32xf32, #tpu.memory_space<vmem>>, %arg4: memref<128x128xf32, #tpu.memory_space<vmem>>, %arg5: memref<1x128xf32, #tpu.memory_space<vmem>>, %arg6: memref<128x128xf32, #tpu.memory_space<vmem>>, %arg7: memref<1x128xf32, #tpu.memory_space<vmem>>, %arg8: memref<128x128xf32, #tpu.memory_space<vmem>>, %arg9: memref<1x128xf32, #tpu.memory_space<vmem>>, %arg10: memref<128x128xf32, #tpu.memory_space<vmem>>, %arg11: memref<1x128xf32, #tpu.memory_space<vmem>>, %arg12: memref<2000x128xf32, #tpu.memory_space<vmem>>) attributes {dimension_semantics = [#tpu.dimension_semantics<arbitrary>], iteration_bounds = array<i64: 5>, scalar_prefetch = 0 : i64, scratch_operands = 0 : i64, tpu.core_type = #tpu.core_type<tc>, window_params = [{transform_indices = @transform_0, window_bounds = array<i64: 2000, 128>}, {transform_indices = @transform_1, window_bounds = array<i64: 2, 2000, 128>}, {transform_indices = @transform_2, window_bounds = array<i64: 2000, 32>}, {pipeline_mode = #tpu.pipeline_mode<synchronous>, transform_indices = @transform_3, window_bounds = array<i64: 128, 128>}, {pipeline_mode = #tpu.pipeline_mode<synchronous>, transform_indices = @transform_4, window_bounds = array<i64: 1, 128>}, {pipeline_mode = #tpu.pipeline_mode<synchronous>, transform_indices = @transform_5, window_bounds = array<i64: 128, 128>}, {pipeline_mode = #tpu.pipeline_mode<synchronous>, transform_indices = @transform_6, window_bounds = array<i64: 1, 128>}, {pipeline_mode = #tpu.pipeline_mode<synchronous>, transform_indices = @transform_7, window_bounds = array<i64: 128, 128>}, {pipeline_mode = #tpu.pipeline_mode<synchronous>, transform_indices = @transform_8, window_bounds = array<i64: 1, 128>}, {pipeline_mode = #tpu.pipeline_mode<synchronous>, transform_indices = @transform_9, window_bounds = array<i64: 128, 128>}, {pipeline_mode = #tpu.pipeline_mode<synchronous>, transform_indices = @transform_10, window_bounds = array<i64: 1, 128>}, {transform_indices = @transform_11, window_bounds = array<i64: 2000, 128>}]} {
    %get3A = arith.constant 0 : index
    %get3A_0 = arith.constant 0 : index
    %get3A_1 = vector.load %arg3[%get3A, %get3A_0] : memref<2000x32xf32, #tpu.memory_space<vmem>>, vector<2000x32xf32>
    %reduce_sum3A = arith.constant dense<0.000000e+00> : vector<2000xf32>
    %reduce_sum3A_2 = vector.multi_reduction <add>, %get3A_1, %reduce_sum3A [1] : vector<2000x32xf32> to vector<2000xf32>
    %broadcast_in_dim3A = vector.shape_cast %reduce_sum3A_2 : vector<2000xf32> to vector<2000x1xf32>
    %get3A_3 = arith.constant 0 : index
    %get3A_4 = arith.constant 0 : index
    %get3A_5 = arith.constant 0 : index
    %get3A_6 = vector.load %arg2[%get3A_3, %get3A_4, %get3A_5] : memref<2x2000x128xf32, #tpu.memory_space<vmem>>, vector<1x2000x128xf32>
    %get3A_7 = vector.shape_cast %get3A_6 : vector<1x2000x128xf32> to vector<2000x128xf32>
    %get3A_8 = arith.constant 1 : index
    %get3A_9 = arith.constant 0 : index
    %get3A_10 = arith.constant 0 : index
    %get3A_11 = vector.load %arg2[%get3A_8, %get3A_9, %get3A_10] : memref<2x2000x128xf32, #tpu.memory_space<vmem>>, vector<1x2000x128xf32>
    %get3A_12 = vector.shape_cast %get3A_11 : vector<1x2000x128xf32> to vector<2000x128xf32>
    %add3A = arith.addf %get3A_7, %get3A_12 : vector<2000x128xf32>
    %max3A = arith.constant 1.000000e+00 : f32
    %max3A_13 = vector.broadcast %max3A : f32 to vector<2000x1xf32>
    %max3A_14 = arith.maximumf %broadcast_in_dim3A, %max3A_13 : vector<2000x1xf32>
    %div3A = vector.broadcast %max3A_14 : vector<2000x1xf32> to vector<2000x128xf32>
    %div3A_15 = arith.divf %add3A, %div3A : vector<2000x128xf32>
    %get3A_16 = arith.constant 0 : index
    %get3A_17 = arith.constant 0 : index
    %get3A_18 = vector.load %arg1[%get3A_16, %get3A_17] : memref<2000x128xf32, #tpu.memory_space<vmem>>, vector<2000x128xf32>
    %get3A_19 = arith.constant 0 : index
    %get3A_20 = arith.constant 0 : index
    %get3A_21 = vector.load %arg4[%get3A_19, %get3A_20] : memref<128x128xf32, #tpu.memory_space<vmem>>, vector<128x128xf32>
    %dot_general3A = arith.constant dense<0.000000e+00> : vector<2000x128xf32>
    %dot_general3A_22 = tpu.matmul %get3A_18, %get3A_21, %dot_general3A {dimension_numbers = #tpu.dot_dimension_numbers<[1], [0], [0], [1], [0, 0, 1, 1], [], []>, transpose_lhs_hint = false} : vector<2000x128xf32>, vector<128x128xf32>, vector<2000x128xf32> -> vector<2000x128xf32>
    %get3A_23 = arith.constant 0 : index
    %get3A_24 = arith.constant 0 : index
    %get3A_25 = vector.load %arg5[%get3A_23, %get3A_24] : memref<1x128xf32, #tpu.memory_space<vmem>>, vector<1x128xf32>
    %add3A_26 = vector.broadcast %get3A_25 : vector<1x128xf32> to vector<2000x128xf32>
    %add3A_27 = arith.addf %dot_general3A_22, %add3A_26 : vector<2000x128xf32>
    %get3A_28 = arith.constant 0 : index
    %get3A_29 = arith.constant 0 : index
    %get3A_30 = vector.load %arg6[%get3A_28, %get3A_29] : memref<128x128xf32, #tpu.memory_space<vmem>>, vector<128x128xf32>
    %dot_general3A_31 = arith.constant dense<0.000000e+00> : vector<2000x128xf32>
    %dot_general3A_32 = tpu.matmul %div3A_15, %get3A_30, %dot_general3A_31 {dimension_numbers = #tpu.dot_dimension_numbers<[1], [0], [0], [1], [0, 0, 1, 1], [], []>, transpose_lhs_hint = false} : vector<2000x128xf32>, vector<128x128xf32>, vector<2000x128xf32> -> vector<2000x128xf32>
    %add3A_33 = arith.addf %add3A_27, %dot_general3A_32 : vector<2000x128xf32>
    %get3A_34 = arith.constant 0 : index
    %get3A_35 = arith.constant 0 : index
    %get3A_36 = vector.load %arg7[%get3A_34, %get3A_35] : memref<1x128xf32, #tpu.memory_space<vmem>>, vector<1x128xf32>
    %add3A_37 = vector.broadcast %get3A_36 : vector<1x128xf32> to vector<2000x128xf32>
    %add3A_38 = arith.addf %add3A_33, %add3A_37 : vector<2000x128xf32>
    %mul3A = arith.mulf %add3A_38, %add3A_38 : vector<2000x128xf32>
    %reduce_sum3A_39 = arith.constant dense<0.000000e+00> : vector<2000xf32>
    %reduce_sum3A_40 = vector.multi_reduction <add>, %mul3A, %reduce_sum3A_39 [1] : vector<2000x128xf32> to vector<2000xf32>
    %broadcast_in_dim3A_41 = vector.shape_cast %reduce_sum3A_40 : vector<2000xf32> to vector<2000x1xf32>
    %sqrt3A = math.sqrt %broadcast_in_dim3A_41 : vector<2000x1xf32>
    %max3A_42 = arith.constant 9.99999996E-13 : f32
    %max3A_43 = vector.broadcast %max3A_42 : f32 to vector<2000x1xf32>
    %max3A_44 = arith.maximumf %sqrt3A, %max3A_43 : vector<2000x1xf32>
    %div3A_45 = vector.broadcast %max3A_44 : vector<2000x1xf32> to vector<2000x128xf32>
    %div3A_46 = arith.divf %add3A_38, %div3A_45 : vector<2000x128xf32>
    %max3A_47 = arith.constant 0.000000e+00 : f32
    %max3A_48 = vector.broadcast %max3A_47 : f32 to vector<2000x128xf32>
    %max3A_49 = arith.maximumf %div3A_46, %max3A_48 : vector<2000x128xf32>
    %get3A_50 = arith.constant 0 : index
    %get3A_51 = arith.constant 0 : index
    %get3A_52 = vector.load %arg8[%get3A_50, %get3A_51] : memref<128x128xf32, #tpu.memory_space<vmem>>, vector<128x128xf32>
    %dot_general3A_53 = arith.constant dense<0.000000e+00> : vector<2000x128xf32>
    %dot_general3A_54 = tpu.matmul %max3A_49, %get3A_52, %dot_general3A_53 {dimension_numbers = #tpu.dot_dimension_numbers<[1], [0], [0], [1], [0, 0, 1, 1], [], []>, transpose_lhs_hint = false} : vector<2000x128xf32>, vector<128x128xf32>, vector<2000x128xf32> -> vector<2000x128xf32>
    %get3A_55 = arith.constant 0 : index
    %get3A_56 = arith.constant 0 : index
    %get3A_57 = vector.load %arg9[%get3A_55, %get3A_56] : memref<1x128xf32, #tpu.memory_space<vmem>>, vector<1x128xf32>
    %add3A_58 = vector.broadcast %get3A_57 : vector<1x128xf32> to vector<2000x128xf32>
    %add3A_59 = arith.addf %dot_general3A_54, %add3A_58 : vector<2000x128xf32>
    %get3A_60 = arith.constant 0 : index
    %get3A_61 = arith.constant 0 : index
    %get3A_62 = vector.load %arg10[%get3A_60, %get3A_61] : memref<128x128xf32, #tpu.memory_space<vmem>>, vector<128x128xf32>
    %dot_general3A_63 = arith.constant dense<0.000000e+00> : vector<2000x128xf32>
    %dot_general3A_64 = tpu.matmul %add3A_59, %get3A_62, %dot_general3A_63 {dimension_numbers = #tpu.dot_dimension_numbers<[1], [0], [0], [1], [0, 0, 1, 1], [], []>, transpose_lhs_hint = false} : vector<2000x128xf32>, vector<128x128xf32>, vector<2000x128xf32> -> vector<2000x128xf32>
    %get3A_65 = arith.constant 0 : index
    %get3A_66 = arith.constant 0 : index
    %get3A_67 = vector.load %arg11[%get3A_65, %get3A_66] : memref<1x128xf32, #tpu.memory_space<vmem>>, vector<1x128xf32>
    %add3A_68 = vector.broadcast %get3A_67 : vector<1x128xf32> to vector<2000x128xf32>
    %add3A_69 = arith.addf %dot_general3A_64, %add3A_68 : vector<2000x128xf32>
    %swap3A = arith.constant 0 : index
    %swap3A_70 = arith.constant 0 : index
    %swap3A_71 = vector.load %arg12[%swap3A, %swap3A_70] : memref<2000x128xf32, #tpu.memory_space<vmem>>, vector<2000x128xf32>
    tpu.vector_store %arg12[%swap3A, %swap3A_70], %add3A_69 {strides = array<i32>} : memref<2000x128xf32, #tpu.memory_space<vmem>>, vector<2000x128xf32>,
    return
  }
  func.func @transform_0(%arg0: i32) -> (i32, i32) {
    %c0_i32 = arith.constant 0 : i32
    %c0_i32_0 = arith.constant 0 : i32
    return %arg0, %c0_i32 : i32, i32
  }
  func.func @transform_1(%arg0: i32) -> (i32, i32, i32) {
    %c0_i32 = arith.constant 0 : i32
    %c0_i32_0 = arith.constant 0 : i32
    %c0_i32_1 = arith.constant 0 : i32
    return %c0_i32, %arg0, %c0_i32_0 : i32, i32, i32
  }
  func.func @transform_2(%arg0: i32) -> (i32, i32) {
    %c0_i32 = arith.constant 0 : i32
    %c0_i32_0 = arith.constant 0 : i32
    return %arg0, %c0_i32 : i32, i32
  }
  func.func @transform_3(%arg0: i32) -> (i32, i32) {
    %c0_i32 = arith.constant 0 : i32
    %c0_i32_0 = arith.constant 0 : i32
    %c0_i32_1 = arith.constant 0 : i32
    return %c0_i32, %c0_i32_0 : i32, i32
  }
  func.func @transform_4(%arg0: i32) -> (i32, i32) {
    %c0_i32 = arith.constant 0 : i32
    %c0_i32_0 = arith.constant 0 : i32
    %c0_i32_1 = arith.constant 0 : i32
    return %c0_i32, %c0_i32_0 : i32, i32
  }
  func.func @transform_5(%arg0: i32) -> (i32, i32) {
    %c0_i32 = arith.constant 0 : i32
    %c0_i32_0 = arith.constant 0 : i32
    %c0_i32_1 = arith.constant 0 : i32
    return %c0_i32, %c0_i32_0 : i32, i32
  }
  func.func @transform_6(%arg0: i32) -> (i32, i32) {
    %c0_i32 = arith.constant 0 : i32
    %c0_i32_0 = arith.constant 0 : i32
    %c0_i32_1 = arith.constant 0 : i32
    return %c0_i32, %c0_i32_0 : i32, i32
  }
  func.func @transform_7(%arg0: i32) -> (i32, i32) {
    %c0_i32 = arith.constant 0 : i32
    %c0_i32_0 = arith.constant 0 : i32
    %c0_i32_1 = arith.constant 0 : i32
    return %c0_i32, %c0_i32_0 : i32, i32
  }
  func.func @transform_8(%arg0: i32) -> (i32, i32) {
    %c0_i32 = arith.constant 0 : i32
    %c0_i32_0 = arith.constant 0 : i32
    %c0_i32_1 = arith.constant 0 : i32
    return %c0_i32, %c0_i32_0 : i32, i32
  }
  func.func @transform_9(%arg0: i32) -> (i32, i32) {
    %c0_i32 = arith.constant 0 : i32
    %c0_i32_0 = arith.constant 0 : i32
    %c0_i32_1 = arith.constant 0 : i32
    return %c0_i32, %c0_i32_0 : i32, i32
  }
  func.func @transform_10(%arg0: i32) -> (i32, i32) {
    %c0_i32 = arith.constant 0 : i32
    %c0_i32_0 = arith.constant 0 : i32
    %c0_i32_1 = arith.constant 0 : i32
    return %c0_i32, %c0_i32_0 : i32, i32
  }
  func.func @transform_11(%arg0: i32) -> (i32, i32) {
    %c0_i32 = arith.constant 0 : i32
    %c0_i32_0 = arith.constant 0 : i32
    return %arg0, %c0_i32 : i32, i32
  }
}

</mosaic_0001>

<sc_bundles>
// kernel: kernel.6.cloned.1.call-start
scs
__scs_entry_jumppad:
0x0: {  	(pc) =	sbr.rel $0x88, $3  }
0x1: {  	(tag) =	ssettag $0x0;
	lr =	simm.s32 $0x1  }
0x2: {  	[smem:$0x3F93] =	sst lr;
	_ =	strace $0xD0000000  }
0x3: {  	_ = 	snop  }
0x4: {  	_ = 	snop  }
0x5: {  	_ = 	snop  }
0x6: {  	_ = 	snop  }
0x7: {  	_ = 	snop  }
__scs_overlays_trampoline_lowered:
0x8: {  	[smem:$0x3FA2] =	sst s0  }
0x9: {  	[smem:$0x3FA3] =	sst s1  }
0xa: {  	[smem:$0x3FA4] =	sst s2  }
0xb: {  	[smem:$0x3FA5] =	sst s3  }
0xc: {  	[smem:$0x3FA6] =	sst s4  }
0xd: {  	[smem:$0x3FA7] =	sst s5  }
0xe: {  	[smem:$0x3FA8] =	sst s6  }
0xf: {  	[smem:$0x3FA9] =	sst s7  }
0x10: {  	[smem:$0x3FAA] =	sst s8  }
0x11: {  	[smem:$0x3FAB] =	sst s9;
	s0 =	simm.s32 @!p0 $0x0  }
0x12: {  	s1 =	sld [smem:$0x3F91];
	s0 =	simm.s32 @p0 $0x1  }
0x13: {  	[smem:$0x3FAC] =	sst s0;
	s0 =	simm.s32 @!p1 $0x0  }
0x14: {  	s2 =	sld [smem:$0x3F90];
	s0 =	simm.s32 @p1 $0x1  }
0x15: {  	[smem:$0x3FAD] =	sst s0;
	s0 =	simm.s32 @!p2 $0x0  }
0x16: {  	s3 =	sld [smem:$0x3FDB];
	s0 =	simm.s32 @p2 $0x1  }
0x17: {  	s4 =	simm.s32 $0x1BF5;
	[smem:$0x3FAF] =	sst s0  }
0x18: {  	s0 =	sld [smem:$0x3F92];
	_ =	swait.ge [sflag:s4], $0x0  }
0x19: {  	s7 =	sld [smem:$0x3F93]  }
0x1a: {  	s8 =	sadd.s32 $0xFFFFE003, lr  }
0x1b: {  	s9 =	sadd.s32 $0xFFFFFEF7, lr;
	s5 =	simm.s32 $0xFFFFFFFF;
	p2 =	slt.u32 s8, $0xFFFFF086  }
0x1c: {  	p1 =	slt.u32 s9, $0xF7A;
	s5 =	simm.s32 @!p2 $0x0  }
0x1d: {  	s5 =	simm.s32 @p1 $0x1;
	p0 =	seq.s32 s7, s2  }
0x1e: {  	s7 =	smul.u32 @!p0 $0xF7A, s2;
	p2 =	seq.s32 @!p0 s5, $0x0  }
0x1f: {  	s9 =	smul.u32 $0xF7A, s1;
	s8 =	simm.s32 @!p0 $0x1BF5;
	p2 =	por !p2, p0  }
0x20: {  	[sflag:s8] =	ssyncset.s32 @!p0 $0xFFFFF086;
	s6 =	sadd.s32 @!p0 s3, s7;
	s7 =	simm.s32 @!p0 $0x108  }
0x21: {  	s3 =	sadd.s32 s3, s9;
	s6 =	sadd.s32 @!p0 $0x88, s6;
	s7 =	simm.s32 @p2 $0x1082  }
0x22: {  	[simem:s7], [sflag:s8] =	dma.local @!p0 [hbm:s6], $0xF7A  }
0x23: {  	s9 =	sor.u32 $0xD0000000, s2;
	s6 =	simm.s32 $0x108;
	_ =	swait.ge @!p0 [sflag:s8], $0x0  }
0x24: {  	s3 =	sadd.s32 $0x88, s3;
	s6 =	simm.s32 @!p1 $0x1082;
	[sflag:s4] =	ssyncset.s32 $0xFFFFF086  }
0x25: {  	[simem:s6], [sflag:s4] =	dma.local [hbm:s3], $0xF7A  }
0x26: {  	[smem:$0x3F93] =	sst s1;
	(tag) =	ssettag s2;
	_ =	strace s9  }
0x27: {  	s1 =	sld [smem:$0x3FA3]  }
0x28: {  	s2 =	sld [smem:$0x3FA4]  }
0x29: {  	s4 =	sld [smem:$0x3FA6]  }
0x2a: {  	p0 =	seq.s32 s5, $0x0;
	s5 =	sld [smem:$0x3FA7]  }
0x2b: {  	s6 =	sld [smem:$0x3FA8]  }
0x2c: {  	s7 =	sld [smem:$0x3FA9]  }
0x2d: {  	s3 =	simm.s32 $0x108;
	s8 =	sld [smem:$0x3FAA]  }
0x2e: {  	s3 =	simm.s32 @!p0 $0x1082;
	s9 =	sld [smem:$0x3FAB]  }
0x2f: {  	lr =	sadd.s32 s0, s3;
	s0 =	sld [smem:$0x3FA2]  }
0x30: {  	s3 =	sld [smem:$0x3FA5]  }
0x31: {  	[smem:$0x3FAE] =	sst s10  }
0x32: {  	s10 =	sld [smem:$0x3FAC];
	_ =	sdelay $0x3  }
0x33: {  	p0 =	seq.s32 s10, $0x1;
	s10 =	sld [smem:$0x3FAE];
	_ =	sdelay $0x3  }
0x34: {  	[smem:$0x3FAE] =	sst s10  }
0x35: {  	s10 =	sld [smem:$0x3FAD];
	_ =	sdelay $0x3  }
0x36: {  	p1 =	seq.s32 s10, $0x1;
	s10 =	sld [smem:$0x3FAE];
	_ =	sdelay $0x3  }
0x37: {  	[smem:$0x3FAE] =	sst s10  }
0x38: {  	s10 =	sld [smem:$0x3FAF]  }
0x39: {  	_ = 	snop;
	(pc) =	sbr.ind lr, $3  }
0x3a: {  	_ = 	snop  }
0x3b: {  	_ = 	snop  }
0x3c: {  	p2 =	seq.s32 s10, $0x1;
	s10 =	sld [smem:$0x3FAE]  }
0x3d: {  	_ =	shalt  }
0x3e: {  	_ =	shalt  }
0x3f: {  	_ =	shalt  }
0x40: {  	_ =	shalt  }
0x41: {  	_ =	shalt  }
0x42: {  	_ =	shalt  }
0x43: {  	_ =	shalt  }
0x44: {  	_ =	shalt  }
0x45: {  	_ =	shalt  }
0x46: {  	_ =	shalt  }
0x47: {  	_ =	shalt  }
0x48: {  	_ =	shalt  }
0x49: {  	_ =	shalt  }
0x4a: {  	_ =	shalt  }
0x4b: {  	_ =	shalt  }
0x4c: {  	_ =	shalt  }
0x4d: {  	_ =	shalt  }
0x4e: {  	_ =	shalt  }
0x4f: {  	_ =	shalt  }
0x50: {  	_ =	shalt  }
0x51: {  	_ =	shalt  }
0x52: {  	_ =	shalt  }
0x53: {  	_ =	shalt  }
0x54: {  	_ =	shalt  }
0x55: {  	_ =	shalt  }
0x56: {  	_ =	shalt  }
0x57: {  	_ =	shalt  }
0x58: {  	_ =	shalt  }
0x59: {  	_ =	shalt  }
0x5a: {  	_ =	shalt  }
0x5b: {  	_ =	shalt  }
0x5c: {  	_ =	shalt  }
0x5d: {  	_ =	shalt  }
0x5e: {  	_ =	shalt  }
0x5f: {  	_ =	shalt  }
0x60: {  	_ =	shalt  }
0x61: {  	_ =	shalt  }
0x62: {  	_ =	shalt  }
0x63: {  	_ =	shalt  }
0x64: {  	_ =	shalt  }
0x65: {  	_ =	shalt  }
0x66: {  	_ =	shalt  }
0x67: {  	_ =	shalt  }
0x68: {  	_ =	shalt  }
0x69: {  	_ =	shalt  }
0x6a: {  	_ =	shalt  }
0x6b: {  	_ =	shalt  }
0x6c: {  	_ =	shalt  }
0x6d: {  	_ =	shalt  }
0x6e: {  	_ =	shalt  }
0x6f: {  	_ =	shalt  }
0x70: {  	_ =	shalt  }
0x71: {  	_ =	shalt  }
0x72: {  	_ =	shalt  }
0x73: {  	_ =	shalt  }
0x74: {  	_ =	shalt  }
0x75: {  	_ =	shalt  }
0x76: {  	_ =	shalt  }
0x77: {  	_ =	shalt  }
0x78: {  	_ =	shalt  }
0x79: {  	_ =	shalt  }
0x7a: {  	_ =	shalt  }
0x7b: {  	_ =	shalt  }
0x7c: {  	_ =	shalt  }
0x7d: {  	_ =	shalt  }
0x7e: {  	_ =	shalt  }
0x7f: {  	_ =	shalt  }
0x80: {  	_ =	shalt  }
0x81: {  	_ =	shalt  }
0x82: {  	_ =	shalt  }
0x83: {  	_ =	shalt  }
0x84: {  	_ =	shalt  }
0x85: {  	_ =	shalt  }
0x86: {  	_ =	shalt  }
0x87: {  	_ =	shalt  }
.Lfunc_end0:
.L_simem_size_0:
called_computation_lowered:
.L_overlay_start_0:
0x88: {  	s2 =	sld [smem:$0x3FD9]  }
0x89: {  	s3 =	sld [smem:$0x3FFE];
	_ =	sdelay $0x1  }
0x8a: {  	s1 =	srdreg.scid  }
0x8b: {  	s0 =	sand.u32 $0x1, s1  }
0x8c: {  	s17 =	sshll.u32 s0, $0xA;
	s2 =	sadd.s32 s3, s2  }
0x8d: {  	s2 =	sadd.s32 s2, s17  }
0x8e: {  	[smem:$0x3FBA] =	sst s2  }
0x8f: {  	_ = 	snop  }
0x90: {  	s2 =	sld [smem:$0x3FC9]  }
0x91: {  	s18 =	sld [smem:$0x3FD0];
	(tm) =	ssettm $0x1  }
0x92: {  	s4 =	sld [smem:$0x3FFB];
	_ =	sdelay $0x3  }
0x93: {  	_ =	strace s4  }
0x94: {  	s4 =	sld [smem:$0x3FFC];
	_ =	sdelay $0x3  }
0x95: {  	_ =	strace s4  }
0x96: {  	s4 =	sld [smem:$0x3FFD];
	_ =	sdelay $0x3  }
0x97: {  	_ =	strace s4  }
0x98: {  	_ =	strace $0x8FFFFFFF  }
0x99: {  	s19 =	sld [smem:$0x3FDB];
	_ =	sdelay $0x1  }
0x9a: {  	s5 =	simm.s32 $_scs_section_size  }
0x9b: {  	s6 =	simm.s32 $_size__tile_overlayer_lowered;
	s7 =	simm.s32 $_tile_overlayer_lowered  }
0x9c: {  	s22 =	simm.s32 $0x1BFF;
	s21 =	sshll.u32 s7, $0x1;
	s4 =	sadd.s32 s5, s19  }
0x9d: {  	s8 =	simm.s32 $0x0;
	s20 =	sshll.u32 s6, $0x1;
	s6 =	sadd.s32 s21, s4  }
0x9e: {  	[timem:s8], [sflag:s22] =	dma.local [hbm:s6], s20  }
0x9f: {  	_ =	swait.ge [sflag:s22], s20  }
0xa0: {  	s5 =	ssub.s32 $0x0, s20;
	[sflag:s22] =	ssyncset.done $0x0  }
0xa1: {  	[sflag:s22] =	ssyncadd.s32 s5;
	_ =	sdelay $0x1  }
0xa2: {  	s23 =	simm.s32 $0x1B8B  }
0xa3: {  	_ =	swait.ge [sflag:s23], $0x1  }
0xa4: {  	[sflag:s23] =	ssyncset.done $0x0  }
0xa5: {  	s25 =	simm.s32 $0x1B8E;
	s24 =	sld [smem:$0x3FFE];
	[sflag:s23] =	ssyncadd.s32 $0xFFFFFFFF  }
0xa6: {  	s26 =	simm.s32 $execute0_lowered;
	[smem:$0x3FD2] =	sst s25  }
0xa7: {  	s6 =	sshll.u32 s26, $0x1;
	_ =	strace $0x80000046;
	[dreg:$0x1] =	wrdreg $0xFFFFFFFF  }
0xa8: {  	s28 =	simm.s32 $_size_execute0_lowered;
	s4 =	sadd.s32 s4, s6;
	[dreg:$0x0] =	wrdreg $0x0  }
0xa9: {  	s6 =	sshll.u32 s28, $0x1;
	[dreg:$0x2] =	wrdreg s4  }
0xaa: {  	[dreg:$0x3] =	wrdreg s6  }
0xab: {  	[dreg:$0x4] =	wrdreg $0xC0  }
0xac: {  	_ =	task [dreg:s8], $0x5FFFF  }
0xad: {  	[dreg:$0x1] =	wrdreg $0xFFFFFFFF  }
0xae: {  	[dreg:$0x0] =	wrdreg $0x60  }
0xaf: {  	[dreg:$0x2] =	wrdreg s2  }
0xb0: {  	[dreg:$0x3] =	wrdreg s24  }
0xb1: {  	[dreg:$0x4] =	wrdreg s18  }
0xb2: {  	[dreg:$0x5] =	wrdreg $0x51000  }
0xb3: {  	[dreg:$0x6] =	wrdreg $0x9  }
0xb4: {  	_ =	task.clear_ibuf [dreg:s8], $0x7FFFF;
	_ =	strace $0x90000046  }
0xb5: {  	s29 =	simm.s32 $0x9;
	_ =	strace $0x80000048  }
0xb6: {  	_ =	swait.ge [sflag:s29], $0x1  }
0xb7: {  	[sflag:s29] =	ssyncadd.s32 $0xFFFFFFFF  }
0xb8: {  	_ =	strace $0x90000048  }
0xb9: {  	_ =	sfence  }
0xba: {  	s30 =	sld [smem:$0x0];
	_ =	sdelay $0x2  }
0xbb: {  	s31 =	sshll.u32 s1, $0xD;
	s1 =	sshrl.u32 s1, $0x2  }
0xbc: {  	s3 =	sand.u32 $0x4000, s31;
	s1 =	sadd.s32 s1, s30  }
0xbd: {  	s0 =	sor.u32 s3, s0;
	s1 =	sshll.u32 s1, $0x11  }
0xbe: {  	s0 =	sor.u32 s1, s0  }
0xbf: {  	s0 =	sadd.s32 $0x8F2B, s0  }
0xc0: {  	[sflag:s0] =	ssyncadd.remote.s32 $0x1  }
0xc1: {  	_ =	sfence.sel $0xFFFF  }
0xc2: {  	[dreg:$0x0] =	wrdreg $0xFFFFFFFF;
	(pc) =	sbr.abs _section_cstart, $3  }
0xc3: {  	[dreg:$0x1] =	wrdreg $0xFFFFFFFF  }
0xc4: {  	_ =	task.clear_ibuf [dreg:s8], $0x2FFFF;
	_ =	strace $0x9FFFFFFF  }
0xc5: {  	(tm) =	ssettm $0x7FFFFFFF  }
tec
execute0_lowered:
.L_overlay_start_1:
0x0: {  	(tag) =	ssettag $0x1  }
0x1: {  	s1 =	rddreg [dreg:$0x0]  }
0x2: {  	s0 =	rddreg [dreg:$0x1]  }
0x3: {  	s4 =	rddreg [dreg:$0x2]  }
0x4: {  	s2 =	rddreg [dreg:$0x3];
	s3 =	simm.s32 $0x0;
	s5 =	srdreg.scid  }
0x5: {  	s16 =	stileid.u32;
	s17 =	simm.s32 $0x5;
	s28 =	simm.s32 $0x3  }
0x6: {  	s29 =	simm.s32 $0x4;
	s30 =	simm.s32 $0x0;
	s21 =	smul.u32 $0x2710, s16  }
0x7: {  	[smem:$0x7FF] =	sst s3;
	s6 =	sand.u32 $0x1, s5;
	s22 =	smul.u32 $0xA000, s16  }
0x8: {  	s5 =	sadd.s32 $0xC800, s0;
	s19 =	ssub.s32 $0x8C, s16;
	s31 =	smul.u32 $0x500, s16  }
0x9: {  	_ =	strace $0x80000047;
	s7 =	sshll.u32 s6, $0x4;
	s8 =	smul.u32 $0x27100, s6  }
0xa: {  	s9 =	ssub.s32 $0x2, s6;
	s6 =	sadd.s32 $0x2A00, s0;
	s10 =	sor.u32 s16, s7  }
0xb: {  	s18 =	sshrl.u32 s9, $0x1;
	s7 =	sshrl.u32 s19, $0x4;
	s25 =	sshrl.u32 s22, $0x2  }
0xc: {  	s16 =	simm.s32 $0x2900;
	s19 =	simm.s32 $0x1;
	s22 =	simm.s32 $0x18A00  }
0xd: {  	s11 =	smul.u32 $0x2710, s10;
	s0 =	sadd.s32 s8, s0;
	s12 =	ssub.s32 s9, s18  }
0xe: {  	s23 =	sshll.u32 s10, $0xB;
	s14 =	sadd.s32 s21, s8;
	s8 =	sadd.s32 s25, s2  }
0xf: {  	s18 =	simm.s32 $0x80;
	s21 =	simm.s32 $0x18980;
	s25 =	simm.s32 $0x100  }
0x10: {  	s24 =	sadd.s32 $0x16600, s0;
	s0 =	sadd.s32 s4, s23;
	s26 =	sadd.s32 $0x50, s14  }
0x11: {  	s23 =	simm.s32 $0x50;
	s20 =	sshrl.u32 s11, $0x3;
	[dreg:$0x7] =	wrdreg s0  }
0x12: {  	s11 =	smax.u32 s12, $0x1;
	s4 =	sshrl.u32 s26, $0x3;
	s0 =	sadd.s32 $0xA0, s14  }
0x13: {  	s24 =	sadd.s32 s24, s31;
	s26 =	simm.s32 $0x18A80;
	s13 =	sadd.s32 s5, s20  }
0x14: {  	s9 =	sadd.s32 s6, s20;
	s14 =	sadd.s32 s4, s6;
	[dreg:$0x5] =	wrdreg s13  }
0x15: {  	v0 =	vimm.f32 $0.0e+00;
	v1 =	vimm.f32 $1.000000000e+00;
	s15 =	sadd.s32 s4, s5;
	s20 =	simm.s32 $0x2;
	[dreg:$0x6] =	wrdreg s9  }
.LBB2_1:
0x16: {  	s4 =	simm.s32 $0x0;
	s13 =	simm.s32 $0x200  }
.LBB2_2:
0x17: {  	p0 =	sne.s32 s13, $0x9E00;
	[tilespmem:s4+$0x2970] =	vst v0  }
0x18: {  	[tilespmem:s4+$0x2900] =	vst v0  }
0x19: {  	[tilespmem:s4+$0x2910] =	vst v0  }
.Ltmp0:
0x1a: {  	[tilespmem:s4+$0x2920] =	vst v0;
	(pc) =	sbr.rel @p0 .LBB2_2-.Ltmp0, $4  }
0x1b: {  	[tilespmem:s4+$0x2930] =	vst v0  }
0x1c: {  	[tilespmem:s4+$0x2940] =	vst v0  }
0x1d: {  	[tilespmem:s4+$0x2950] =	vst v0  }
0x1e: {  	[tilespmem:s4+$0x2960] =	vst v0;
	s4 =	sshra.s32 s13, $0x2;
	s13 =	sadd.s32 $0x200, s13  }
0x1f: {  	[tilespmem:s4+$0x2970] =	vst v0  }
0x20: {  	[tilespmem:s4+$0x2900] =	vst v0  }
0x21: {  	[tilespmem:s4+$0x2910] =	vst v0  }
0x22: {  	[tilespmem:s4+$0x2920] =	vst v0  }
0x23: {  	[tilespmem:s4+$0x2930] =	vst v0  }
0x24: {  	s13 =	simm.s32 $0x0;
	[tilespmem:s4+$0x2940] =	vst v0  }
0x25: {  	[tilespmem:s4+$0x2950] =	vst v0;
	s12 =	sand.u32 $0x70, s13;
	s31 =	sand.u32 $0x3C00, s13  }
0x26: {  	[tilespmem:s4+$0x2960] =	vst v0;
	s4 =	sor.u32 s12, s31  }
0x27: {  	s12 =	simm.s32 $0x10;
	s31 =	simm.s32 $0x0;
	[tilespmem:s4+$0x18A80] =	vst v0  }
.LBB2_4:
0x28: {  	p0 =	sne.s32 s12, $0x7F0  }
.Ltmp1:
0x29: {  	_ = 	snop;
	(pc) =	sbr.rel @p0 .LBB2_4-.Ltmp1, $4  }
0x2a: {  	s31 =	sadd.s32 $0x80, s31  }
0x2b: {  	s9 =	sand.u32 $0x70, s12;
	s10 =	sand.u32 $0x3C00, s31  }
0x2c: {  	s9 =	sor.u32 s9, s10  }
0x2d: {  	s12 =	sadd.s32 $0x10, s12;
	[tilespmem:s9+$0x18A80] =	vst v0  }
0x2e: {  	s12 =	simm.s32 $0x10;
	[tilespmem:s4+$0x18B00] =	vst v0  }
.LBB2_6:
0x2f: {  	p0 =	sne.s32 s12, $0x7F0  }
.Ltmp2:
0x30: {  	_ = 	snop;
	(pc) =	sbr.rel @p0 .LBB2_6-.Ltmp2, $4  }
0x31: {  	s13 =	sadd.s32 $0x80, s13  }
0x32: {  	s4 =	sand.u32 $0x70, s12;
	s9 =	sand.u32 $0x3C00, s13  }
0x33: {  	s4 =	sor.u32 s4, s9  }
0x34: {  	s12 =	sadd.s32 $0x10, s12;
	s31 =	simm.s32 $0x0;
	[tilespmem:s4+$0x18B00] =	vst v0  }
0x35: {  	s4 =	sand.u32 $0x70, s31;
	s9 =	sand.u32 $0x3C00, s31  }
0x36: {  	s4 =	sor.u32 s4, s9  }
0x37: {  	s12 =	simm.s32 $0x10;
	s13 =	simm.s32 $0x0;
	[tilespmem:s4+$0x18B80] =	vst v0  }
.LBB2_8:
0x38: {  	p0 =	sne.s32 s12, $0x7F0  }
.Ltmp3:
0x39: {  	_ = 	snop;
	(pc) =	sbr.rel @p0 .LBB2_8-.Ltmp3, $4  }
0x3a: {  	s13 =	sadd.s32 $0x80, s13  }
0x3b: {  	s9 =	sand.u32 $0x70, s12;
	s10 =	sand.u32 $0x3C00, s13  }
0x3c: {  	s9 =	sor.u32 s9, s10  }
0x3d: {  	s12 =	sadd.s32 $0x10, s12;
	[tilespmem:s9+$0x18B80] =	vst v0  }
0x3e: {  	s12 =	simm.s32 $0x10;
	[tilespmem:s4+$0x18C00] =	vst v0  }
.LBB2_10:
0x3f: {  	p0 =	sne.s32 s12, $0x7F0  }
.Ltmp4:
0x40: {  	_ = 	snop;
	(pc) =	sbr.rel @p0 .LBB2_10-.Ltmp4, $4  }
0x41: {  	s31 =	sadd.s32 $0x80, s31  }
0x42: {  	s4 =	sand.u32 $0x70, s12;
	s9 =	sand.u32 $0x3C00, s31  }
0x43: {  	s4 =	sor.u32 s4, s9  }
0x44: {  	s12 =	sadd.s32 $0x10, s12;
	[tilespmem:s4+$0x18C00] =	vst v0;
	s4 =	simm.s32 $0x0  }
0x45: {  	s9 =	sand.u32 $0x70, s4;
	s10 =	sand.u32 $0x3C00, s4  }
0x46: {  	s12 =	sor.u32 s9, s10  }
0x47: {  	s13 =	simm.s32 $0x10;
	s31 =	simm.s32 $0x0;
	[tilespmem:s12+$0x18C80] =	vst v0  }
.LBB2_12:
0x48: {  	p0 =	sne.s32 s13, $0x7F0  }
.Ltmp5:
0x49: {  	_ = 	snop;
	(pc) =	sbr.rel @p0 .LBB2_12-.Ltmp5, $4  }
0x4a: {  	s31 =	sadd.s32 $0x80, s31  }
0x4b: {  	s9 =	sand.u32 $0x70, s13;
	s10 =	sand.u32 $0x3C00, s31  }
0x4c: {  	s9 =	sor.u32 s9, s10  }
0x4d: {  	s13 =	sadd.s32 $0x10, s13;
	[tilespmem:s9+$0x18C80] =	vst v0  }
0x4e: {  	s31 =	simm.s32 $0x10;
	[tilespmem:s12+$0x18D00] =	vst v0  }
.LBB2_14:
0x4f: {  	p0 =	sne.s32 s31, $0x7F0  }
.Ltmp6:
0x50: {  	_ = 	snop;
	(pc) =	sbr.rel @p0 .LBB2_14-.Ltmp6, $4  }
0x51: {  	s4 =	sadd.s32 $0x80, s4  }
0x52: {  	s9 =	sand.u32 $0x70, s31;
	s10 =	sand.u32 $0x3C00, s4  }
0x53: {  	s9 =	sor.u32 s9, s10  }
0x54: {  	s31 =	sadd.s32 $0x10, s31;
	s13 =	simm.s32 $0x0;
	[tilespmem:s9+$0x18D00] =	vst v0  }
0x55: {  	s4 =	sand.u32 $0x70, s13;
	s9 =	sand.u32 $0x3C00, s13  }
0x56: {  	s9 =	sor.u32 s4, s9  }
0x57: {  	s12 =	simm.s32 $0x0;
	s4 =	simm.s32 $0x10;
	[tilespmem:s9+$0x18D80] =	vst v0  }
.LBB2_16:
0x58: {  	p0 =	sne.s32 s4, $0x7F0  }
.Ltmp7:
0x59: {  	_ = 	snop;
	(pc) =	sbr.rel @p0 .LBB2_16-.Ltmp7, $4  }
0x5a: {  	s12 =	sadd.s32 $0x80, s12  }
0x5b: {  	s9 =	sand.u32 $0x70, s4;
	s10 =	sand.u32 $0x3C00, s12  }
0x5c: {  	s9 =	sor.u32 s9, s10  }
0x5d: {  	s4 =	sadd.s32 $0x10, s4;
	[tilespmem:s9+$0x18D80] =	vst v0  }
0x5e: {  	s4 =	sand.u32 $0x7, s13  }
0x5f: {  	s4 =	sshll.u32 s4, $0x4  }
0x60: {  	s4 =	sadd.s32 $0x0, s4  }
0x61: {  	s9 =	sor.u32 $0x380, s4  }
0x62: {  	s12 =	simm.s32 $0x1;
	s4 =	simm.s32 $0x10;
	[tilespmem:s9+$0x18A80] =	vst v0  }
.LBB2_18:
0x63: {  	s9 =	sand.u32 $0x7, s12;
	p0 =	sne.s32 s4, $0x7F0;
	s4 =	sadd.s32 $0x10, s4  }
.Ltmp8:
0x64: {  	s13 =	sadd.s32 $0x80, s13;
	s9 =	sshll.u32 s9, $0x4;
	(pc) =	sbr.rel @p0 .LBB2_18-.Ltmp8, $4  }
0x65: {  	s9 =	sadd.s32 s9, s13  }
0x66: {  	s9 =	sor.u32 $0x380, s9  }
0x67: {  	[tilespmem:s9+$0x18A80] =	vst v0  }
0x68: {  	s12 =	sadd.s32 $0x1, s12  }
0x69: {  	p0 =	sne.s32 s7, $0x1  }
.Ltmp9:
0x6a: {  	_ = 	snop;
	(pc) =	sbr.rel @!p0 .LBB2_21-.Ltmp9, $4  }
0x6b: {  	_ = 	snop  }
0x6c: {  	[spmem:s8] =	stream.linear.scatter [tilespmem:s16], [sflag:$0x5], $0x2800, $0x38;
	[tilespmem:$0x1CA80] =	vst v63  }
0x6d: {  	_ =	swait.ge [sflag:s17], $0x2800  }
0x6e: {  	s4 =	sadd.s32 $0xFFFFFFFF, s7;
	s12 =	smov.u32 s8;
	[sflag:s17] =	ssyncset.done $0x0  }
.LBB2_20:
0x6f: {  	p1 =	sne.s32 s4, $0x1;
	[sflag:s17] =	ssyncadd.s32 $0xFFFFD800;
	s12 =	sadd.s32 $0x28000, s12  }
.Ltmp10:
0x70: {  	s4 =	sadd.s32 $0xFFFFFFFF, s4;
	(pc) =	sbr.rel @p1 .LBB2_20-.Ltmp10, $4  }
0x71: {  	_ = 	snop  }
0x72: {  	[spmem:s12] =	stream.linear.scatter [tilespmem:s16], [sflag:$0x5], $0x2800, $0x38;
	[tilespmem:$0x1CA80] =	vst v63  }
0x73: {  	_ =	swait.ge [sflag:s17], $0x2800  }
0x74: {  	[sflag:s17] =	ssyncset.done $0x0  }
.LBB2_21:
0x75: {  	[sflag:s17] =	ssyncadd.s32 $0xFFFFD800;
	s31 =	simm.s32 $0x0;
	s4 =	rddreg [dreg:$0x5]  }
0x76: {  	[tilespmem:s31], [sflag:$0x1] =	stream.linear.gather [hbm4b:s4+s31], $0x50, $0x38;
	[tilespmem:$0x1CA80] =	vst v63  }
0x77: {  	s13 =	rddreg [dreg:$0x6]  }
0x78: {  	[tilespmem:s18], [sflag:$0x2] =	stream.linear.gather [hbm4b:s13+s31], $0x50, $0x38;
	[tilespmem:$0x1CA80] =	vst v63  }
0x79: {  	s13 =	smov.u32 s0;
	[bflag:$0x0] =	sbarrier.arrive $0xFFFF  }
.LBB2_22:
0x7a: {  	_ =	swait.ge [sflag:s19], $0x50  }
0x7b: {  	[sflag:s19] =	ssyncset.done $0x0  }
0x7c: {  	[sflag:s19] =	ssyncadd.s32 $0xFFFFFFB0  }
0x7d: {  	_ =	swait.ge [sflag:s20], $0x50  }
0x7e: {  	[sflag:s20] =	ssyncset.done $0x0  }
0x7f: {  	s4 =	sadd.s32 s31, s15;
	[sflag:s20] =	ssyncadd.s32 $0xFFFFFFB0  }
0x80: {  	[tilespmem:s21], [sflag:$0x3] =	stream.linear.gather [hbm4b:s4+s3], $0x50, $0x38;
	[tilespmem:$0x1CA80] =	vst v63  }
0x81: {  	s10 =	sadd.s32 s31, s14  }
0x82: {  	[tilespmem:s22], [sflag:$0x4] =	stream.linear.gather [hbm4b:s10+s3], $0x50, $0x38;
	[tilespmem:$0x1CA80] =	vst v63  }
0x83: {  	_ = 	snop  }
0x84: {  	[tilespmem:s25], [sflag:$0x5] =	stream.indirect.gather [hbm4b:s1+s23], $0x80, s3, s23, $0xb8;
	[tilespmem:$0x1CA80] =	vst v63  }
0x85: {  	_ =	swait.ge [sflag:s17], $0x2800  }
0x86: {  	[sflag:s17] =	ssyncset.done $0x0  }
0x87: {  	[sflag:s17] =	ssyncadd.s32 $0xFFFFD800  }
0x88: {  	[spmem:s2] =	stream.indirect.scatter.add.f32 [tilespmem:s25], [sflag:$0x5], $0x80, s18, s23, $0xb8;
	[tilespmem:$0x1CA80] =	vst v63  }
0x89: {  	_ =	swait.ge [sflag:s17], $0x2800  }
0x8a: {  	[sflag:s17] =	ssyncset.done $0x0  }
0x8b: {  	[sflag:s17] =	ssyncadd.s32 $0xFFFFD800  }
0x8c: {  	v2 =	vld [tilespmem:$0x80];
	_ =	sdelay $0x4  }
0x8d: {  	v3 =	vshll.u32 v2, $0x3  }
0x8e: {  	v4 =	vshrl.u32 v2, $0x4;
	v2 =	vand.u32 $0xFFFFC07F, v2;
	v3 =	vand.u32 $0x3C00, v3  }
0x8f: {  	v4 =	vand.u32 $0x380, v4;
	v2 =	vor.u32 v3, v2  }
0x90: {  	v2 =	vor.u32 v4, v2;
	_ =	sdelay $0x4  }
0x91: {  	[tilespmem:v2+s26+$0x0] =	vst.idx.add.f32.msk $0xffff, v1  }
0x92: {  	v2 =	vld [tilespmem:$0x90];
	_ =	sdelay $0x4  }
0x93: {  	v3 =	vshll.u32 v2, $0x3  }
0x94: {  	v55 =	vshrl.u32 v2, $0x4;
	v2 =	vand.u32 $0xFFFFC07F, v2;
	v3 =	vand.u32 $0x3C00, v3  }
0x95: {  	v4 =	vand.u32 $0x380, v55;
	v2 =	vor.u32 v3, v2  }
0x96: {  	v2 =	vor.u32 v4, v2;
	_ =	sdelay $0x4  }
0x97: {  	[tilespmem:v2+s26+$0x0] =	vst.idx.add.f32.msk $0xffff, v1  }
0x98: {  	v2 =	vld [tilespmem:$0xA0];
	_ =	sdelay $0x4  }
0x99: {  	v3 =	vshll.u32 v2, $0x3  }
0x9a: {  	v56 =	vshrl.u32 v2, $0x4;
	v2 =	vand.u32 $0xFFFFC07F, v2;
	v3 =	vand.u32 $0x3C00, v3  }
0x9b: {  	v4 =	vand.u32 $0x380, v56;
	v2 =	vor.u32 v3, v2  }
0x9c: {  	v2 =	vor.u32 v4, v2;
	_ =	sdelay $0x4  }
0x9d: {  	[tilespmem:v2+s26+$0x0] =	vst.idx.add.f32.msk $0xffff, v1  }
0x9e: {  	v2 =	vld [tilespmem:$0xB0];
	_ =	sdelay $0x4  }
0x9f: {  	v3 =	vshll.u32 v2, $0x3  }
0xa0: {  	v57 =	vshrl.u32 v2, $0x4;
	v2 =	vand.u32 $0xFFFFC07F, v2;
	v3 =	vand.u32 $0x3C00, v3  }
0xa1: {  	v4 =	vand.u32 $0x380, v57;
	v2 =	vor.u32 v3, v2  }
0xa2: {  	v2 =	vor.u32 v4, v2;
	_ =	sdelay $0x4  }
0xa3: {  	[tilespmem:v2+s26+$0x0] =	vst.idx.add.f32.msk $0xffff, v1  }
0xa4: {  	v2 =	vld [tilespmem:$0xC0];
	_ =	sdelay $0x4  }
0xa5: {  	v3 =	vshll.u32 v2, $0x3  }
0xa6: {  	v58 =	vshrl.u32 v2, $0x4;
	v2 =	vand.u32 $0xFFFFC07F, v2;
	v3 =	vand.u32 $0x3C00, v3  }
0xa7: {  	v4 =	vand.u32 $0x380, v58;
	v2 =	vor.u32 v3, v2  }
0xa8: {  	v2 =	vor.u32 v4, v2;
	_ =	sdelay $0x4  }
0xa9: {  	[tilespmem:v2+s26+$0x0] =	vst.idx.add.f32.msk $0xffff, v1  }
0xaa: {  	_ =	swait.ge [sflag:s28], $0x50  }
0xab: {  	[sflag:s28] =	ssyncset.done $0x0  }
0xac: {  	[sflag:s28] =	ssyncadd.s32 $0xFFFFFFB0  }
0xad: {  	_ =	swait.ge [sflag:s29], $0x50  }
0xae: {  	s12 =	sshrl.u32 s13, $0x3;
	[sflag:s29] =	ssyncset.done $0x0  }
0xaf: {  	s9 =	sadd.s32 s5, s12;
	[sflag:s29] =	ssyncadd.s32 $0xFFFFFFB0  }
0xb0: {  	[tilespmem:s3], [sflag:$0x1] =	stream.linear.gather [hbm4b:s9+s3], $0x50, $0x38;
	[tilespmem:$0x1CA80] =	vst v63  }
0xb1: {  	s4 =	sadd.s32 s6, s12  }
0xb2: {  	[tilespmem:s18], [sflag:$0x2] =	stream.linear.gather [hbm4b:s4+s3], $0x50, $0x38;
	[tilespmem:$0x1CA80] =	vst v63  }
0xb3: {  	_ = 	snop  }
0xb4: {  	[tilespmem:s25], [sflag:$0x5] =	stream.indirect.gather [hbm4b:s1+s23], $0x80, s21, s23, $0xb8;
	[tilespmem:$0x1CA80] =	vst v63  }
0xb5: {  	_ =	swait.ge [sflag:s17], $0x2800  }
0xb6: {  	[sflag:s17] =	ssyncset.done $0x0  }
0xb7: {  	[sflag:s17] =	ssyncadd.s32 $0xFFFFD800  }
0xb8: {  	[spmem:s2] =	stream.indirect.scatter.add.f32 [tilespmem:s25], [sflag:$0x5], $0x80, s22, s23, $0xb8;
	[tilespmem:$0x1CA80] =	vst v63  }
0xb9: {  	_ =	swait.ge [sflag:s17], $0x2800  }
0xba: {  	[sflag:s17] =	ssyncset.done $0x0  }
0xbb: {  	[sflag:s17] =	ssyncadd.s32 $0xFFFFD800  }
0xbc: {  	v2 =	vld [tilespmem:$0x18A00];
	_ =	sdelay $0x4  }
0xbd: {  	v3 =	vshll.u32 v2, $0x3  }
0xbe: {  	v59 =	vshrl.u32 v2, $0x4;
	v2 =	vand.u32 $0xFFFFC07F, v2;
	v3 =	vand.u32 $0x3C00, v3  }
0xbf: {  	v4 =	vand.u32 $0x380, v59;
	v2 =	vor.u32 v3, v2  }
0xc0: {  	v2 =	vor.u32 v4, v2;
	_ =	sdelay $0x4  }
0xc1: {  	[tilespmem:v2+s26+$0x0] =	vst.idx.add.f32.msk $0xffff, v1  }
0xc2: {  	v2 =	vld [tilespmem:$0x18A10];
	_ =	sdelay $0x4  }
0xc3: {  	v3 =	vshll.u32 v2, $0x3  }
0xc4: {  	v60 =	vshrl.u32 v2, $0x4;
	v2 =	vand.u32 $0xFFFFC07F, v2;
	v3 =	vand.u32 $0x3C00, v3  }
0xc5: {  	v4 =	vand.u32 $0x380, v60;
	v2 =	vor.u32 v3, v2  }
0xc6: {  	v2 =	vor.u32 v4, v2;
	_ =	sdelay $0x4  }
0xc7: {  	[tilespmem:v2+s26+$0x0] =	vst.idx.add.f32.msk $0xffff, v1  }
0xc8: {  	v2 =	vld [tilespmem:$0x18A20];
	_ =	sdelay $0x4  }
0xc9: {  	v3 =	vshll.u32 v2, $0x3  }
0xca: {  	v61 =	vshrl.u32 v2, $0x4;
	v2 =	vand.u32 $0xFFFFC07F, v2;
	v3 =	vand.u32 $0x3C00, v3  }
0xcb: {  	v4 =	vand.u32 $0x380, v61;
	v2 =	vor.u32 v3, v2  }
0xcc: {  	v2 =	vor.u32 v4, v2;
	_ =	sdelay $0x4  }
0xcd: {  	[tilespmem:v2+s26+$0x0] =	vst.idx.add.f32.msk $0xffff, v1  }
0xce: {  	v2 =	vld [tilespmem:$0x18A30];
	_ =	sdelay $0x4  }
0xcf: {  	v3 =	vshll.u32 v2, $0x3  }
0xd0: {  	v62 =	vshrl.u32 v2, $0x4;
	v2 =	vand.u32 $0xFFFFC07F, v2;
	v3 =	vand.u32 $0x3C00, v3  }
0xd1: {  	v4 =	vand.u32 $0x380, v62;
	v2 =	vor.u32 v3, v2  }
0xd2: {  	v2 =	vor.u32 v4, v2;
	_ =	sdelay $0x4  }
0xd3: {  	[tilespmem:v2+s26+$0x0] =	vst.idx.add.f32.msk $0xffff, v1  }
0xd4: {  	v2 =	vld [tilespmem:$0x18A40];
	_ =	sdelay $0x4  }
0xd5: {  	v3 =	vshll.u32 v2, $0x3  }
0xd6: {  	v63 =	vshrl.u32 v2, $0x4;
	v2 =	vand.u32 $0xFFFFC07F, v2;
	v3 =	vand.u32 $0x3C00, v3  }
0xd7: {  	v4 =	vand.u32 $0x380, v63;
	v2 =	vor.u32 v3, v2  }
0xd8: {  	p1 =	sne.s32 s31, $0x4C4;
	v2 =	vor.u32 v4, v2  }
.Ltmp11:
0xd9: {  	_ = 	snop;
	(pc) =	sbr.rel @p1 .LBB2_22-.Ltmp11, $2  }
0xda: {  	_ =	sdelay $0x2  }
0xdb: {  	s13 =	sadd.s32 $0xA0, s13;
	s31 =	sadd.s32 $0x14, s31;
	[tilespmem:v2+s26+$0x0] =	vst.idx.add.f32.msk $0xffff, v1  }
0xdc: {  	_ =	swait.ge [sflag:s19], $0x50  }
0xdd: {  	[sflag:s19] =	ssyncset.done $0x0  }
0xde: {  	[sflag:s19] =	ssyncadd.s32 $0xFFFFFFB0  }
0xdf: {  	_ =	swait.ge [sflag:s20], $0x50  }
0xe0: {  	[sflag:s20] =	ssyncset.done $0x0  }
0xe1: {  	[sflag:s20] =	ssyncadd.s32 $0xFFFFFFB0  }
0xe2: {  	[tilespmem:s25], [sflag:$0x5] =	stream.indirect.gather [hbm4b:s1+s23], $0x80, s3, s23, $0xb8;
	[tilespmem:$0x1CA80] =	vst v63  }
0xe3: {  	_ =	swait.ge [sflag:s17], $0x2800  }
0xe4: {  	[sflag:s17] =	ssyncset.done $0x0  }
0xe5: {  	[sflag:s17] =	ssyncadd.s32 $0xFFFFD800  }
0xe6: {  	[spmem:s2] =	stream.indirect.scatter.add.f32 [tilespmem:s25], [sflag:$0x5], $0x80, s18, s23, $0xb8;
	[tilespmem:$0x1CA80] =	vst v63  }
0xe7: {  	_ =	swait.ge [sflag:s17], $0x2800  }
0xe8: {  	[sflag:s17] =	ssyncset.done $0x0  }
0xe9: {  	[sflag:s17] =	ssyncadd.s32 $0xFFFFD800  }
0xea: {  	v2 =	vld [tilespmem:$0x80];
	_ =	sdelay $0x4  }
0xeb: {  	v3 =	vshll.u32 v2, $0x3  }
0xec: {  	v4 =	vshrl.u32 v2, $0x4;
	v2 =	vand.u32 $0xFFFFC07F, v2;
	v3 =	vand.u32 $0x3C00, v3  }
0xed: {  	v4 =	vand.u32 $0x380, v4;
	v2 =	vor.u32 v3, v2  }
0xee: {  	v2 =	vor.u32 v4, v2;
	_ =	sdelay $0x4  }
0xef: {  	[tilespmem:v2+s26+$0x0] =	vst.idx.add.f32.msk $0xffff, v1  }
0xf0: {  	v2 =	vld [tilespmem:$0x90];
	_ =	sdelay $0x4  }
0xf1: {  	v3 =	vshll.u32 v2, $0x3  }
0xf2: {  	v60 =	vshrl.u32 v2, $0x4;
	v2 =	vand.u32 $0xFFFFC07F, v2;
	v3 =	vand.u32 $0x3C00, v3  }
0xf3: {  	v4 =	vand.u32 $0x380, v60;
	v2 =	vor.u32 v3, v2  }
0xf4: {  	v2 =	vor.u32 v4, v2;
	_ =	sdelay $0x4  }
0xf5: {  	[tilespmem:v2+s26+$0x0] =	vst.idx.add.f32.msk $0xffff, v1  }
0xf6: {  	v2 =	vld [tilespmem:$0xA0];
	_ =	sdelay $0x4  }
0xf7: {  	v3 =	vshll.u32 v2, $0x3  }
0xf8: {  	v61 =	vshrl.u32 v2, $0x4;
	v2 =	vand.u32 $0xFFFFC07F, v2;
	v3 =	vand.u32 $0x3C00, v3  }
0xf9: {  	v4 =	vand.u32 $0x380, v61;
	v2 =	vor.u32 v3, v2  }
0xfa: {  	v2 =	vor.u32 v4, v2;
	_ =	sdelay $0x4  }
0xfb: {  	[tilespmem:v2+s26+$0x0] =	vst.idx.add.f32.msk $0xffff, v1  }
0xfc: {  	v2 =	vld [tilespmem:$0xB0];
	_ =	sdelay $0x4  }
0xfd: {  	v3 =	vshll.u32 v2, $0x3  }
0xfe: {  	v62 =	vshrl.u32 v2, $0x4;
	v2 =	vand.u32 $0xFFFFC07F, v2;
	v3 =	vand.u32 $0x3C00, v3  }
0xff: {  	v4 =	vand.u32 $0x380, v62;
	v2 =	vor.u32 v3, v2  }
0x100: {  	v2 =	vor.u32 v4, v2;
	_ =	sdelay $0x4  }
0x101: {  	[tilespmem:v2+s26+$0x0] =	vst.idx.add.f32.msk $0xffff, v1  }
0x102: {  	v2 =	vld [tilespmem:$0xC0];
	_ =	sdelay $0x4  }
0x103: {  	v3 =	vshll.u32 v2, $0x3  }
0x104: {  	v63 =	vshrl.u32 v2, $0x4;
	v2 =	vand.u32 $0xFFFFC07F, v2;
	v3 =	vand.u32 $0x3C00, v3  }
0x105: {  	v4 =	vand.u32 $0x380, v63;
	v2 =	vor.u32 v3, v2  }
0x106: {  	v2 =	vor.u32 v4, v2;
	_ =	sdelay $0x3  }
.Ltmp12:
0x107: {  	s4 =	stileid.u32;
	(pc) =	sbr.rel @!p0 .LBB2_25-.Ltmp12, $4  }
0x108: {  	s9 =	sshrl.u32 s8, $0x3;
	s4 =	sshll.u32 s4, $0x6;
	[tilespmem:v2+s26+$0x0] =	vst.idx.add.f32.msk $0xffff, v1  }
0x109: {  	s13 =	sadd.s32 $0xFFFFFFFF, s7;
	s4 =	sor.u32 $0x1C05, s4;
	[bflag:$0x0] =	sbarrier.arrive $0xFFFF  }
0x10a: {  	[hbm:s24], [sflag:s4] =	dma.local [spmem:s9], $0x500  }
0x10b: {  	s31 =	sadd.s32 $0x5000, s24;
	s12 =	smov.u32 s8;
	_ =	swait.ge [sflag:s17], $0x500  }
.LBB2_24:
0x10c: {  	[sflag:s17] =	ssyncset.done $0x0;
	s12 =	sadd.s32 $0x28000, s12;
	p0 =	sne.s32 s13, $0x1  }
.Ltmp13:
0x10d: {  	s9 =	sshrl.u32 s12, $0x3;
	[sflag:s17] =	ssyncadd.s32 $0xFFFFFB00;
	(pc) =	sbr.rel @p0 .LBB2_24-.Ltmp13, $3  }
0x10e: {  	[hbm:s31], [sflag:s4] =	dma.local [spmem:s9], $0x500  }
0x10f: {  	s13 =	sadd.s32 $0xFFFFFFFF, s13;
	_ =	sdelay $0x1  }
0x110: {  	s31 =	sadd.s32 $0x5000, s31;
	_ =	swait.ge [sflag:s17], $0x500  }
.LBB2_25:
0x111: {  	s30 =	sadd.s32 $0x1, s30  }
0x112: {  	[sflag:s17] =	ssyncset.done $0x0;
	p0 =	sne.s32 s30, s11  }
.Ltmp14:
0x113: {  	s4 =	rddreg [dreg:$0x7];
	[sflag:s17] =	ssyncadd.s32 $0xFFFFFB00;
	(pc) =	sbr.rel @p0 .LBB2_1-.Ltmp14, $4  }
0x114: {  	[hbm4b:s4+s3] =	stream.linear.scatter [tilespmem:s26], [sflag:$0x5], $0x4000, $0x38;
	[tilespmem:$0x1CA80] =	vst v63  }
0x115: {  	_ =	swait.ge [sflag:s17], $0x4000  }
0x116: {  	[sflag:s17] =	ssyncset.done $0x0  }
0x117: {  	[sflag:s17] =	ssyncadd.s32 $0xFFFFC000  }
0x118: {  	_ =	sfence.sel $0x180000  }
0x119: {  	[bflag:$0x0] =	sbarrier.arrive $0xFFFF  }
0x11a: {  	_ =	strace $0x90000047  }
0x11b: {  	s0 =	stileid.u32;
	[bflag:$0x2] =	sbarrier.arrive $0xFFFF  }
0x11c: {  	p0 =	sne.s32 s0, $0x0;
	s0 =	rddreg [dreg:$0x4]  }
0x11d: {  	s0 =	sadd.s32 @!p0 $0x100000, s0  }
0x11e: {  	[sflag:s0] =	ssyncadd.tile.s32 @!p0 $0x1;
	_ =	shalt  }
.Lfunc_end2:
_tile_overlayer_lowered:
.L_overlay_start_2:
0x11f: {  	(tag) =	ssettag $0x2  }
0x120: {  	s0 =	rddreg [dreg:$0x0];
	s2 =	stileid.u32  }
0x121: {  	s1 =	rddreg [dreg:$0x1];
	p0 =	sne.s32 s2, $0x0  }
0x122: {  	s3 =	rddreg [dreg:$0x2];
	[bflag:$0x3] =	sbarrier.arrive $0xFFFF;
	s2 =	simm.s32 @!p0 $0x1C05  }
0x123: {  	[timem:s3], [sflag:s2] =	dma.local @!p0 [hbm:s0], s1  }
0x124: {  	s0 =	simm.s32 @!p0 $0x5  }
0x125: {  	_ =	swait.ge @!p0 [sflag:s0], s1  }
0x126: {  	s1 =	ssub.s32 @!p0 $0x0, s1;
	[sflag:s0] =	ssyncset.done @!p0 $0x0  }
0x127: {  	[sflag:s0] =	ssyncadd.s32 @!p0 s1  }
0x128: {  	[bflag:$0x3] =	sbarrier.arrive $0xFFFF  }
0x129: {  	_ =	shalt  }

// kernel: kernel.9.cloned.1.call-start
scs
__scs_entry_jumppad:
0x0: {  	(pc) =	sbr.rel $0x88, $3  }
0x1: {  	(tag) =	ssettag $0x0;
	lr =	simm.s32 $0x1  }
0x2: {  	[smem:$0x3F93] =	sst lr;
	_ =	strace $0xD0000000  }
0x3: {  	_ = 	snop  }
0x4: {  	_ = 	snop  }
0x5: {  	_ = 	snop  }
0x6: {  	_ = 	snop  }
0x7: {  	_ = 	snop  }
__scs_overlays_trampoline_lowered:
0x8: {  	[smem:$0x3FA2] =	sst s0  }
0x9: {  	[smem:$0x3FA3] =	sst s1  }
0xa: {  	[smem:$0x3FA4] =	sst s2  }
0xb: {  	[smem:$0x3FA5] =	sst s3  }
0xc: {  	[smem:$0x3FA6] =	sst s4  }
0xd: {  	[smem:$0x3FA7] =	sst s5  }
0xe: {  	[smem:$0x3FA8] =	sst s6  }
0xf: {  	[smem:$0x3FA9] =	sst s7  }
0x10: {  	[smem:$0x3FAA] =	sst s8  }
0x11: {  	[smem:$0x3FAB] =	sst s9;
	s0 =	simm.s32 @!p0 $0x0  }
0x12: {  	s1 =	sld [smem:$0x3F91];
	s0 =	simm.s32 @p0 $0x1  }
0x13: {  	[smem:$0x3FAC] =	sst s0;
	s0 =	simm.s32 @!p1 $0x0  }
0x14: {  	s2 =	sld [smem:$0x3F90];
	s0 =	simm.s32 @p1 $0x1  }
0x15: {  	[smem:$0x3FAD] =	sst s0;
	s0 =	simm.s32 @!p2 $0x0  }
0x16: {  	s3 =	sld [smem:$0x3FDB];
	s0 =	simm.s32 @p2 $0x1  }
0x17: {  	s4 =	simm.s32 $0x1BF5;
	[smem:$0x3FAF] =	sst s0  }
0x18: {  	s0 =	sld [smem:$0x3F92];
	_ =	swait.ge [sflag:s4], $0x0  }
0x19: {  	s7 =	sld [smem:$0x3F93]  }
0x1a: {  	s8 =	sadd.s32 $0xFFFFE003, lr  }
0x1b: {  	s9 =	sadd.s32 $0xFFFFFEF7, lr;
	s5 =	simm.s32 $0xFFFFFFFF;
	p2 =	slt.u32 s8, $0xFFFFF086  }
0x1c: {  	p1 =	slt.u32 s9, $0xF7A;
	s5 =	simm.s32 @!p2 $0x0  }
0x1d: {  	s5 =	simm.s32 @p1 $0x1;
	p0 =	seq.s32 s7, s2  }
0x1e: {  	s7 =	smul.u32 @!p0 $0xF7A, s2;
	p2 =	seq.s32 @!p0 s5, $0x0  }
0x1f: {  	s9 =	smul.u32 $0xF7A, s1;
	s8 =	simm.s32 @!p0 $0x1BF5;
	p2 =	por !p2, p0  }
0x20: {  	[sflag:s8] =	ssyncset.s32 @!p0 $0xFFFFF086;
	s6 =	sadd.s32 @!p0 s3, s7;
	s7 =	simm.s32 @!p0 $0x108  }
0x21: {  	s3 =	sadd.s32 s3, s9;
	s6 =	sadd.s32 @!p0 $0x88, s6;
	s7 =	simm.s32 @p2 $0x1082  }
0x22: {  	[simem:s7], [sflag:s8] =	dma.local @!p0 [hbm:s6], $0xF7A  }
0x23: {  	s9 =	sor.u32 $0xD0000000, s2;
	s6 =	simm.s32 $0x108;
	_ =	swait.ge @!p0 [sflag:s8], $0x0  }
0x24: {  	s3 =	sadd.s32 $0x88, s3;
	s6 =	simm.s32 @!p1 $0x1082;
	[sflag:s4] =	ssyncset.s32 $0xFFFFF086  }
0x25: {  	[simem:s6], [sflag:s4] =	dma.local [hbm:s3], $0xF7A  }
0x26: {  	[smem:$0x3F93] =	sst s1;
	(tag) =	ssettag s2;
	_ =	strace s9  }
0x27: {  	s1 =	sld [smem:$0x3FA3]  }
0x28: {  	s2 =	sld [smem:$0x3FA4]  }
0x29: {  	s4 =	sld [smem:$0x3FA6]  }
0x2a: {  	p0 =	seq.s32 s5, $0x0;
	s5 =	sld [smem:$0x3FA7]  }
0x2b: {  	s6 =	sld [smem:$0x3FA8]  }
0x2c: {  	s7 =	sld [smem:$0x3FA9]  }
0x2d: {  	s3 =	simm.s32 $0x108;
	s8 =	sld [smem:$0x3FAA]  }
0x2e: {  	s3 =	simm.s32 @!p0 $0x1082;
	s9 =	sld [smem:$0x3FAB]  }
0x2f: {  	lr =	sadd.s32 s0, s3;
	s0 =	sld [smem:$0x3FA2]  }
0x30: {  	s3 =	sld [smem:$0x3FA5]  }
0x31: {  	[smem:$0x3FAE] =	sst s10  }
0x32: {  	s10 =	sld [smem:$0x3FAC];
	_ =	sdelay $0x3  }
0x33: {  	p0 =	seq.s32 s10, $0x1;
	s10 =	sld [smem:$0x3FAE];
	_ =	sdelay $0x3  }
0x34: {  	[smem:$0x3FAE] =	sst s10  }
0x35: {  	s10 =	sld [smem:$0x3FAD];
	_ =	sdelay $0x3  }
0x36: {  	p1 =	seq.s32 s10, $0x1;
	s10 =	sld [smem:$0x3FAE];
	_ =	sdelay $0x3  }
0x37: {  	[smem:$0x3FAE] =	sst s10  }
0x38: {  	s10 =	sld [smem:$0x3FAF]  }
0x39: {  	_ = 	snop;
	(pc) =	sbr.ind lr, $3  }
0x3a: {  	_ = 	snop  }
0x3b: {  	_ = 	snop  }
0x3c: {  	p2 =	seq.s32 s10, $0x1;
	s10 =	sld [smem:$0x3FAE]  }
0x3d: {  	_ =	shalt  }
0x3e: {  	_ =	shalt  }
0x3f: {  	_ =	shalt  }
0x40: {  	_ =	shalt  }
0x41: {  	_ =	shalt  }
0x42: {  	_ =	shalt  }
0x43: {  	_ =	shalt  }
0x44: {  	_ =	shalt  }
0x45: {  	_ =	shalt  }
0x46: {  	_ =	shalt  }
0x47: {  	_ =	shalt  }
0x48: {  	_ =	shalt  }
0x49: {  	_ =	shalt  }
0x4a: {  	_ =	shalt  }
0x4b: {  	_ =	shalt  }
0x4c: {  	_ =	shalt  }
0x4d: {  	_ =	shalt  }
0x4e: {  	_ =	shalt  }
0x4f: {  	_ =	shalt  }
0x50: {  	_ =	shalt  }
0x51: {  	_ =	shalt  }
0x52: {  	_ =	shalt  }
0x53: {  	_ =	shalt  }
0x54: {  	_ =	shalt  }
0x55: {  	_ =	shalt  }
0x56: {  	_ =	shalt  }
0x57: {  	_ =	shalt  }
0x58: {  	_ =	shalt  }
0x59: {  	_ =	shalt  }
0x5a: {  	_ =	shalt  }
0x5b: {  	_ =	shalt  }
0x5c: {  	_ =	shalt  }
0x5d: {  	_ =	shalt  }
0x5e: {  	_ =	shalt  }
0x5f: {  	_ =	shalt  }
0x60: {  	_ =	shalt  }
0x61: {  	_ =	shalt  }
0x62: {  	_ =	shalt  }
0x63: {  	_ =	shalt  }
0x64: {  	_ =	shalt  }
0x65: {  	_ =	shalt  }
0x66: {  	_ =	shalt  }
0x67: {  	_ =	shalt  }
0x68: {  	_ =	shalt  }
0x69: {  	_ =	shalt  }
0x6a: {  	_ =	shalt  }
0x6b: {  	_ =	shalt  }
0x6c: {  	_ =	shalt  }
0x6d: {  	_ =	shalt  }
0x6e: {  	_ =	shalt  }
0x6f: {  	_ =	shalt  }
0x70: {  	_ =	shalt  }
0x71: {  	_ =	shalt  }
0x72: {  	_ =	shalt  }
0x73: {  	_ =	shalt  }
0x74: {  	_ =	shalt  }
0x75: {  	_ =	shalt  }
0x76: {  	_ =	shalt  }
0x77: {  	_ =	shalt  }
0x78: {  	_ =	shalt  }
0x79: {  	_ =	shalt  }
0x7a: {  	_ =	shalt  }
0x7b: {  	_ =	shalt  }
0x7c: {  	_ =	shalt  }
0x7d: {  	_ =	shalt  }
0x7e: {  	_ =	shalt  }
0x7f: {  	_ =	shalt  }
0x80: {  	_ =	shalt  }
0x81: {  	_ =	shalt  }
0x82: {  	_ =	shalt  }
0x83: {  	_ =	shalt  }
0x84: {  	_ =	shalt  }
0x85: {  	_ =	shalt  }
0x86: {  	_ =	shalt  }
0x87: {  	_ =	shalt  }
.Lfunc_end0:
.L_simem_size_0:
called_computation.1_lowered:
.L_overlay_start_0:
0x88: {  	s2 =	sld [smem:$0x3FD9]  }
0x89: {  	s3 =	sld [smem:$0x3FFE];
	_ =	sdelay $0x1  }
0x8a: {  	s1 =	srdreg.scid  }
0x8b: {  	s0 =	sand.u32 $0x1, s1  }
0x8c: {  	s17 =	sshll.u32 s0, $0xA;
	s2 =	sadd.s32 s3, s2  }
0x8d: {  	s2 =	sadd.s32 s2, s17  }
0x8e: {  	[smem:$0x3FBA] =	sst s2  }
0x8f: {  	_ = 	snop  }
0x90: {  	s2 =	sld [smem:$0x3FD0];
	(tm) =	ssettm $0x1  }
0x91: {  	s18 =	sld [smem:$0x3FFB];
	_ =	sdelay $0x3  }
0x92: {  	_ =	strace s18  }
0x93: {  	s3 =	sld [smem:$0x3FFC];
	_ =	sdelay $0x3  }
0x94: {  	_ =	strace s3  }
0x95: {  	s3 =	sld [smem:$0x3FFD];
	_ =	sdelay $0x3  }
0x96: {  	_ =	strace s3  }
0x97: {  	_ =	strace $0x8FFFFFFF  }
0x98: {  	s19 =	sld [smem:$0x3FDB];
	_ =	sdelay $0x1  }
0x99: {  	s4 =	simm.s32 $_scs_section_size  }
0x9a: {  	s5 =	simm.s32 $_size__tile_overlayer_lowered;
	s6 =	simm.s32 $_tile_overlayer_lowered  }
0x9b: {  	s22 =	simm.s32 $0x1BFF;
	s21 =	sshll.u32 s6, $0x1;
	s3 =	sadd.s32 s4, s19  }
0x9c: {  	s7 =	simm.s32 $0x0;
	s20 =	sshll.u32 s5, $0x1;
	s5 =	sadd.s32 s21, s3  }
0x9d: {  	[timem:s7], [sflag:s22] =	dma.local [hbm:s5], s20  }
0x9e: {  	_ =	swait.ge [sflag:s22], s20  }
0x9f: {  	s4 =	ssub.s32 $0x0, s20;
	[sflag:s22] =	ssyncset.done $0x0  }
0xa0: {  	[sflag:s22] =	ssyncadd.s32 s4;
	_ =	sdelay $0x1  }
0xa1: {  	s23 =	simm.s32 $0x1B8B  }
0xa2: {  	_ =	swait.ge [sflag:s23], $0x1  }
0xa3: {  	[sflag:s23] =	ssyncset.done $0x0  }
0xa4: {  	s25 =	simm.s32 $0x1B8E;
	s24 =	sld [smem:$0x3FFE];
	[sflag:s23] =	ssyncadd.s32 $0xFFFFFFFF  }
0xa5: {  	s26 =	simm.s32 $execute0_lowered;
	[smem:$0x3FD2] =	sst s25  }
0xa6: {  	s5 =	sshll.u32 s26, $0x1;
	_ =	strace $0x80000049;
	[dreg:$0x1] =	wrdreg $0xFFFFFFFF  }
0xa7: {  	s28 =	simm.s32 $_size_execute0_lowered;
	s3 =	sadd.s32 s3, s5;
	[dreg:$0x0] =	wrdreg $0x0  }
0xa8: {  	s5 =	sshll.u32 s28, $0x1;
	[dreg:$0x2] =	wrdreg s3  }
0xa9: {  	[dreg:$0x3] =	wrdreg s5  }
0xaa: {  	[dreg:$0x4] =	wrdreg $0xC0  }
0xab: {  	_ =	task [dreg:s7], $0x5FFFF  }
0xac: {  	[dreg:$0x1] =	wrdreg $0xFFFFFFFF  }
0xad: {  	[dreg:$0x0] =	wrdreg $0x60  }
0xae: {  	[dreg:$0x2] =	wrdreg s2  }
0xaf: {  	[dreg:$0x3] =	wrdreg s24  }
0xb0: {  	[dreg:$0x4] =	wrdreg $0x51000  }
0xb1: {  	[dreg:$0x5] =	wrdreg $0x9  }
0xb2: {  	_ =	task.clear_ibuf [dreg:s7], $0x6FFFF;
	_ =	strace $0x90000049  }
0xb3: {  	s29 =	simm.s32 $0x9;
	_ =	strace $0x8000004B  }
0xb4: {  	_ =	swait.ge [sflag:s29], $0x1  }
0xb5: {  	[sflag:s29] =	ssyncadd.s32 $0xFFFFFFFF  }
0xb6: {  	_ =	strace $0x9000004B  }
0xb7: {  	_ =	sfence  }
0xb8: {  	s30 =	sld [smem:$0x0];
	_ =	sdelay $0x2  }
0xb9: {  	s31 =	sshll.u32 s1, $0xD;
	s1 =	sshrl.u32 s1, $0x2  }
0xba: {  	s3 =	sand.u32 $0x4000, s31;
	s1 =	sadd.s32 s1, s30  }
0xbb: {  	s0 =	sor.u32 s3, s0;
	s1 =	sshll.u32 s1, $0x11  }
0xbc: {  	s0 =	sor.u32 s1, s0  }
0xbd: {  	s0 =	sadd.s32 $0x8F2B, s0  }
0xbe: {  	[sflag:s0] =	ssyncadd.remote.s32 $0x1  }
0xbf: {  	_ =	sfence.sel $0xFFFF  }
0xc0: {  	[dreg:$0x0] =	wrdreg $0xFFFFFFFF;
	(pc) =	sbr.abs _section_cstart, $3  }
0xc1: {  	[dreg:$0x1] =	wrdreg $0xFFFFFFFF  }
0xc2: {  	_ =	task.clear_ibuf [dreg:s7], $0x2FFFF;
	_ =	strace $0x9FFFFFFF  }
0xc3: {  	(tm) =	ssettm $0x7FFFFFFF  }
tec
execute0_lowered:
.L_overlay_start_1:
0x0: {  	(tag) =	ssettag $0x1  }
0x1: {  	s1 =	rddreg [dreg:$0x0]  }
0x2: {  	s0 =	rddreg [dreg:$0x1]  }
0x3: {  	s2 =	rddreg [dreg:$0x2];
	s3 =	simm.s32 $0x0;
	s4 =	srdreg.scid  }
0x4: {  	s26 =	stileid.u32;
	s15 =	simm.s32 $0x2900;
	s16 =	simm.s32 $0x5  }
0x5: {  	s17 =	simm.s32 $0x80;
	s18 =	simm.s32 $0x1;
	s19 =	simm.s32 $0x2  }
0x6: {  	s20 =	simm.s32 $0x18980;
	s21 =	simm.s32 $0x18A00;
	s22 =	simm.s32 $0x50  }
0x7: {  	s23 =	simm.s32 $0x100;
	s25 =	simm.s32 $0x3;
	s28 =	simm.s32 $0x0  }
0x8: {  	[smem:$0x7FF] =	sst s3;
	s7 =	sand.u32 $0x1, s4;
	s12 =	smul.u32 $0x2710, s26  }
0x9: {  	s5 =	sadd.s32 $0xC800, s0;
	s6 =	sadd.s32 $0x2A00, s0;
	s13 =	smul.u32 $0xA000, s26  }
0xa: {  	s11 =	ssub.s32 $0x8C, s26;
	s24 =	smul.u32 $0x500, s26;
	_ =	strace $0x8000004A  }
0xb: {  	s9 =	smul.u32 $0x27100, s7;
	s8 =	sshll.u32 s7, $0x4;
	s7 =	ssub.s32 $0x2, s7  }
0xc: {  	s8 =	sor.u32 s26, s8;
	s10 =	sshrl.u32 s7, $0x1;
	s13 =	sshrl.u32 s13, $0x2  }
0xd: {  	s26 =	simm.s32 $0x4;
	s0 =	sadd.s32 s9, s0;
	s8 =	smul.u32 $0x2710, s8  }
0xe: {  	s10 =	ssub.s32 s7, s10;
	s7 =	sshrl.u32 s11, $0x4;
	s12 =	sadd.s32 s12, s9  }
0xf: {  	s30 =	sadd.s32 $0x16600, s0;
	s31 =	sadd.s32 $0x50, s12;
	s10 =	smax.u32 s10, $0x1  }
0x10: {  	s0 =	sadd.s32 s13, s2;
	s12 =	sadd.s32 $0xA0, s12;
	s29 =	sshrl.u32 s8, $0x3  }
0x11: {  	s14 =	sshrl.u32 s31, $0x3;
	s24 =	sadd.s32 s30, s24;
	s8 =	sadd.s32 s5, s29  }
0x12: {  	v0 =	vimm.f32 $0.0e+00;
	s9 =	sadd.s32 s6, s29;
	s13 =	sadd.s32 s14, s6;
	s14 =	sadd.s32 s14, s5  }
.LBB2_1:
0x13: {  	s29 =	simm.s32 $0x0;
	s30 =	simm.s32 $0x200  }
.LBB2_2:
0x14: {  	p0 =	sne.s32 s30, $0x9E00;
	[tilespmem:s29+$0x2970] =	vst v0  }
0x15: {  	[tilespmem:s29+$0x2900] =	vst v0  }
0x16: {  	[tilespmem:s29+$0x2910] =	vst v0  }
.Ltmp0:
0x17: {  	[tilespmem:s29+$0x2920] =	vst v0;
	(pc) =	sbr.rel @p0 .LBB2_2-.Ltmp0, $4  }
0x18: {  	[tilespmem:s29+$0x2930] =	vst v0  }
0x19: {  	[tilespmem:s29+$0x2940] =	vst v0  }
0x1a: {  	[tilespmem:s29+$0x2950] =	vst v0  }
0x1b: {  	[tilespmem:s29+$0x2960] =	vst v0;
	s29 =	sshra.s32 s30, $0x2;
	s30 =	sadd.s32 $0x200, s30  }
0x1c: {  	[tilespmem:s29+$0x2970] =	vst v0  }
0x1d: {  	[tilespmem:s29+$0x2900] =	vst v0  }
0x1e: {  	[tilespmem:s29+$0x2910] =	vst v0  }
0x1f: {  	[tilespmem:s29+$0x2920] =	vst v0  }
0x20: {  	[tilespmem:s29+$0x2930] =	vst v0  }
0x21: {  	[tilespmem:s29+$0x2940] =	vst v0;
	p0 =	sne.s32 s7, $0x1  }
.Ltmp1:
0x22: {  	[tilespmem:s29+$0x2950] =	vst v0;
	(pc) =	sbr.rel @!p0 .LBB2_5-.Ltmp1, $4  }
0x23: {  	[tilespmem:s29+$0x2960] =	vst v0  }
0x24: {  	[spmem:s0] =	stream.linear.scatter [tilespmem:s15], [sflag:$0x5], $0x2800, $0x38;
	[tilespmem:$0x18A80] =	vst v63  }
0x25: {  	_ =	swait.ge [sflag:s16], $0x2800  }
0x26: {  	s29 =	sadd.s32 $0xFFFFFFFF, s7;
	s11 =	smov.u32 s0;
	[sflag:s16] =	ssyncset.done $0x0  }
.LBB2_4:
0x27: {  	p1 =	sne.s32 s29, $0x1;
	[sflag:s16] =	ssyncadd.s32 $0xFFFFD800;
	s11 =	sadd.s32 $0x28000, s11  }
.Ltmp2:
0x28: {  	s29 =	sadd.s32 $0xFFFFFFFF, s29;
	(pc) =	sbr.rel @p1 .LBB2_4-.Ltmp2, $4  }
0x29: {  	_ = 	snop  }
0x2a: {  	[spmem:s11] =	stream.linear.scatter [tilespmem:s15], [sflag:$0x5], $0x2800, $0x38;
	[tilespmem:$0x18A80] =	vst v63  }
0x2b: {  	_ =	swait.ge [sflag:s16], $0x2800  }
0x2c: {  	[sflag:s16] =	ssyncset.done $0x0  }
.LBB2_5:
0x2d: {  	[sflag:s16] =	ssyncadd.s32 $0xFFFFD800;
	s11 =	simm.s32 $0x0  }
0x2e: {  	[tilespmem:s11], [sflag:$0x1] =	stream.linear.gather [hbm4b:s8+s11], $0x50, $0x38;
	[tilespmem:$0x18A80] =	vst v63  }
0x2f: {  	_ = 	snop  }
0x30: {  	[tilespmem:s17], [sflag:$0x2] =	stream.linear.gather [hbm4b:s9+s11], $0x50, $0x38;
	[tilespmem:$0x18A80] =	vst v63  }
0x31: {  	[bflag:$0x0] =	sbarrier.arrive $0xFFFF  }
0x32: {  	_ =	swait.ge [sflag:s18], $0x50  }
0x33: {  	[sflag:s18] =	ssyncset.done $0x0  }
0x34: {  	[sflag:s18] =	ssyncadd.s32 $0xFFFFFFB0  }
0x35: {  	_ =	swait.ge [sflag:s19], $0x50  }
0x36: {  	[sflag:s19] =	ssyncset.done $0x0  }
0x37: {  	s31 =	sadd.s32 $0x0, s14;
	[sflag:s19] =	ssyncadd.s32 $0xFFFFFFB0  }
0x38: {  	[tilespmem:s20], [sflag:$0x3] =	stream.linear.gather [hbm4b:s31+s3], $0x50, $0x38;
	[tilespmem:$0x18A80] =	vst v63  }
0x39: {  	s4 =	sadd.s32 $0x0, s13  }
0x3a: {  	[tilespmem:s21], [sflag:$0x4] =	stream.linear.gather [hbm4b:s4+s3], $0x50, $0x38;
	[tilespmem:$0x18A80] =	vst v63  }
0x3b: {  	_ = 	snop  }
0x3c: {  	[tilespmem:s23], [sflag:$0x5] =	stream.indirect.gather [hbm4b:s1+s22], $0x80, s3, s22, $0xb8;
	[tilespmem:$0x18A80] =	vst v63  }
0x3d: {  	_ =	swait.ge [sflag:s16], $0x2800  }
0x3e: {  	[sflag:s16] =	ssyncset.done $0x0  }
0x3f: {  	[sflag:s16] =	ssyncadd.s32 $0xFFFFD800  }
0x40: {  	[spmem:s2] =	stream.indirect.scatter.add.f32 [tilespmem:s23], [sflag:$0x5], $0x80, s17, s22, $0xb8;
	[tilespmem:$0x18A80] =	vst v63  }
0x41: {  	_ =	swait.ge [sflag:s16], $0x2800  }
0x42: {  	[sflag:s16] =	ssyncset.done $0x0  }
0x43: {  	[sflag:s16] =	ssyncadd.s32 $0xFFFFD800  }
0x44: {  	_ =	swait.ge [sflag:s25], $0x50  }
0x45: {  	[sflag:s25] =	ssyncset.done $0x0  }
0x46: {  	[sflag:s25] =	ssyncadd.s32 $0xFFFFFFB0  }
0x47: {  	_ =	swait.ge [sflag:s26], $0x50  }
0x48: {  	s31 =	sshrl.u32 s12, $0x3;
	[sflag:s26] =	ssyncset.done $0x0  }
0x49: {  	s29 =	sadd.s32 s5, s31;
	[sflag:s26] =	ssyncadd.s32 $0xFFFFFFB0  }
0x4a: {  	[tilespmem:s3], [sflag:$0x1] =	stream.linear.gather [hbm4b:s29+s3], $0x50, $0x38;
	[tilespmem:$0x18A80] =	vst v63  }
0x4b: {  	s11 =	sadd.s32 s6, s31  }
0x4c: {  	[tilespmem:s17], [sflag:$0x2] =	stream.linear.gather [hbm4b:s11+s3], $0x50, $0x38;
	[tilespmem:$0x18A80] =	vst v63  }
0x4d: {  	_ = 	snop  }
0x4e: {  	[tilespmem:s23], [sflag:$0x5] =	stream.indirect.gather [hbm4b:s1+s22], $0x80, s20, s22, $0xb8;
	[tilespmem:$0x18A80] =	vst v63  }
0x4f: {  	_ =	swait.ge [sflag:s16], $0x2800  }
0x50: {  	[sflag:s16] =	ssyncset.done $0x0  }
0x51: {  	[sflag:s16] =	ssyncadd.s32 $0xFFFFD800  }
0x52: {  	[spmem:s2] =	stream.indirect.scatter.add.f32 [tilespmem:s23], [sflag:$0x5], $0x80, s21, s22, $0xb8;
	[tilespmem:$0x18A80] =	vst v63  }
0x53: {  	_ =	swait.ge [sflag:s16], $0x2800  }
0x54: {  	s30 =	smov.u32 s12;
	s29 =	simm.s32 $0x14;
	[sflag:s16] =	ssyncset.done $0x0  }
.LBB2_6:
0x55: {  	p1 =	sne.s32 s29, $0x4C4;
	[sflag:s16] =	ssyncadd.s32 $0xFFFFD800;
	s30 =	sadd.s32 $0xA0, s30  }
0x56: {  	s11 =	smov.u32 s29;
	s29 =	sadd.s32 $0x14, s29;
	_ =	swait.ge [sflag:s18], $0x50  }
0x57: {  	[sflag:s18] =	ssyncset.done $0x0  }
0x58: {  	[sflag:s18] =	ssyncadd.s32 $0xFFFFFFB0  }
0x59: {  	_ =	swait.ge [sflag:s19], $0x50  }
0x5a: {  	[sflag:s19] =	ssyncset.done $0x0  }
0x5b: {  	s31 =	sadd.s32 s11, s14;
	[sflag:s19] =	ssyncadd.s32 $0xFFFFFFB0  }
0x5c: {  	[tilespmem:s20], [sflag:$0x3] =	stream.linear.gather [hbm4b:s31+s3], $0x50, $0x38;
	[tilespmem:$0x18A80] =	vst v63  }
0x5d: {  	s11 =	sadd.s32 s11, s13  }
0x5e: {  	[tilespmem:s21], [sflag:$0x4] =	stream.linear.gather [hbm4b:s11+s3], $0x50, $0x38;
	[tilespmem:$0x18A80] =	vst v63  }
0x5f: {  	_ = 	snop  }
0x60: {  	[tilespmem:s23], [sflag:$0x5] =	stream.indirect.gather [hbm4b:s1+s22], $0x80, s3, s22, $0xb8;
	[tilespmem:$0x18A80] =	vst v63  }
0x61: {  	_ =	swait.ge [sflag:s16], $0x2800  }
0x62: {  	[sflag:s16] =	ssyncset.done $0x0  }
0x63: {  	[sflag:s16] =	ssyncadd.s32 $0xFFFFD800  }
0x64: {  	[spmem:s2] =	stream.indirect.scatter.add.f32 [tilespmem:s23], [sflag:$0x5], $0x80, s17, s22, $0xb8;
	[tilespmem:$0x18A80] =	vst v63  }
0x65: {  	_ =	swait.ge [sflag:s16], $0x2800  }
0x66: {  	[sflag:s16] =	ssyncset.done $0x0  }
0x67: {  	[sflag:s16] =	ssyncadd.s32 $0xFFFFD800  }
0x68: {  	_ =	swait.ge [sflag:s25], $0x50  }
0x69: {  	[sflag:s25] =	ssyncset.done $0x0  }
0x6a: {  	[sflag:s25] =	ssyncadd.s32 $0xFFFFFFB0  }
0x6b: {  	_ =	swait.ge [sflag:s26], $0x50  }
0x6c: {  	s11 =	sshrl.u32 s30, $0x3;
	[sflag:s26] =	ssyncset.done $0x0  }
0x6d: {  	s31 =	sadd.s32 s5, s11;
	[sflag:s26] =	ssyncadd.s32 $0xFFFFFFB0  }
0x6e: {  	[tilespmem:s3], [sflag:$0x1] =	stream.linear.gather [hbm4b:s31+s3], $0x50, $0x38;
	[tilespmem:$0x18A80] =	vst v63  }
0x6f: {  	s11 =	sadd.s32 s6, s11  }
0x70: {  	[tilespmem:s17], [sflag:$0x2] =	stream.linear.gather [hbm4b:s11+s3], $0x50, $0x38;
	[tilespmem:$0x18A80] =	vst v63  }
0x71: {  	_ = 	snop  }
0x72: {  	[tilespmem:s23], [sflag:$0x5] =	stream.indirect.gather [hbm4b:s1+s22], $0x80, s20, s22, $0xb8;
	[tilespmem:$0x18A80] =	vst v63  }
0x73: {  	_ =	swait.ge [sflag:s16], $0x2800  }
.Ltmp3:
0x74: {  	[sflag:s16] =	ssyncset.done $0x0;
	(pc) =	sbr.rel @p1 .LBB2_6-.Ltmp3, $4  }
0x75: {  	[sflag:s16] =	ssyncadd.s32 $0xFFFFD800  }
0x76: {  	[spmem:s2] =	stream.indirect.scatter.add.f32 [tilespmem:s23], [sflag:$0x5], $0x80, s21, s22, $0xb8;
	[tilespmem:$0x18A80] =	vst v63  }
0x77: {  	_ =	swait.ge [sflag:s16], $0x2800  }
0x78: {  	[sflag:s16] =	ssyncset.done $0x0  }
0x79: {  	[sflag:s16] =	ssyncadd.s32 $0xFFFFD800  }
0x7a: {  	_ =	swait.ge [sflag:s18], $0x50  }
0x7b: {  	[sflag:s18] =	ssyncset.done $0x0  }
0x7c: {  	[sflag:s18] =	ssyncadd.s32 $0xFFFFFFB0  }
0x7d: {  	_ =	swait.ge [sflag:s19], $0x50  }
0x7e: {  	[sflag:s19] =	ssyncset.done $0x0  }
0x7f: {  	[sflag:s19] =	ssyncadd.s32 $0xFFFFFFB0  }
0x80: {  	[tilespmem:s23], [sflag:$0x5] =	stream.indirect.gather [hbm4b:s1+s22], $0x80, s3, s22, $0xb8;
	[tilespmem:$0x18A80] =	vst v63  }
0x81: {  	_ =	swait.ge [sflag:s16], $0x2800  }
0x82: {  	[sflag:s16] =	ssyncset.done $0x0  }
0x83: {  	[sflag:s16] =	ssyncadd.s32 $0xFFFFD800  }
0x84: {  	[spmem:s2] =	stream.indirect.scatter.add.f32 [tilespmem:s23], [sflag:$0x5], $0x80, s17, s22, $0xb8;
	[tilespmem:$0x18A80] =	vst v63  }
0x85: {  	_ =	swait.ge [sflag:s16], $0x2800  }
.Ltmp4:
0x86: {  	s4 =	stileid.u32;
	[sflag:s16] =	ssyncset.done $0x0;
	(pc) =	sbr.rel @!p0 .LBB2_9-.Ltmp4, $4  }
0x87: {  	s30 =	sadd.s32 $0xFFFFFFFF, s7;
	s11 =	sshll.u32 s4, $0x6;
	[sflag:s16] =	ssyncadd.s32 $0xFFFFD800  }
0x88: {  	s4 =	sshrl.u32 s0, $0x3;
	s29 =	sor.u32 $0x1C05, s11;
	[bflag:$0x0] =	sbarrier.arrive $0xFFFF  }
0x89: {  	[hbm:s24], [sflag:s29] =	dma.local [spmem:s4], $0x500  }
0x8a: {  	s31 =	sadd.s32 $0x5000, s24;
	s11 =	smov.u32 s0;
	_ =	swait.ge [sflag:s16], $0x500  }
.LBB2_8:
0x8b: {  	[sflag:s16] =	ssyncset.done $0x0;
	s11 =	sadd.s32 $0x28000, s11;
	p0 =	sne.s32 s30, $0x1  }
.Ltmp5:
0x8c: {  	s4 =	sshrl.u32 s11, $0x3;
	[sflag:s16] =	ssyncadd.s32 $0xFFFFFB00;
	(pc) =	sbr.rel @p0 .LBB2_8-.Ltmp5, $3  }
0x8d: {  	[hbm:s31], [sflag:s29] =	dma.local [spmem:s4], $0x500  }
0x8e: {  	s30 =	sadd.s32 $0xFFFFFFFF, s30;
	_ =	sdelay $0x1  }
0x8f: {  	s31 =	sadd.s32 $0x5000, s31;
	_ =	swait.ge [sflag:s16], $0x500  }
.LBB2_9:
0x90: {  	s28 =	sadd.s32 $0x1, s28  }
0x91: {  	p0 =	sne.s32 s28, s10  }
.Ltmp6:
0x92: {  	_ = 	snop;
	(pc) =	sbr.rel @p0 .LBB2_1-.Ltmp6, $3  }
0x93: {  	_ =	sdelay $0x1  }
0x94: {  	[sflag:s16] =	ssyncset.done $0x0  }
0x95: {  	[sflag:s16] =	ssyncadd.s32 $0xFFFFFB00  }
0x96: {  	_ =	sfence.sel $0x180000  }
0x97: {  	[bflag:$0x0] =	sbarrier.arrive $0xFFFF  }
0x98: {  	_ =	strace $0x9000004A  }
0x99: {  	s0 =	stileid.u32;
	[bflag:$0x2] =	sbarrier.arrive $0xFFFF  }
0x9a: {  	p0 =	sne.s32 s0, $0x0;
	s0 =	rddreg [dreg:$0x3]  }
0x9b: {  	s0 =	sadd.s32 @!p0 $0x100000, s0  }
0x9c: {  	[sflag:s0] =	ssyncadd.tile.s32 @!p0 $0x1;
	_ =	shalt  }
.Lfunc_end2:
_tile_overlayer_lowered:
.L_overlay_start_2:
0x9d: {  	(tag) =	ssettag $0x2  }
0x9e: {  	s0 =	rddreg [dreg:$0x0];
	s2 =	stileid.u32  }
0x9f: {  	s1 =	rddreg [dreg:$0x1];
	p0 =	sne.s32 s2, $0x0  }
0xa0: {  	s3 =	rddreg [dreg:$0x2];
	[bflag:$0x3] =	sbarrier.arrive $0xFFFF;
	s2 =	simm.s32 @!p0 $0x1C05  }
0xa1: {  	[timem:s3], [sflag:s2] =	dma.local @!p0 [hbm:s0], s1  }
0xa2: {  	s0 =	simm.s32 @!p0 $0x5  }
0xa3: {  	_ =	swait.ge @!p0 [sflag:s0], s1  }
0xa4: {  	s1 =	ssub.s32 @!p0 $0x0, s1;
	[sflag:s0] =	ssyncset.done @!p0 $0x0  }
0xa5: {  	[sflag:s0] =	ssyncadd.s32 @!p0 s1  }
0xa6: {  	[bflag:$0x3] =	sbarrier.arrive $0xFFFF  }
0xa7: {  	_ =	shalt  }

</sc_bundles>
